<compile_context>
chip_gen: v7x
topology: tpu7x:2x2x1
jax: 0.10.2.dev20260603
libtpu: 0.0.44.dev20260713+nightly
codegen_flags: <defaults>
</compile_context>

<pallas_src>
import functools

import jax
import jax.numpy as jnp
from jax import lax
from jax.experimental import pallas as pl
from jax.experimental.pallas import tpu as pltpu
from jax.experimental.pallas import tpu_sc as plsc

EPS = 1e-5

NC = 2
NS = 16
LANES = 16


def _rel_body(rel_ref, wrel_ref, sig_ref, newrel_ref):
    r = rel_ref[...]
    sig_ref[...] = jax.nn.sigmoid(r)
    newrel_ref[...] = lax.dot_general(
        r, wrel_ref[...], (((1,), (1,)), ((), ())),
        preferred_element_type=jnp.float32)


def _fin_body(ent_ref, agg2_ref, cnt2_ref, ws_ref, wn_ref, g_ref, b_ref,
              out_ref):
    agg = agg2_ref[0] + agg2_ref[1]
    cnt = cnt2_ref[0, :, :1] + cnt2_ref[1, :, :1]
    agg = agg / jnp.maximum(cnt, 1.0)
    out = lax.dot_general(ent_ref[...], ws_ref[...],
                          (((1,), (1,)), ((), ())),
                          preferred_element_type=jnp.float32)
    out += lax.dot_general(agg, wn_ref[...], (((1,), (1,)), ((), ())),
                           preferred_element_type=jnp.float32)
    mean = jnp.mean(out, axis=0)
    var = jnp.mean((out - mean) ** 2, axis=0)
    out = (out - mean) * lax.rsqrt(var + EPS) * g_ref[...] + b_ref[...]
    out_ref[...] = jnp.maximum(out, 0.0)


def _make_sc_edge_kernel(N, D, E, R_TAB):
    NW = NC * NS
    EPW = E // NW
    C = 80
    NCHUNK = EPW // C
    assert EPW * NW == E and NCHUNK * C == EPW
    assert C % LANES == 0 and C % 8 == 0 and NCHUNK % 2 == 1 and NCHUNK > 3
    BKC = 5
    NBLK = NCHUNK // BKC
    assert NBLK * BKC == NCHUNK
    RPS0 = (N // NS) & ~7
    RPS1 = N - RPS0 * (NS - 1)
    assert RPS0 % 8 == 0 and RPS1 % 8 == 0
    DS = D // LANES

    mesh = plsc.VectorSubcoreMesh(core_axis_name="c", subcore_axis_name="s",
                                  num_cores=NC, num_subcores=NS)

    @functools.partial(
        pl.kernel,
        out_type=[
            jax.ShapeDtypeStruct((NC, N, D), jnp.float32),
            jax.ShapeDtypeStruct((NC, N, D), jnp.float32),
        ],
        mesh=mesh,
        scratch_types=[
            pltpu.VMEM_SHARED((N, D), jnp.float32),
            pltpu.VMEM_SHARED((104, D), jnp.float32),
            pltpu.VMEM((2 * C,), jnp.int32),
            pltpu.VMEM((2 * C,), jnp.int32),
            pltpu.VMEM((C,), jnp.int32),
            pltpu.VMEM((C,), jnp.int32),
            pltpu.VMEM((BKC * C,), jnp.int32),
            pltpu.VMEM((C, D), jnp.float32),
            pltpu.VMEM((C, D), jnp.float32),
            pltpu.VMEM((C, D), jnp.float32),
            pltpu.VMEM((C, D), jnp.float32),
            pltpu.SemaphoreType.DMA,
            pltpu.SemaphoreType.DMA,
            pltpu.SemaphoreType.DMA,
            pltpu.SemaphoreType.DMA,
            pltpu.SemaphoreType.DMA,
            pltpu.SemaphoreType.DMA,
            pltpu.SemaphoreType.DMA,
            pltpu.SemaphoreType.DMA,
            pltpu.SemaphoreType.DMA,
        ],
    )
    def sc_edges(ent_hbm, sig_hbm, gidx_hbm, dst_hbm,
                 agg_hbm, cnt_hbm,
                 agg_sp, sig_sp, gidx_a, gidx_b, didx_a, didx_b, dstblk,
                 rows_a, rows_b, sig_a, sig_b,
                 sga, sgb, sda, sdb, g1a, g2a, g1b, g2b, ssc):
        c = lax.axis_index("c")
        s = lax.axis_index("s")
        wid = s * NC + c

        zeros = jnp.zeros((LANES,), jnp.float32)
        ones = jnp.ones((LANES,), jnp.float32)

        def fill_zrow(r, _):
            for j in range(DS):
                rows_a[r, pl.ds(j * LANES, LANES)] = zeros
            return 0
        lax.fori_loop(0, C, fill_zrow, 0)

        row0 = pl.multiple_of(s * RPS0, 8)

        def _zero_stripe(nrows):
            nfull = nrows // C
            offs = [row0 + k * C for k in range(nfull)]
            if nrows % C:
                offs.append(row0 + nrows - C)
            for off in offs:
                pltpu.async_copy(rows_a, agg_sp.at[pl.ds(
                    pl.multiple_of(off, 8), C)], ssc)
            for off in offs:
                pltpu.make_async_copy(rows_a, agg_sp.at[pl.ds(
                    pl.multiple_of(off, 8), C)], ssc).wait()

        @pl.when(s == NS - 1)
        def _zero_last():
            _zero_stripe(RPS1)

        @pl.when(s != NS - 1)
        def _zero_main():
            _zero_stripe(RPS0)

        @pl.when(s == 0)
        def _stage_sig():
            pltpu.sync_copy(sig_hbm, sig_sp.at[pl.ds(0, R_TAB)])

        plsc.subcore_barrier()

        t0 = wid * NCHUNK
        e0 = wid * EPW
        gsets = ((gidx_a, sga), (gidx_b, sgb))
        dsets = ((didx_a, sda), (didx_b, sdb))
        rsets = ((rows_a, sig_a, g1a, g2a), (rows_b, sig_b, g1b, g2b))

        def gidx_issue(i, gs):
            off = pl.multiple_of((t0 + i) * (2 * C), 8)
            pltpu.async_copy(gidx_hbm.at[pl.ds(off, 2 * C)], gs[0], gs[1])

        def gidx_wait(i, gs):
            pltpu.make_async_copy(gidx_hbm.at[pl.ds(0, 2 * C)], gs[0],
                                  gs[1]).wait()

        def didx_issue(i, ds_):
            off = pl.multiple_of(e0 + i * C, 8)
            pltpu.async_copy(dst_hbm.at[pl.ds(off, C)], ds_[0], ds_[1])

        def didx_wait(ds_):
            pltpu.make_async_copy(dst_hbm.at[pl.ds(0, C)], ds_[0],
                                  ds_[1]).wait()

        def gathers_issue(gs, rs):
            gi, _ = gs
            rv, sv, s1, s2 = rs
            pltpu.async_copy(ent_hbm.at[gi.at[pl.ds(0, C)]], rv, s1)
            pltpu.async_copy(sig_sp.at[gi.at[pl.ds(C, C)]], sv, s2)

        def gathers_wait(gs, rs):
            gi, _ = gs
            rv, sv, s1, s2 = rs
            pltpu.make_async_copy(ent_hbm.at[gi.at[pl.ds(0, C)]], rv,
                                  s1).wait()
            pltpu.make_async_copy(sig_sp.at[gi.at[pl.ds(C, C)]], sv,
                                  s2).wait()

        def scatter_wait(ds_, rs):
            pltpu.make_async_copy(rs[0], agg_sp.at[ds_[0]], ssc).wait()

        def do_chunk(i, p, first, last):
            q = 1 - p
            gathers_wait(gsets[p], rsets[p])
            if not first:
                scatter_wait(dsets[q], rsets[q])
            if not last:
                @pl.when(i + 2 < NCHUNK)
                def _pf():
                    gidx_issue(i + 2, gsets[p])
                didx_issue(i + 1, dsets[q])
                gidx_wait(i + 1, gsets[q])
                gathers_issue(gsets[q], rsets[q])
            rv, sv = rsets[p][0], rsets[p][1]

            def edge_body(e, _):
                for j in range(DS):
                    sl = pl.ds(j * LANES, LANES)
                    rv[e, sl] = rv[e, sl] * sv[e, sl]
                return 0
            lax.fori_loop(0, C, edge_body, 0)
            didx_wait(dsets[p])
            pltpu.async_copy(rv, agg_sp.at[dsets[p][0]], ssc, add=True)

        gidx_issue(0, gsets[0])
        gidx_issue(1, gsets[1])
        didx_issue(0, dsets[0])
        gidx_wait(0, gsets[0])
        gathers_issue(gsets[0], rsets[0])

        def pair_body(jj, _):
            i = jj * 2

            @pl.when(jj == 0)
            def _p0():
                do_chunk(i, 0, True, False)

            @pl.when(jj != 0)
            def _pn():
                do_chunk(i, 0, False, False)

            do_chunk(i + 1, 1, False, False)
            return 0
        lax.fori_loop(0, NCHUNK // 2, pair_body, 0)
        do_chunk(NCHUNK - 1, 0, False, True)
        scatter_wait(dsets[0], rsets[0])

        plsc.subcore_barrier()

        @pl.when(s == NS - 1)
        def _flush_last():
            pltpu.sync_copy(agg_sp.at[pl.ds(row0, RPS1)],
                            agg_hbm.at[c, pl.ds(row0, RPS1)])

        @pl.when(s != NS - 1)
        def _flush_main():
            pltpu.sync_copy(agg_sp.at[pl.ds(row0, RPS0)],
                            agg_hbm.at[c, pl.ds(row0, RPS0)])

        def fill_zrow2(r, _):
            for j in range(DS):
                rows_a[r, pl.ds(j * LANES, LANES)] = zeros
                sig_a[r, pl.ds(j * LANES, LANES)] = ones
            return 0
        lax.fori_loop(0, C, fill_zrow2, 0)

        @pl.when(s == NS - 1)
        def _zero2_last():
            _zero_stripe(RPS1)

        @pl.when(s != NS - 1)
        def _zero2_main():
            _zero_stripe(RPS0)

        plsc.subcore_barrier()

        def blk_body(bi, _):
            off = pl.multiple_of(e0 + bi * (BKC * C), 8)
            pltpu.sync_copy(dst_hbm.at[pl.ds(off, BKC * C)], dstblk)
            for k in range(BKC):
                pltpu.async_copy(
                    sig_a, agg_sp.at[dstblk.at[pl.ds(k * C, C)]], ssc,
                    add=True)
            for k in range(BKC):
                pltpu.make_async_copy(
                    sig_a, agg_sp.at[dstblk.at[pl.ds(k * C, C)]],
                    ssc).wait()
            return 0
        lax.fori_loop(0, NBLK, blk_body, 0)

        plsc.subcore_barrier()

        @pl.when(s == NS - 1)
        def _flush2_last():
            pltpu.sync_copy(agg_sp.at[pl.ds(row0, RPS1)],
                            cnt_hbm.at[c, pl.ds(row0, RPS1)])

        @pl.when(s != NS - 1)
        def _flush2_main():
            pltpu.sync_copy(agg_sp.at[pl.ds(row0, RPS0)],
                            cnt_hbm.at[c, pl.ds(row0, RPS0)])

    return sc_edges


def kernel(ent_emb, rel_emb, W_self, W_neighbor, W_rel, gamma, beta,
           edge_index, edge_type):
    N, D = ent_emb.shape
    R = rel_emb.shape[0]
    E = edge_type.shape[0]
    src = edge_index[0]
    dst = edge_index[1]

    NW = NC * NS
    EPW = E // NW
    C = 80
    NCHUNK = EPW // C
    gidx_pack = jnp.stack(
        [src.reshape(NW, NCHUNK, C),
         edge_type.reshape(NW, NCHUNK, C)], axis=2).reshape(-1)

    sig_tab, new_rel = pl.pallas_call(
        _rel_body,
        out_shape=[
            jax.ShapeDtypeStruct((R, D), jnp.float32),
            jax.ShapeDtypeStruct((R, D), jnp.float32),
        ],
    )(rel_emb, W_rel)

    sc_edges = _make_sc_edge_kernel(N, D, E, R)
    agg2, cnt2 = sc_edges(ent_emb, sig_tab, gidx_pack, dst)

    out = pl.pallas_call(
        _fin_body,
        out_shape=jax.ShapeDtypeStruct((N, D), jnp.float32),
    )(ent_emb, agg2, cnt2, W_self, W_neighbor, gamma, beta)

    return (out, new_rel)

# --- scband reference (transcript-rebuilt; emitter-appended) ---
"""Pipeline reference for scband-comp-gcnlayer-23519240913461 (READ-ONLY COPY).

The authoritative reference and input builder live on the scoring server;
editing this copy changes nothing except your own understanding.
"""

import jax, jax.numpy as jnp
import numpy as np

N_NODES = 10000
N_EDGES = 320000
D = 128
N_REL = 100
EPS = 1e-5


def setup_inputs(seed: int = 0) -> dict:
    key = jax.random.key(seed)
    ks = jax.random.split(key, 8)
    ent_emb = jax.random.normal(ks[0], (N_NODES, D), dtype=jnp.float32)
    rel_emb = jax.random.normal(ks[1], (N_REL, D), dtype=jnp.float32)
    edge_index = jax.random.randint(ks[2], (2, N_EDGES), 0, N_NODES, dtype=jnp.int32)
    edge_type = jax.random.randint(ks[3], (N_EDGES,), 0, N_REL, dtype=jnp.int32)
    W_self = jax.random.normal(ks[4], (D, D), dtype=jnp.float32) * 0.05
    W_neighbor = jax.random.normal(ks[5], (D, D), dtype=jnp.float32) * 0.05
    W_rel = jax.random.normal(ks[6], (D, D), dtype=jnp.float32) * 0.05
    gamma = jnp.ones((D,), dtype=jnp.float32)
    beta = jnp.zeros((D,), dtype=jnp.float32)
    return {
        'ent_emb': ent_emb,
        'rel_emb': rel_emb,
        'W_self': W_self,
        'W_neighbor': W_neighbor,
        'W_rel': W_rel,
        'gamma': gamma,
        'beta': beta,
        'edge_index': edge_index,
        'edge_type': edge_type,
    }


def reference(ent_emb, rel_emb, W_self, W_neighbor, W_rel, gamma, beta, edge_index, edge_type):
    N = ent_emb.shape[0]
    src = edge_index[0]
    dst = edge_index[1]
    # gather relation and source-node embeddings (SparseCore gather)
    r_emb = jnp.take(rel_emb, edge_type, axis=0)
    src_emb = jnp.take(ent_emb, src, axis=0)
    neighbor_msg = src_emb * jax.nn.sigmoid(r_emb)
    # scatter-add aggregation by destination node
    agg = jnp.zeros((N, ent_emb.shape[1]), dtype=jnp.float32).at[dst].add(neighbor_msg)
    count = jnp.zeros((N, 1), dtype=jnp.float32).at[dst].add(jnp.ones((dst.shape[0], 1), dtype=jnp.float32))
    count = jnp.clip(count, 1.0, None)
    agg = agg / count
    # linear layers (nn.Linear: x @ W.T, no bias)
    out = ent_emb @ W_self.T + agg @ W_neighbor.T
    # BatchNorm1d in training mode: batch statistics, biased variance
    mean = jnp.mean(out, axis=0)
    var = jnp.var(out, axis=0)
    out = (out - mean) / jnp.sqrt(var + EPS) * gamma + beta
    out = jax.nn.relu(out)
    # dropout is identity in deterministic/eval reference
    new_rel = rel_emb @ W_rel.T
    return (out, new_rel)

if __name__ == "__main__":
    import jax
    _d = setup_inputs()
    print(jax.jit(kernel)(*tuple(_d.values())))

</pallas_src>

<mosaic_0001>
#map = affine_map<(d0, d1) -> (0, 0)>
#map1 = affine_map<(d0, d1) -> (0)>
#map2 = affine_map<(d0, d1) -> (0, 0, 0)>
module attributes {stable_mosaic.version = 14 : i64} {
  func.func @sc_edges(%arg0: i32, %arg1: i32, %arg2: memref<10000x128xf32, #tpu.memory_space<hbm>>, %arg3: memref<100x128xf32, #tpu.memory_space<hbm>>, %arg4: memref<640000xi32, #tpu.memory_space<hbm>>, %arg5: memref<320000xi32, #tpu.memory_space<hbm>>, %arg6: memref<2x10000x128xf32, #tpu.memory_space<hbm>>, %arg7: memref<2x10000x128xf32, #tpu.memory_space<hbm>>, %arg8: memref<10000x128xf32, #tpu.memory_space<vmem_shared>>, %arg9: memref<104x128xf32, #tpu.memory_space<vmem_shared>>, %arg10: memref<160xi32, #tpu.memory_space<vmem>>, %arg11: memref<160xi32, #tpu.memory_space<vmem>>, %arg12: memref<80xi32, #tpu.memory_space<vmem>>, %arg13: memref<80xi32, #tpu.memory_space<vmem>>, %arg14: memref<400xi32, #tpu.memory_space<vmem>>, %arg15: memref<80x128xf32, #tpu.memory_space<vmem>>, %arg16: memref<80x128xf32, #tpu.memory_space<vmem>>, %arg17: memref<80x128xf32, #tpu.memory_space<vmem>>, %arg18: memref<80x128xf32, #tpu.memory_space<vmem>>, %arg19: memref<!tpu.dma_semaphore, #tpu.memory_space<semaphore_mem>>, %arg20: memref<!tpu.dma_semaphore, #tpu.memory_space<semaphore_mem>>, %arg21: memref<!tpu.dma_semaphore, #tpu.memory_space<semaphore_mem>>, %arg22: memref<!tpu.dma_semaphore, #tpu.memory_space<semaphore_mem>>, %arg23: memref<!tpu.dma_semaphore, #tpu.memory_space<semaphore_mem>>, %arg24: memref<!tpu.dma_semaphore, #tpu.memory_space<semaphore_mem>>, %arg25: memref<!tpu.dma_semaphore, #tpu.memory_space<semaphore_mem>>, %arg26: memref<!tpu.dma_semaphore, #tpu.memory_space<semaphore_mem>>, %arg27: memref<!tpu.dma_semaphore, #tpu.memory_space<semaphore_mem>>) attributes {dimension_semantics = [#tpu.dimension_semantics<core_parallel>, #tpu.dimension_semantics<subcore_parallel>], iteration_bounds = array<i64: 2, 16>, scalar_prefetch = 0 : i64, scratch_operands = 20 : i64, tpu.core_type = #tpu.core_type<sc_vector_subcore>, window_params = [{transform_indices = #map}, {transform_indices = #map}, {transform_indices = #map1}, {transform_indices = #map1}, {transform_indices = #map2}, {transform_indices = #map2}]} {
    %mul3A = arith.constant 2 : i32
    %mul3A_0 = arith.muli %arg1, %mul3A : i32
    %add3A = arith.addi %mul3A_0, %arg0 : i32
    %broadcast_in_dim3A = arith.constant 0.000000e+00 : f32
    %broadcast_in_dim3A_1 = vector.broadcast %broadcast_in_dim3A : f32 to vector<16xf32>
    %broadcast_in_dim3A_2 = arith.constant 1.000000e+00 : f32
    %broadcast_in_dim3A_3 = vector.broadcast %broadcast_in_dim3A_2 : f32 to vector<16xf32>
    %scan3A = arith.constant 0 : i32
    %scan3A_4 = arith.constant 0 : i32
    %scan3A_5 = arith.constant 80 : i32
    %scan3A_6 = arith.addi %scan3A_4, %scan3A_5 : i32
    %scan3A_7 = arith.constant 1 : i32
    %scan3A_8 = scf.for %scan3A_142 = %scan3A_4 to %scan3A_6 step %scan3A_7 iter_args(%scan3A_143 = %scan3A) -> (i32)  : i32 {
      %swap3A = arith.index_cast %scan3A_142 : i32 to index
      %swap3A_144 = arith.constant 0 : index
      %swap3A_145 = tpu.vector_load %arg15[%swap3A, %swap3A_144] {strides = array<i32>} : memref<80x128xf32, #tpu.memory_space<vmem>>, vector<1x16xf32>,
      %swap3A_146 = vector.shape_cast %swap3A_145 : vector<1x16xf32> to vector<16xf32>
      %swap3A_147 = vector.shape_cast %broadcast_in_dim3A_1 : vector<16xf32> to vector<1x16xf32>
      tpu.vector_store %arg15[%swap3A, %swap3A_144], %swap3A_147 {strides = array<i32>} : memref<80x128xf32, #tpu.memory_space<vmem>>, vector<1x16xf32>,
      %swap3A_148 = arith.index_cast %scan3A_142 : i32 to index
      %swap3A_149 = arith.constant 16 : index
      %swap3A_150 = tpu.vector_load %arg15[%swap3A_148, %swap3A_149] {strides = array<i32>} : memref<80x128xf32, #tpu.memory_space<vmem>>, vector<1x16xf32>,
      %swap3A_151 = vector.shape_cast %swap3A_150 : vector<1x16xf32> to vector<16xf32>
      %swap3A_152 = vector.shape_cast %broadcast_in_dim3A_1 : vector<16xf32> to vector<1x16xf32>
      tpu.vector_store %arg15[%swap3A_148, %swap3A_149], %swap3A_152 {strides = array<i32>} : memref<80x128xf32, #tpu.memory_space<vmem>>, vector<1x16xf32>,
      %swap3A_153 = arith.index_cast %scan3A_142 : i32 to index
      %swap3A_154 = arith.constant 32 : index
      %swap3A_155 = tpu.vector_load %arg15[%swap3A_153, %swap3A_154] {strides = array<i32>} : memref<80x128xf32, #tpu.memory_space<vmem>>, vector<1x16xf32>,
      %swap3A_156 = vector.shape_cast %swap3A_155 : vector<1x16xf32> to vector<16xf32>
      %swap3A_157 = vector.shape_cast %broadcast_in_dim3A_1 : vector<16xf32> to vector<1x16xf32>
      tpu.vector_store %arg15[%swap3A_153, %swap3A_154], %swap3A_157 {strides = array<i32>} : memref<80x128xf32, #tpu.memory_space<vmem>>, vector<1x16xf32>,
      %swap3A_158 = arith.index_cast %scan3A_142 : i32 to index
      %swap3A_159 = arith.constant 48 : index
      %swap3A_160 = tpu.vector_load %arg15[%swap3A_158, %swap3A_159] {strides = array<i32>} : memref<80x128xf32, #tpu.memory_space<vmem>>, vector<1x16xf32>,
      %swap3A_161 = vector.shape_cast %swap3A_160 : vector<1x16xf32> to vector<16xf32>
      %swap3A_162 = vector.shape_cast %broadcast_in_dim3A_1 : vector<16xf32> to vector<1x16xf32>
      tpu.vector_store %arg15[%swap3A_158, %swap3A_159], %swap3A_162 {strides = array<i32>} : memref<80x128xf32, #tpu.memory_space<vmem>>, vector<1x16xf32>,
      %swap3A_163 = arith.index_cast %scan3A_142 : i32 to index
      %swap3A_164 = arith.constant 64 : index
      %swap3A_165 = tpu.vector_load %arg15[%swap3A_163, %swap3A_164] {strides = array<i32>} : memref<80x128xf32, #tpu.memory_space<vmem>>, vector<1x16xf32>,
      %swap3A_166 = vector.shape_cast %swap3A_165 : vector<1x16xf32> to vector<16xf32>
      %swap3A_167 = vector.shape_cast %broadcast_in_dim3A_1 : vector<16xf32> to vector<1x16xf32>
      tpu.vector_store %arg15[%swap3A_163, %swap3A_164], %swap3A_167 {strides = array<i32>} : memref<80x128xf32, #tpu.memory_space<vmem>>, vector<1x16xf32>,
      %swap3A_168 = arith.index_cast %scan3A_142 : i32 to index
      %swap3A_169 = arith.constant 80 : index
      %swap3A_170 = tpu.vector_load %arg15[%swap3A_168, %swap3A_169] {strides = array<i32>} : memref<80x128xf32, #tpu.memory_space<vmem>>, vector<1x16xf32>,
      %swap3A_171 = vector.shape_cast %swap3A_170 : vector<1x16xf32> to vector<16xf32>
      %swap3A_172 = vector.shape_cast %broadcast_in_dim3A_1 : vector<16xf32> to vector<1x16xf32>
      tpu.vector_store %arg15[%swap3A_168, %swap3A_169], %swap3A_172 {strides = array<i32>} : memref<80x128xf32, #tpu.memory_space<vmem>>, vector<1x16xf32>,
      %swap3A_173 = arith.index_cast %scan3A_142 : i32 to index
      %swap3A_174 = arith.constant 96 : index
      %swap3A_175 = tpu.vector_load %arg15[%swap3A_173, %swap3A_174] {strides = array<i32>} : memref<80x128xf32, #tpu.memory_space<vmem>>, vector<1x16xf32>,
      %swap3A_176 = vector.shape_cast %swap3A_175 : vector<1x16xf32> to vector<16xf32>
      %swap3A_177 = vector.shape_cast %broadcast_in_dim3A_1 : vector<16xf32> to vector<1x16xf32>
      tpu.vector_store %arg15[%swap3A_173, %swap3A_174], %swap3A_177 {strides = array<i32>} : memref<80x128xf32, #tpu.memory_space<vmem>>, vector<1x16xf32>,
      %swap3A_178 = arith.index_cast %scan3A_142 : i32 to index
      %swap3A_179 = arith.constant 112 : index
      %swap3A_180 = tpu.vector_load %arg15[%swap3A_178, %swap3A_179] {strides = array<i32>} : memref<80x128xf32, #tpu.memory_space<vmem>>, vector<1x16xf32>,
      %swap3A_181 = vector.shape_cast %swap3A_180 : vector<1x16xf32> to vector<16xf32>
      %swap3A_182 = vector.shape_cast %broadcast_in_dim3A_1 : vector<16xf32> to vector<1x16xf32>
      tpu.vector_store %arg15[%swap3A_178, %swap3A_179], %swap3A_182 {strides = array<i32>} : memref<80x128xf32, #tpu.memory_space<vmem>>, vector<1x16xf32>,
      %scan3A_183 = arith.constant 0 : i32
      scf.yield %scan3A_183 : i32
    }
    %scan3A_9 = arith.constant 80 : i32
    %mul3A_10 = arith.constant 624 : i32
    %mul3A_11 = arith.muli %arg1, %mul3A_10 : i32
    %multiple_of3A = tpu.assume_multiple %mul3A_11, 8 : i32
    %eq3A = arith.constant 15 : i32
    %eq3A_12 = arith.cmpi eq, %arg1, %eq3A : i32
    %convert_element_type3A = arith.extui %eq3A_12 : i1 to i32
    %cond3A = arith.constant 0 : i32
    %cond3A_13 = arith.cmpi ne, %convert_element_type3A, %cond3A : i32
    scf.if %cond3A_13 {
      %add3A_142 = arith.constant 0 : i32
      %add3A_143 = arith.addi %multiple_of3A, %add3A_142 : i32
      %add3A_144 = arith.constant 80 : i32
      %add3A_145 = arith.addi %multiple_of3A, %add3A_144 : i32
      %add3A_146 = arith.constant 160 : i32
      %add3A_147 = arith.addi %multiple_of3A, %add3A_146 : i32
      %add3A_148 = arith.constant 240 : i32
      %add3A_149 = arith.addi %multiple_of3A, %add3A_148 : i32
      %add3A_150 = arith.constant 320 : i32
      %add3A_151 = arith.addi %multiple_of3A, %add3A_150 : i32
      %add3A_152 = arith.constant 400 : i32
      %add3A_153 = arith.addi %multiple_of3A, %add3A_152 : i32
      %add3A_154 = arith.constant 480 : i32
      %add3A_155 = arith.addi %multiple_of3A, %add3A_154 : i32
      %add3A_156 = arith.constant 560 : i32
      %add3A_157 = arith.addi %multiple_of3A, %add3A_156 : i32
      %multiple_of3A_158 = tpu.assume_multiple %add3A_143, 8 : i32
      %dma_start3A_159 = arith.constant 0 : i32
      %dma_start3A_160 = tpu.memref_slice %arg8[%multiple_of3A_158, %dma_start3A_159] : memref<10000x128xf32, #tpu.memory_space<vmem_shared>> -> memref<80x128xf32, #tpu.memory_space<vmem_shared>>
      %dma_start3A_161 = arith.constant 0 : i32
      %dma_start3A_162 = tpu.memref_slice %arg8[%multiple_of3A_158, %dma_start3A_161] : memref<10000x128xf32, #tpu.memory_space<vmem_shared>> -> memref<80x128xf32, #tpu.memory_space<vmem_shared>>
      tpu.enqueue_dma source(%arg15 : memref<80x128xf32, #tpu.memory_space<vmem>>) target(%dma_start3A_162 : memref<80x128xf32, #tpu.memory_space<vmem_shared>>) target_semaphore(%arg27 : memref<!tpu.dma_semaphore, #tpu.memory_space<semaphore_mem>>)
      %multiple_of3A_163 = tpu.assume_multiple %add3A_145, 8 : i32
      %dma_start3A_164 = arith.constant 0 : i32
      %dma_start3A_165 = tpu.memref_slice %arg8[%multiple_of3A_163, %dma_start3A_164] : memref<10000x128xf32, #tpu.memory_space<vmem_shared>> -> memref<80x128xf32, #tpu.memory_space<vmem_shared>>
      %dma_start3A_166 = arith.constant 0 : i32
      %dma_start3A_167 = tpu.memref_slice %arg8[%multiple_of3A_163, %dma_start3A_166] : memref<10000x128xf32, #tpu.memory_space<vmem_shared>> -> memref<80x128xf32, #tpu.memory_space<vmem_shared>>
      tpu.enqueue_dma source(%arg15 : memref<80x128xf32, #tpu.memory_space<vmem>>) target(%dma_start3A_167 : memref<80x128xf32, #tpu.memory_space<vmem_shared>>) target_semaphore(%arg27 : memref<!tpu.dma_semaphore, #tpu.memory_space<semaphore_mem>>)
      %multiple_of3A_168 = tpu.assume_multiple %add3A_147, 8 : i32
      %dma_start3A_169 = arith.constant 0 : i32
      %dma_start3A_170 = tpu.memref_slice %arg8[%multiple_of3A_168, %dma_start3A_169] : memref<10000x128xf32, #tpu.memory_space<vmem_shared>> -> memref<80x128xf32, #tpu.memory_space<vmem_shared>>
      %dma_start3A_171 = arith.constant 0 : i32
      %dma_start3A_172 = tpu.memref_slice %arg8[%multiple_of3A_168, %dma_start3A_171] : memref<10000x128xf32, #tpu.memory_space<vmem_shared>> -> memref<80x128xf32, #tpu.memory_space<vmem_shared>>
      tpu.enqueue_dma source(%arg15 : memref<80x128xf32, #tpu.memory_space<vmem>>) target(%dma_start3A_172 : memref<80x128xf32, #tpu.memory_space<vmem_shared>>) target_semaphore(%arg27 : memref<!tpu.dma_semaphore, #tpu.memory_space<semaphore_mem>>)
      %multiple_of3A_173 = tpu.assume_multiple %add3A_149, 8 : i32
      %dma_start3A_174 = arith.constant 0 : i32
      %dma_start3A_175 = tpu.memref_slice %arg8[%multiple_of3A_173, %dma_start3A_174] : memref<10000x128xf32, #tpu.memory_space<vmem_shared>> -> memref<80x128xf32, #tpu.memory_space<vmem_shared>>
      %dma_start3A_176 = arith.constant 0 : i32
      %dma_start3A_177 = tpu.memref_slice %arg8[%multiple_of3A_173, %dma_start3A_176] : memref<10000x128xf32, #tpu.memory_space<vmem_shared>> -> memref<80x128xf32, #tpu.memory_space<vmem_shared>>
      tpu.enqueue_dma source(%arg15 : memref<80x128xf32, #tpu.memory_space<vmem>>) target(%dma_start3A_177 : memref<80x128xf32, #tpu.memory_space<vmem_shared>>) target_semaphore(%arg27 : memref<!tpu.dma_semaphore, #tpu.memory_space<semaphore_mem>>)
      %multiple_of3A_178 = tpu.assume_multiple %add3A_151, 8 : i32
      %dma_start3A_179 = arith.constant 0 : i32
      %dma_start3A_180 = tpu.memref_slice %arg8[%multiple_of3A_178, %dma_start3A_179] : memref<10000x128xf32, #tpu.memory_space<vmem_shared>> -> memref<80x128xf32, #tpu.memory_space<vmem_shared>>
      %dma_start3A_181 = arith.constant 0 : i32
      %dma_start3A_182 = tpu.memref_slice %arg8[%multiple_of3A_178, %dma_start3A_181] : memref<10000x128xf32, #tpu.memory_space<vmem_shared>> -> memref<80x128xf32, #tpu.memory_space<vmem_shared>>
      tpu.enqueue_dma source(%arg15 : memref<80x128xf32, #tpu.memory_space<vmem>>) target(%dma_start3A_182 : memref<80x128xf32, #tpu.memory_space<vmem_shared>>) target_semaphore(%arg27 : memref<!tpu.dma_semaphore, #tpu.memory_space<semaphore_mem>>)
      %multiple_of3A_183 = tpu.assume_multiple %add3A_153, 8 : i32
      %dma_start3A_184 = arith.constant 0 : i32
      %dma_start3A_185 = tpu.memref_slice %arg8[%multiple_of3A_183, %dma_start3A_184] : memref<10000x128xf32, #tpu.memory_space<vmem_shared>> -> memref<80x128xf32, #tpu.memory_space<vmem_shared>>
      %dma_start3A_186 = arith.constant 0 : i32
      %dma_start3A_187 = tpu.memref_slice %arg8[%multiple_of3A_183, %dma_start3A_186] : memref<10000x128xf32, #tpu.memory_space<vmem_shared>> -> memref<80x128xf32, #tpu.memory_space<vmem_shared>>
      tpu.enqueue_dma source(%arg15 : memref<80x128xf32, #tpu.memory_space<vmem>>) target(%dma_start3A_187 : memref<80x128xf32, #tpu.memory_space<vmem_shared>>) target_semaphore(%arg27 : memref<!tpu.dma_semaphore, #tpu.memory_space<semaphore_mem>>)
      %multiple_of3A_188 = tpu.assume_multiple %add3A_155, 8 : i32
      %dma_start3A_189 = arith.constant 0 : i32
      %dma_start3A_190 = tpu.memref_slice %arg8[%multiple_of3A_188, %dma_start3A_189] : memref<10000x128xf32, #tpu.memory_space<vmem_shared>> -> memref<80x128xf32, #tpu.memory_space<vmem_shared>>
      %dma_start3A_191 = arith.constant 0 : i32
      %dma_start3A_192 = tpu.memref_slice %arg8[%multiple_of3A_188, %dma_start3A_191] : memref<10000x128xf32, #tpu.memory_space<vmem_shared>> -> memref<80x128xf32, #tpu.memory_space<vmem_shared>>
      tpu.enqueue_dma source(%arg15 : memref<80x128xf32, #tpu.memory_space<vmem>>) target(%dma_start3A_192 : memref<80x128xf32, #tpu.memory_space<vmem_shared>>) target_semaphore(%arg27 : memref<!tpu.dma_semaphore, #tpu.memory_space<semaphore_mem>>)
      %multiple_of3A_193 = tpu.assume_multiple %add3A_157, 8 : i32
      %dma_start3A_194 = arith.constant 0 : i32
      %dma_start3A_195 = tpu.memref_slice %arg8[%multiple_of3A_193, %dma_start3A_194] : memref<10000x128xf32, #tpu.memory_space<vmem_shared>> -> memref<80x128xf32, #tpu.memory_space<vmem_shared>>
      %dma_start3A_196 = arith.constant 0 : i32
      %dma_start3A_197 = tpu.memref_slice %arg8[%multiple_of3A_193, %dma_start3A_196] : memref<10000x128xf32, #tpu.memory_space<vmem_shared>> -> memref<80x128xf32, #tpu.memory_space<vmem_shared>>
      tpu.enqueue_dma source(%arg15 : memref<80x128xf32, #tpu.memory_space<vmem>>) target(%dma_start3A_197 : memref<80x128xf32, #tpu.memory_space<vmem_shared>>) target_semaphore(%arg27 : memref<!tpu.dma_semaphore, #tpu.memory_space<semaphore_mem>>)
      %multiple_of3A_198 = tpu.assume_multiple %add3A_143, 8 : i32
      %dma_wait3A_199 = arith.constant 0 : i32
      %dma_wait3A_200 = tpu.memref_slice %arg8[%multiple_of3A_198, %dma_wait3A_199] : memref<10000x128xf32, #tpu.memory_space<vmem_shared>> -> memref<80x128xf32, #tpu.memory_space<vmem_shared>>
      %dma_wait3A_201 = arith.constant 0 : i32
      %dma_wait3A_202 = tpu.memref_slice %arg8[%multiple_of3A_198, %dma_wait3A_201] : memref<10000x128xf32, #tpu.memory_space<vmem_shared>> -> memref<80x128xf32, #tpu.memory_space<vmem_shared>>
      tpu.wait_dma2 semaphore(%arg27 : memref<!tpu.dma_semaphore, #tpu.memory_space<semaphore_mem>>) src(%arg15 : memref<80x128xf32, #tpu.memory_space<vmem>>) dst(%dma_wait3A_202 : memref<80x128xf32, #tpu.memory_space<vmem_shared>>)
      %multiple_of3A_203 = tpu.assume_multiple %add3A_145, 8 : i32
      %dma_wait3A_204 = arith.constant 0 : i32
      %dma_wait3A_205 = tpu.memref_slice %arg8[%multiple_of3A_203, %dma_wait3A_204] : memref<10000x128xf32, #tpu.memory_space<vmem_shared>> -> memref<80x128xf32, #tpu.memory_space<vmem_shared>>
      %dma_wait3A_206 = arith.constant 0 : i32
      %dma_wait3A_207 = tpu.memref_slice %arg8[%multiple_of3A_203, %dma_wait3A_206] : memref<10000x128xf32, #tpu.memory_space<vmem_shared>> -> memref<80x128xf32, #tpu.memory_space<vmem_shared>>
      tpu.wait_dma2 semaphore(%arg27 : memref<!tpu.dma_semaphore, #tpu.memory_space<semaphore_mem>>) src(%arg15 : memref<80x128xf32, #tpu.memory_space<vmem>>) dst(%dma_wait3A_207 : memref<80x128xf32, #tpu.memory_space<vmem_shared>>)
      %multiple_of3A_208 = tpu.assume_multiple %add3A_147, 8 : i32
      %dma_wait3A_209 = arith.constant 0 : i32
      %dma_wait3A_210 = tpu.memref_slice %arg8[%multiple_of3A_208, %dma_wait3A_209] : memref<10000x128xf32, #tpu.memory_space<vmem_shared>> -> memref<80x128xf32, #tpu.memory_space<vmem_shared>>
      %dma_wait3A_211 = arith.constant 0 : i32
      %dma_wait3A_212 = tpu.memref_slice %arg8[%multiple_of3A_208, %dma_wait3A_211] : memref<10000x128xf32, #tpu.memory_space<vmem_shared>> -> memref<80x128xf32, #tpu.memory_space<vmem_shared>>
      tpu.wait_dma2 semaphore(%arg27 : memref<!tpu.dma_semaphore, #tpu.memory_space<semaphore_mem>>) src(%arg15 : memref<80x128xf32, #tpu.memory_space<vmem>>) dst(%dma_wait3A_212 : memref<80x128xf32, #tpu.memory_space<vmem_shared>>)
      %multiple_of3A_213 = tpu.assume_multiple %add3A_149, 8 : i32
      %dma_wait3A_214 = arith.constant 0 : i32
      %dma_wait3A_215 = tpu.memref_slice %arg8[%multiple_of3A_213, %dma_wait3A_214] : memref<10000x128xf32, #tpu.memory_space<vmem_shared>> -> memref<80x128xf32, #tpu.memory_space<vmem_shared>>
      %dma_wait3A_216 = arith.constant 0 : i32
      %dma_wait3A_217 = tpu.memref_slice %arg8[%multiple_of3A_213, %dma_wait3A_216] : memref<10000x128xf32, #tpu.memory_space<vmem_shared>> -> memref<80x128xf32, #tpu.memory_space<vmem_shared>>
      tpu.wait_dma2 semaphore(%arg27 : memref<!tpu.dma_semaphore, #tpu.memory_space<semaphore_mem>>) src(%arg15 : memref<80x128xf32, #tpu.memory_space<vmem>>) dst(%dma_wait3A_217 : memref<80x128xf32, #tpu.memory_space<vmem_shared>>)
      %multiple_of3A_218 = tpu.assume_multiple %add3A_151, 8 : i32
      %dma_wait3A_219 = arith.constant 0 : i32
      %dma_wait3A_220 = tpu.memref_slice %arg8[%multiple_of3A_218, %dma_wait3A_219] : memref<10000x128xf32, #tpu.memory_space<vmem_shared>> -> memref<80x128xf32, #tpu.memory_space<vmem_shared>>
      %dma_wait3A_221 = arith.constant 0 : i32
      %dma_wait3A_222 = tpu.memref_slice %arg8[%multiple_of3A_218, %dma_wait3A_221] : memref<10000x128xf32, #tpu.memory_space<vmem_shared>> -> memref<80x128xf32, #tpu.memory_space<vmem_shared>>
      tpu.wait_dma2 semaphore(%arg27 : memref<!tpu.dma_semaphore, #tpu.memory_space<semaphore_mem>>) src(%arg15 : memref<80x128xf32, #tpu.memory_space<vmem>>) dst(%dma_wait3A_222 : memref<80x128xf32, #tpu.memory_space<vmem_shared>>)
      %multiple_of3A_223 = tpu.assume_multiple %add3A_153, 8 : i32
      %dma_wait3A_224 = arith.constant 0 : i32
      %dma_wait3A_225 = tpu.memref_slice %arg8[%multiple_of3A_223, %dma_wait3A_224] : memref<10000x128xf32, #tpu.memory_space<vmem_shared>> -> memref<80x128xf32, #tpu.memory_space<vmem_shared>>
      %dma_wait3A_226 = arith.constant 0 : i32
      %dma_wait3A_227 = tpu.memref_slice %arg8[%multiple_of3A_223, %dma_wait3A_226] : memref<10000x128xf32, #tpu.memory_space<vmem_shared>> -> memref<80x128xf32, #tpu.memory_space<vmem_shared>>
      tpu.wait_dma2 semaphore(%arg27 : memref<!tpu.dma_semaphore, #tpu.memory_space<semaphore_mem>>) src(%arg15 : memref<80x128xf32, #tpu.memory_space<vmem>>) dst(%dma_wait3A_227 : memref<80x128xf32, #tpu.memory_space<vmem_shared>>)
      %multiple_of3A_228 = tpu.assume_multiple %add3A_155, 8 : i32
      %dma_wait3A_229 = arith.constant 0 : i32
      %dma_wait3A_230 = tpu.memref_slice %arg8[%multiple_of3A_228, %dma_wait3A_229] : memref<10000x128xf32, #tpu.memory_space<vmem_shared>> -> memref<80x128xf32, #tpu.memory_space<vmem_shared>>
      %dma_wait3A_231 = arith.constant 0 : i32
      %dma_wait3A_232 = tpu.memref_slice %arg8[%multiple_of3A_228, %dma_wait3A_231] : memref<10000x128xf32, #tpu.memory_space<vmem_shared>> -> memref<80x128xf32, #tpu.memory_space<vmem_shared>>
      tpu.wait_dma2 semaphore(%arg27 : memref<!tpu.dma_semaphore, #tpu.memory_space<semaphore_mem>>) src(%arg15 : memref<80x128xf32, #tpu.memory_space<vmem>>) dst(%dma_wait3A_232 : memref<80x128xf32, #tpu.memory_space<vmem_shared>>)
      %multiple_of3A_233 = tpu.assume_multiple %add3A_157, 8 : i32
      %dma_wait3A_234 = arith.constant 0 : i32
      %dma_wait3A_235 = tpu.memref_slice %arg8[%multiple_of3A_233, %dma_wait3A_234] : memref<10000x128xf32, #tpu.memory_space<vmem_shared>> -> memref<80x128xf32, #tpu.memory_space<vmem_shared>>
      %dma_wait3A_236 = arith.constant 0 : i32
      %dma_wait3A_237 = tpu.memref_slice %arg8[%multiple_of3A_233, %dma_wait3A_236] : memref<10000x128xf32, #tpu.memory_space<vmem_shared>> -> memref<80x128xf32, #tpu.memory_space<vmem_shared>>
      tpu.wait_dma2 semaphore(%arg27 : memref<!tpu.dma_semaphore, #tpu.memory_space<semaphore_mem>>) src(%arg15 : memref<80x128xf32, #tpu.memory_space<vmem>>) dst(%dma_wait3A_237 : memref<80x128xf32, #tpu.memory_space<vmem_shared>>)
    } else {
    }
    %ne3A = arith.constant 15 : i32
    %ne3A_14 = arith.cmpi ne, %arg1, %ne3A : i32
    %convert_element_type3A_15 = arith.extui %ne3A_14 : i1 to i32
    %cond3A_16 = arith.constant 0 : i32
    %cond3A_17 = arith.cmpi ne, %convert_element_type3A_15, %cond3A_16 : i32
    scf.if %cond3A_17 {
      %add3A_142 = arith.constant 0 : i32
      %add3A_143 = arith.addi %multiple_of3A, %add3A_142 : i32
      %add3A_144 = arith.constant 80 : i32
      %add3A_145 = arith.addi %multiple_of3A, %add3A_144 : i32
      %add3A_146 = arith.constant 160 : i32
      %add3A_147 = arith.addi %multiple_of3A, %add3A_146 : i32
      %add3A_148 = arith.constant 240 : i32
      %add3A_149 = arith.addi %multiple_of3A, %add3A_148 : i32
      %add3A_150 = arith.constant 320 : i32
      %add3A_151 = arith.addi %multiple_of3A, %add3A_150 : i32
      %add3A_152 = arith.constant 400 : i32
      %add3A_153 = arith.addi %multiple_of3A, %add3A_152 : i32
      %add3A_154 = arith.constant 480 : i32
      %add3A_155 = arith.addi %multiple_of3A, %add3A_154 : i32
      %add3A_156 = arith.constant 624 : i32
      %add3A_157 = arith.addi %multiple_of3A, %add3A_156 : i32
      %sub3A = arith.constant 80 : i32
      %sub3A_158 = arith.subi %add3A_157, %sub3A : i32
      %multiple_of3A_159 = tpu.assume_multiple %add3A_143, 8 : i32
      %dma_start3A_160 = arith.constant 0 : i32
      %dma_start3A_161 = tpu.memref_slice %arg8[%multiple_of3A_159, %dma_start3A_160] : memref<10000x128xf32, #tpu.memory_space<vmem_shared>> -> memref<80x128xf32, #tpu.memory_space<vmem_shared>>
      %dma_start3A_162 = arith.constant 0 : i32
      %dma_start3A_163 = tpu.memref_slice %arg8[%multiple_of3A_159, %dma_start3A_162] : memref<10000x128xf32, #tpu.memory_space<vmem_shared>> -> memref<80x128xf32, #tpu.memory_space<vmem_shared>>
      tpu.enqueue_dma source(%arg15 : memref<80x128xf32, #tpu.memory_space<vmem>>) target(%dma_start3A_163 : memref<80x128xf32, #tpu.memory_space<vmem_shared>>) target_semaphore(%arg27 : memref<!tpu.dma_semaphore, #tpu.memory_space<semaphore_mem>>)
      %multiple_of3A_164 = tpu.assume_multiple %add3A_145, 8 : i32
      %dma_start3A_165 = arith.constant 0 : i32
      %dma_start3A_166 = tpu.memref_slice %arg8[%multiple_of3A_164, %dma_start3A_165] : memref<10000x128xf32, #tpu.memory_space<vmem_shared>> -> memref<80x128xf32, #tpu.memory_space<vmem_shared>>
      %dma_start3A_167 = arith.constant 0 : i32
      %dma_start3A_168 = tpu.memref_slice %arg8[%multiple_of3A_164, %dma_start3A_167] : memref<10000x128xf32, #tpu.memory_space<vmem_shared>> -> memref<80x128xf32, #tpu.memory_space<vmem_shared>>
      tpu.enqueue_dma source(%arg15 : memref<80x128xf32, #tpu.memory_space<vmem>>) target(%dma_start3A_168 : memref<80x128xf32, #tpu.memory_space<vmem_shared>>) target_semaphore(%arg27 : memref<!tpu.dma_semaphore, #tpu.memory_space<semaphore_mem>>)
      %multiple_of3A_169 = tpu.assume_multiple %add3A_147, 8 : i32
      %dma_start3A_170 = arith.constant 0 : i32
      %dma_start3A_171 = tpu.memref_slice %arg8[%multiple_of3A_169, %dma_start3A_170] : memref<10000x128xf32, #tpu.memory_space<vmem_shared>> -> memref<80x128xf32, #tpu.memory_space<vmem_shared>>
      %dma_start3A_172 = arith.constant 0 : i32
      %dma_start3A_173 = tpu.memref_slice %arg8[%multiple_of3A_169, %dma_start3A_172] : memref<10000x128xf32, #tpu.memory_space<vmem_shared>> -> memref<80x128xf32, #tpu.memory_space<vmem_shared>>
      tpu.enqueue_dma source(%arg15 : memref<80x128xf32, #tpu.memory_space<vmem>>) target(%dma_start3A_173 : memref<80x128xf32, #tpu.memory_space<vmem_shared>>) target_semaphore(%arg27 : memref<!tpu.dma_semaphore, #tpu.memory_space<semaphore_mem>>)
      %multiple_of3A_174 = tpu.assume_multiple %add3A_149, 8 : i32
      %dma_start3A_175 = arith.constant 0 : i32
      %dma_start3A_176 = tpu.memref_slice %arg8[%multiple_of3A_174, %dma_start3A_175] : memref<10000x128xf32, #tpu.memory_space<vmem_shared>> -> memref<80x128xf32, #tpu.memory_space<vmem_shared>>
      %dma_start3A_177 = arith.constant 0 : i32
      %dma_start3A_178 = tpu.memref_slice %arg8[%multiple_of3A_174, %dma_start3A_177] : memref<10000x128xf32, #tpu.memory_space<vmem_shared>> -> memref<80x128xf32, #tpu.memory_space<vmem_shared>>
      tpu.enqueue_dma source(%arg15 : memref<80x128xf32, #tpu.memory_space<vmem>>) target(%dma_start3A_178 : memref<80x128xf32, #tpu.memory_space<vmem_shared>>) target_semaphore(%arg27 : memref<!tpu.dma_semaphore, #tpu.memory_space<semaphore_mem>>)
      %multiple_of3A_179 = tpu.assume_multiple %add3A_151, 8 : i32
      %dma_start3A_180 = arith.constant 0 : i32
      %dma_start3A_181 = tpu.memref_slice %arg8[%multiple_of3A_179, %dma_start3A_180] : memref<10000x128xf32, #tpu.memory_space<vmem_shared>> -> memref<80x128xf32, #tpu.memory_space<vmem_shared>>
      %dma_start3A_182 = arith.constant 0 : i32
      %dma_start3A_183 = tpu.memref_slice %arg8[%multiple_of3A_179, %dma_start3A_182] : memref<10000x128xf32, #tpu.memory_space<vmem_shared>> -> memref<80x128xf32, #tpu.memory_space<vmem_shared>>
      tpu.enqueue_dma source(%arg15 : memref<80x128xf32, #tpu.memory_space<vmem>>) target(%dma_start3A_183 : memref<80x128xf32, #tpu.memory_space<vmem_shared>>) target_semaphore(%arg27 : memref<!tpu.dma_semaphore, #tpu.memory_space<semaphore_mem>>)
      %multiple_of3A_184 = tpu.assume_multiple %add3A_153, 8 : i32
      %dma_start3A_185 = arith.constant 0 : i32
      %dma_start3A_186 = tpu.memref_slice %arg8[%multiple_of3A_184, %dma_start3A_185] : memref<10000x128xf32, #tpu.memory_space<vmem_shared>> -> memref<80x128xf32, #tpu.memory_space<vmem_shared>>
      %dma_start3A_187 = arith.constant 0 : i32
      %dma_start3A_188 = tpu.memref_slice %arg8[%multiple_of3A_184, %dma_start3A_187] : memref<10000x128xf32, #tpu.memory_space<vmem_shared>> -> memref<80x128xf32, #tpu.memory_space<vmem_shared>>
      tpu.enqueue_dma source(%arg15 : memref<80x128xf32, #tpu.memory_space<vmem>>) target(%dma_start3A_188 : memref<80x128xf32, #tpu.memory_space<vmem_shared>>) target_semaphore(%arg27 : memref<!tpu.dma_semaphore, #tpu.memory_space<semaphore_mem>>)
      %multiple_of3A_189 = tpu.assume_multiple %add3A_155, 8 : i32
      %dma_start3A_190 = arith.constant 0 : i32
      %dma_start3A_191 = tpu.memref_slice %arg8[%multiple_of3A_189, %dma_start3A_190] : memref<10000x128xf32, #tpu.memory_space<vmem_shared>> -> memref<80x128xf32, #tpu.memory_space<vmem_shared>>
      %dma_start3A_192 = arith.constant 0 : i32
      %dma_start3A_193 = tpu.memref_slice %arg8[%multiple_of3A_189, %dma_start3A_192] : memref<10000x128xf32, #tpu.memory_space<vmem_shared>> -> memref<80x128xf32, #tpu.memory_space<vmem_shared>>
      tpu.enqueue_dma source(%arg15 : memref<80x128xf32, #tpu.memory_space<vmem>>) target(%dma_start3A_193 : memref<80x128xf32, #tpu.memory_space<vmem_shared>>) target_semaphore(%arg27 : memref<!tpu.dma_semaphore, #tpu.memory_space<semaphore_mem>>)
      %multiple_of3A_194 = tpu.assume_multiple %sub3A_158, 8 : i32
      %dma_start3A_195 = arith.constant 0 : i32
      %dma_start3A_196 = tpu.memref_slice %arg8[%multiple_of3A_194, %dma_start3A_195] : memref<10000x128xf32, #tpu.memory_space<vmem_shared>> -> memref<80x128xf32, #tpu.memory_space<vmem_shared>>
      %dma_start3A_197 = arith.constant 0 : i32
      %dma_start3A_198 = tpu.memref_slice %arg8[%multiple_of3A_194, %dma_start3A_197] : memref<10000x128xf32, #tpu.memory_space<vmem_shared>> -> memref<80x128xf32, #tpu.memory_space<vmem_shared>>
      tpu.enqueue_dma source(%arg15 : memref<80x128xf32, #tpu.memory_space<vmem>>) target(%dma_start3A_198 : memref<80x128xf32, #tpu.memory_space<vmem_shared>>) target_semaphore(%arg27 : memref<!tpu.dma_semaphore, #tpu.memory_space<semaphore_mem>>)
      %multiple_of3A_199 = tpu.assume_multiple %add3A_143, 8 : i32
      %dma_wait3A_200 = arith.constant 0 : i32
      %dma_wait3A_201 = tpu.memref_slice %arg8[%multiple_of3A_199, %dma_wait3A_200] : memref<10000x128xf32, #tpu.memory_space<vmem_shared>> -> memref<80x128xf32, #tpu.memory_space<vmem_shared>>
      %dma_wait3A_202 = arith.constant 0 : i32
      %dma_wait3A_203 = tpu.memref_slice %arg8[%multiple_of3A_199, %dma_wait3A_202] : memref<10000x128xf32, #tpu.memory_space<vmem_shared>> -> memref<80x128xf32, #tpu.memory_space<vmem_shared>>
      tpu.wait_dma2 semaphore(%arg27 : memref<!tpu.dma_semaphore, #tpu.memory_space<semaphore_mem>>) src(%arg15 : memref<80x128xf32, #tpu.memory_space<vmem>>) dst(%dma_wait3A_203 : memref<80x128xf32, #tpu.memory_space<vmem_shared>>)
      %multiple_of3A_204 = tpu.assume_multiple %add3A_145, 8 : i32
      %dma_wait3A_205 = arith.constant 0 : i32
      %dma_wait3A_206 = tpu.memref_slice %arg8[%multiple_of3A_204, %dma_wait3A_205] : memref<10000x128xf32, #tpu.memory_space<vmem_shared>> -> memref<80x128xf32, #tpu.memory_space<vmem_shared>>
      %dma_wait3A_207 = arith.constant 0 : i32
      %dma_wait3A_208 = tpu.memref_slice %arg8[%multiple_of3A_204, %dma_wait3A_207] : memref<10000x128xf32, #tpu.memory_space<vmem_shared>> -> memref<80x128xf32, #tpu.memory_space<vmem_shared>>
      tpu.wait_dma2 semaphore(%arg27 : memref<!tpu.dma_semaphore, #tpu.memory_space<semaphore_mem>>) src(%arg15 : memref<80x128xf32, #tpu.memory_space<vmem>>) dst(%dma_wait3A_208 : memref<80x128xf32, #tpu.memory_space<vmem_shared>>)
      %multiple_of3A_209 = tpu.assume_multiple %add3A_147, 8 : i32
      %dma_wait3A_210 = arith.constant 0 : i32
      %dma_wait3A_211 = tpu.memref_slice %arg8[%multiple_of3A_209, %dma_wait3A_210] : memref<10000x128xf32, #tpu.memory_space<vmem_shared>> -> memref<80x128xf32, #tpu.memory_space<vmem_shared>>
      %dma_wait3A_212 = arith.constant 0 : i32
      %dma_wait3A_213 = tpu.memref_slice %arg8[%multiple_of3A_209, %dma_wait3A_212] : memref<10000x128xf32, #tpu.memory_space<vmem_shared>> -> memref<80x128xf32, #tpu.memory_space<vmem_shared>>
      tpu.wait_dma2 semaphore(%arg27 : memref<!tpu.dma_semaphore, #tpu.memory_space<semaphore_mem>>) src(%arg15 : memref<80x128xf32, #tpu.memory_space<vmem>>) dst(%dma_wait3A_213 : memref<80x128xf32, #tpu.memory_space<vmem_shared>>)
      %multiple_of3A_214 = tpu.assume_multiple %add3A_149, 8 : i32
      %dma_wait3A_215 = arith.constant 0 : i32
      %dma_wait3A_216 = tpu.memref_slice %arg8[%multiple_of3A_214, %dma_wait3A_215] : memref<10000x128xf32, #tpu.memory_space<vmem_shared>> -> memref<80x128xf32, #tpu.memory_space<vmem_shared>>
      %dma_wait3A_217 = arith.constant 0 : i32
      %dma_wait3A_218 = tpu.memref_slice %arg8[%multiple_of3A_214, %dma_wait3A_217] : memref<10000x128xf32, #tpu.memory_space<vmem_shared>> -> memref<80x128xf32, #tpu.memory_space<vmem_shared>>
      tpu.wait_dma2 semaphore(%arg27 : memref<!tpu.dma_semaphore, #tpu.memory_space<semaphore_mem>>) src(%arg15 : memref<80x128xf32, #tpu.memory_space<vmem>>) dst(%dma_wait3A_218 : memref<80x128xf32, #tpu.memory_space<vmem_shared>>)
      %multiple_of3A_219 = tpu.assume_multiple %add3A_151, 8 : i32
      %dma_wait3A_220 = arith.constant 0 : i32
      %dma_wait3A_221 = tpu.memref_slice %arg8[%multiple_of3A_219, %dma_wait3A_220] : memref<10000x128xf32, #tpu.memory_space<vmem_shared>> -> memref<80x128xf32, #tpu.memory_space<vmem_shared>>
      %dma_wait3A_222 = arith.constant 0 : i32
      %dma_wait3A_223 = tpu.memref_slice %arg8[%multiple_of3A_219, %dma_wait3A_222] : memref<10000x128xf32, #tpu.memory_space<vmem_shared>> -> memref<80x128xf32, #tpu.memory_space<vmem_shared>>
      tpu.wait_dma2 semaphore(%arg27 : memref<!tpu.dma_semaphore, #tpu.memory_space<semaphore_mem>>) src(%arg15 : memref<80x128xf32, #tpu.memory_space<vmem>>) dst(%dma_wait3A_223 : memref<80x128xf32, #tpu.memory_space<vmem_shared>>)
      %multiple_of3A_224 = tpu.assume_multiple %add3A_153, 8 : i32
      %dma_wait3A_225 = arith.constant 0 : i32
      %dma_wait3A_226 = tpu.memref_slice %arg8[%multiple_of3A_224, %dma_wait3A_225] : memref<10000x128xf32, #tpu.memory_space<vmem_shared>> -> memref<80x128xf32, #tpu.memory_space<vmem_shared>>
      %dma_wait3A_227 = arith.constant 0 : i32
      %dma_wait3A_228 = tpu.memref_slice %arg8[%multiple_of3A_224, %dma_wait3A_227] : memref<10000x128xf32, #tpu.memory_space<vmem_shared>> -> memref<80x128xf32, #tpu.memory_space<vmem_shared>>
      tpu.wait_dma2 semaphore(%arg27 : memref<!tpu.dma_semaphore, #tpu.memory_space<semaphore_mem>>) src(%arg15 : memref<80x128xf32, #tpu.memory_space<vmem>>) dst(%dma_wait3A_228 : memref<80x128xf32, #tpu.memory_space<vmem_shared>>)
      %multiple_of3A_229 = tpu.assume_multiple %add3A_155, 8 : i32
      %dma_wait3A_230 = arith.constant 0 : i32
      %dma_wait3A_231 = tpu.memref_slice %arg8[%multiple_of3A_229, %dma_wait3A_230] : memref<10000x128xf32, #tpu.memory_space<vmem_shared>> -> memref<80x128xf32, #tpu.memory_space<vmem_shared>>
      %dma_wait3A_232 = arith.constant 0 : i32
      %dma_wait3A_233 = tpu.memref_slice %arg8[%multiple_of3A_229, %dma_wait3A_232] : memref<10000x128xf32, #tpu.memory_space<vmem_shared>> -> memref<80x128xf32, #tpu.memory_space<vmem_shared>>
      tpu.wait_dma2 semaphore(%arg27 : memref<!tpu.dma_semaphore, #tpu.memory_space<semaphore_mem>>) src(%arg15 : memref<80x128xf32, #tpu.memory_space<vmem>>) dst(%dma_wait3A_233 : memref<80x128xf32, #tpu.memory_space<vmem_shared>>)
      %multiple_of3A_234 = tpu.assume_multiple %sub3A_158, 8 : i32
      %dma_wait3A_235 = arith.constant 0 : i32
      %dma_wait3A_236 = tpu.memref_slice %arg8[%multiple_of3A_234, %dma_wait3A_235] : memref<10000x128xf32, #tpu.memory_space<vmem_shared>> -> memref<80x128xf32, #tpu.memory_space<vmem_shared>>
      %dma_wait3A_237 = arith.constant 0 : i32
      %dma_wait3A_238 = tpu.memref_slice %arg8[%multiple_of3A_234, %dma_wait3A_237] : memref<10000x128xf32, #tpu.memory_space<vmem_shared>> -> memref<80x128xf32, #tpu.memory_space<vmem_shared>>
      tpu.wait_dma2 semaphore(%arg27 : memref<!tpu.dma_semaphore, #tpu.memory_space<semaphore_mem>>) src(%arg15 : memref<80x128xf32, #tpu.memory_space<vmem>>) dst(%dma_wait3A_238 : memref<80x128xf32, #tpu.memory_space<vmem_shared>>)
    } else {
    }
    %eq3A_18 = arith.constant 0 : i32
    %eq3A_19 = arith.cmpi eq, %arg1, %eq3A_18 : i32
    %convert_element_type3A_20 = arith.extui %eq3A_19 : i1 to i32
    %cond3A_21 = arith.constant 0 : i32
    %cond3A_22 = arith.cmpi ne, %convert_element_type3A_20, %cond3A_21 : i32
    scf.if %cond3A_22 {
      "tpu.region"() ({
        %run_scoped3A = tpu.sem_alloc : memref<!tpu.dma_semaphore, #tpu.memory_space<semaphore_mem>>
        %dma_start3A_142 = arith.constant 0 : i32
        %dma_start3A_143 = arith.constant 0 : i32
        %dma_start3A_144 = tpu.memref_slice %arg9[%dma_start3A_142, %dma_start3A_143] : memref<104x128xf32, #tpu.memory_space<vmem_shared>> -> memref<100x128xf32, #tpu.memory_space<vmem_shared>>
        tpu.enqueue_dma source(%arg3 : memref<100x128xf32, #tpu.memory_space<hbm>>) target(%dma_start3A_144 : memref<100x128xf32, #tpu.memory_space<vmem_shared>>) target_semaphore(%run_scoped3A : memref<!tpu.dma_semaphore, #tpu.memory_space<semaphore_mem>>)
        %dma_wait3A_145 = arith.constant 0 : i32
        %dma_wait3A_146 = arith.constant 0 : i32
        %dma_wait3A_147 = tpu.memref_slice %arg9[%dma_wait3A_145, %dma_wait3A_146] : memref<104x128xf32, #tpu.memory_space<vmem_shared>> -> memref<100x128xf32, #tpu.memory_space<vmem_shared>>
        tpu.wait_dma2 semaphore(%run_scoped3A : memref<!tpu.dma_semaphore, #tpu.memory_space<semaphore_mem>>) src(%arg3 : memref<100x128xf32, #tpu.memory_space<hbm>>) dst(%dma_wait3A_147 : memref<100x128xf32, #tpu.memory_space<vmem_shared>>)
        tpu.yield
      }) : () -> ()
    } else {
    }
    %barrier3A = arith.constant 0 : index
    tpu.barrier barrier_id(%barrier3A)
    %mul3A_23 = arith.constant 125 : i32
    %mul3A_24 = arith.muli %add3A, %mul3A_23 : i32
    %mul3A_25 = arith.constant 10000 : i32
    %mul3A_26 = arith.muli %add3A, %mul3A_25 : i32
    %add3A_27 = arith.constant 0 : i32
    %add3A_28 = arith.addi %mul3A_24, %add3A_27 : i32
    %mul3A_29 = arith.constant 160 : i32
    %mul3A_30 = arith.muli %add3A_28, %mul3A_29 : i32
    %multiple_of3A_31 = tpu.assume_multiple %mul3A_30, 8 : i32
    %dma_start3A = tpu.memref_slice %arg4[%multiple_of3A_31] : memref<640000xi32, #tpu.memory_space<hbm>> -> memref<160xi32, #tpu.memory_space<hbm>>
    %dma_start3A_32 = tpu.memref_slice %arg4[%multiple_of3A_31] : memref<640000xi32, #tpu.memory_space<hbm>> -> memref<160xi32, #tpu.memory_space<hbm>>
    tpu.enqueue_dma source(%dma_start3A_32 : memref<160xi32, #tpu.memory_space<hbm>>) target(%arg10 : memref<160xi32, #tpu.memory_space<vmem>>) target_semaphore(%arg19 : memref<!tpu.dma_semaphore, #tpu.memory_space<semaphore_mem>>)
    %add3A_33 = arith.constant 1 : i32
    %add3A_34 = arith.addi %mul3A_24, %add3A_33 : i32
    %mul3A_35 = arith.constant 160 : i32
    %mul3A_36 = arith.muli %add3A_34, %mul3A_35 : i32
    %multiple_of3A_37 = tpu.assume_multiple %mul3A_36, 8 : i32
    %dma_start3A_38 = tpu.memref_slice %arg4[%multiple_of3A_37] : memref<640000xi32, #tpu.memory_space<hbm>> -> memref<160xi32, #tpu.memory_space<hbm>>
    %dma_start3A_39 = tpu.memref_slice %arg4[%multiple_of3A_37] : memref<640000xi32, #tpu.memory_space<hbm>> -> memref<160xi32, #tpu.memory_space<hbm>>
    tpu.enqueue_dma source(%dma_start3A_39 : memref<160xi32, #tpu.memory_space<hbm>>) target(%arg11 : memref<160xi32, #tpu.memory_space<vmem>>) target_semaphore(%arg20 : memref<!tpu.dma_semaphore, #tpu.memory_space<semaphore_mem>>)
    %add3A_40 = arith.constant 0 : i32
    %add3A_41 = arith.addi %mul3A_26, %add3A_40 : i32
    %multiple_of3A_42 = tpu.assume_multiple %add3A_41, 8 : i32
    %dma_start3A_43 = tpu.memref_slice %arg5[%multiple_of3A_42] : memref<320000xi32, #tpu.memory_space<hbm>> -> memref<80xi32, #tpu.memory_space<hbm>>
    %dma_start3A_44 = tpu.memref_slice %arg5[%multiple_of3A_42] : memref<320000xi32, #tpu.memory_space<hbm>> -> memref<80xi32, #tpu.memory_space<hbm>>
    tpu.enqueue_dma source(%dma_start3A_44 : memref<80xi32, #tpu.memory_space<hbm>>) target(%arg12 : memref<80xi32, #tpu.memory_space<vmem>>) target_semaphore(%arg21 : memref<!tpu.dma_semaphore, #tpu.memory_space<semaphore_mem>>)
    %dma_wait3A = arith.constant 0 : i32
    %dma_wait3A_45 = tpu.memref_slice %arg4[%dma_wait3A] : memref<640000xi32, #tpu.memory_space<hbm>> -> memref<160xi32, #tpu.memory_space<hbm>>
    %dma_wait3A_46 = arith.constant 0 : i32
    %dma_wait3A_47 = tpu.memref_slice %arg4[%dma_wait3A_46] : memref<640000xi32, #tpu.memory_space<hbm>> -> memref<160xi32, #tpu.memory_space<hbm>>
    tpu.wait_dma2 semaphore(%arg19 : memref<!tpu.dma_semaphore, #tpu.memory_space<semaphore_mem>>) src(%dma_wait3A_47 : memref<160xi32, #tpu.memory_space<hbm>>) dst(%arg10 : memref<160xi32, #tpu.memory_space<vmem>>)
    %dma_start3A_48 = arith.constant 0 : i32
    %dma_start3A_49 = tpu.memref_slice %arg10[%dma_start3A_48] : memref<160xi32, #tpu.memory_space<vmem>> -> memref<80xi32, #tpu.memory_space<vmem>>
    %dma_start3A_50 = arith.constant 0 : i32
    %dma_start3A_51 = arith.constant 0 : i32
    %dma_start3A_52 = tpu.memref_slice %arg2[%dma_start3A_50, %dma_start3A_51] : memref<10000x128xf32, #tpu.memory_space<hbm>> -> memref<10000x128xf32, #tpu.memory_space<hbm>>
    tpu.enqueue_indirect_dma source(%dma_start3A_52 : memref<10000x128xf32, #tpu.memory_space<hbm>>) target(%arg15 : memref<80x128xf32, #tpu.memory_space<vmem>>) offsets(%dma_start3A_49 : memref<80xi32, #tpu.memory_space<vmem>>) semaphore(%arg23 : memref<!tpu.dma_semaphore, #tpu.memory_space<semaphore_mem>>)
    %dma_start3A_53 = arith.constant 80 : i32
    %dma_start3A_54 = tpu.memref_slice %arg10[%dma_start3A_53] : memref<160xi32, #tpu.memory_space<vmem>> -> memref<80xi32, #tpu.memory_space<vmem>>
    %dma_start3A_55 = arith.constant 0 : i32
    %dma_start3A_56 = arith.constant 0 : i32
    %dma_start3A_57 = tpu.memref_slice %arg9[%dma_start3A_55, %dma_start3A_56] : memref<104x128xf32, #tpu.memory_space<vmem_shared>> -> memref<104x128xf32, #tpu.memory_space<vmem_shared>>
    tpu.enqueue_indirect_dma source(%dma_start3A_57 : memref<104x128xf32, #tpu.memory_space<vmem_shared>>) target(%arg17 : memref<80x128xf32, #tpu.memory_space<vmem>>) offsets(%dma_start3A_54 : memref<80xi32, #tpu.memory_space<vmem>>) semaphore(%arg24 : memref<!tpu.dma_semaphore, #tpu.memory_space<semaphore_mem>>)
    %scan3A_58 = arith.constant 0 : i32
    %scan3A_59 = arith.constant 0 : i32
    %scan3A_60 = arith.constant 62 : i32
    %scan3A_61 = arith.addi %scan3A_59, %scan3A_60 : i32
    %scan3A_62 = arith.constant 1 : i32
    %scan3A_63 = scf.for %scan3A_142 = %scan3A_59 to %scan3A_61 step %scan3A_62 iter_args(%scan3A_143 = %scan3A_58) -> (i32)  : i32 {
      %mul3A_144 = arith.constant 2 : i32
      %mul3A_145 = arith.muli %scan3A_142, %mul3A_144 : i32
      %eq3A_146 = arith.constant 0 : i32
      %eq3A_147 = arith.cmpi eq, %scan3A_142, %eq3A_146 : i32
      %convert_element_type3A_148 = arith.extui %eq3A_147 : i1 to i32
      %cond3A_149 = arith.constant 0 : i32
      %cond3A_150 = arith.cmpi ne, %convert_element_type3A_148, %cond3A_149 : i32
      scf.if %cond3A_150 {
        %dma_wait3A_216 = arith.constant 0 : i32
        %dma_wait3A_217 = tpu.memref_slice %arg10[%dma_wait3A_216] : memref<160xi32, #tpu.memory_space<vmem>> -> memref<80xi32, #tpu.memory_space<vmem>>
        %dma_wait3A_218 = arith.constant 0 : i32
        %dma_wait3A_219 = arith.constant 0 : i32
        %dma_wait3A_220 = tpu.memref_slice %arg2[%dma_wait3A_218, %dma_wait3A_219] : memref<10000x128xf32, #tpu.memory_space<hbm>> -> memref<10000x128xf32, #tpu.memory_space<hbm>>
        tpu.wait_indirect_dma semaphore(%arg23 : memref<!tpu.dma_semaphore, #tpu.memory_space<semaphore_mem>>) src(%dma_wait3A_220 : memref<10000x128xf32, #tpu.memory_space<hbm>>) dst(%arg15 : memref<80x128xf32, #tpu.memory_space<vmem>>)
        %dma_wait3A_221 = arith.constant 80 : i32
        %dma_wait3A_222 = tpu.memref_slice %arg10[%dma_wait3A_221] : memref<160xi32, #tpu.memory_space<vmem>> -> memref<80xi32, #tpu.memory_space<vmem>>
        %dma_wait3A_223 = arith.constant 0 : i32
        %dma_wait3A_224 = arith.constant 0 : i32
        %dma_wait3A_225 = tpu.memref_slice %arg9[%dma_wait3A_223, %dma_wait3A_224] : memref<104x128xf32, #tpu.memory_space<vmem_shared>> -> memref<104x128xf32, #tpu.memory_space<vmem_shared>>
        tpu.wait_indirect_dma semaphore(%arg24 : memref<!tpu.dma_semaphore, #tpu.memory_space<semaphore_mem>>) src(%dma_wait3A_225 : memref<104x128xf32, #tpu.memory_space<vmem_shared>>) dst(%arg17 : memref<80x128xf32, #tpu.memory_space<vmem>>)
        %add3A_226 = arith.constant 2 : i32
        %add3A_227 = arith.addi %mul3A_145, %add3A_226 : i32
        %lt3A_228 = arith.constant 125 : i32
        %lt3A_229 = arith.cmpi slt, %add3A_227, %lt3A_228 : i32
        %convert_element_type3A_230 = arith.extui %lt3A_229 : i1 to i32
        %cond3A_231 = arith.constant 0 : i32
        %cond3A_232 = arith.cmpi ne, %convert_element_type3A_230, %cond3A_231 : i32
        scf.if %cond3A_232 {
          %add3A_271 = arith.constant 2 : i32
          %add3A_272 = arith.addi %mul3A_145, %add3A_271 : i32
          %add3A_273 = arith.addi %mul3A_24, %add3A_272 : i32
          %mul3A_274 = arith.constant 160 : i32
          %mul3A_275 = arith.muli %add3A_273, %mul3A_274 : i32
          %multiple_of3A_276 = tpu.assume_multiple %mul3A_275, 8 : i32
          %dma_start3A_277 = tpu.memref_slice %arg4[%multiple_of3A_276] : memref<640000xi32, #tpu.memory_space<hbm>> -> memref<160xi32, #tpu.memory_space<hbm>>
          %dma_start3A_278 = tpu.memref_slice %arg4[%multiple_of3A_276] : memref<640000xi32, #tpu.memory_space<hbm>> -> memref<160xi32, #tpu.memory_space<hbm>>
          tpu.enqueue_dma source(%dma_start3A_278 : memref<160xi32, #tpu.memory_space<hbm>>) target(%arg10 : memref<160xi32, #tpu.memory_space<vmem>>) target_semaphore(%arg19 : memref<!tpu.dma_semaphore, #tpu.memory_space<semaphore_mem>>)
        } else {
        }
        %add3A_233 = arith.constant 1 : i32
        %add3A_234 = arith.addi %mul3A_145, %add3A_233 : i32
        %mul3A_235 = arith.constant 80 : i32
        %mul3A_236 = arith.muli %add3A_234, %mul3A_235 : i32
        %add3A_237 = arith.addi %mul3A_26, %mul3A_236 : i32
        %multiple_of3A_238 = tpu.assume_multiple %add3A_237, 8 : i32
        %dma_start3A_239 = tpu.memref_slice %arg5[%multiple_of3A_238] : memref<320000xi32, #tpu.memory_space<hbm>> -> memref<80xi32, #tpu.memory_space<hbm>>
        %dma_start3A_240 = tpu.memref_slice %arg5[%multiple_of3A_238] : memref<320000xi32, #tpu.memory_space<hbm>> -> memref<80xi32, #tpu.memory_space<hbm>>
        tpu.enqueue_dma source(%dma_start3A_240 : memref<80xi32, #tpu.memory_space<hbm>>) target(%arg13 : memref<80xi32, #tpu.memory_space<vmem>>) target_semaphore(%arg22 : memref<!tpu.dma_semaphore, #tpu.memory_space<semaphore_mem>>)
        %add3A_241 = arith.constant 1 : i32
        %add3A_242 = arith.addi %mul3A_145, %add3A_241 : i32
        %dma_wait3A_243 = arith.constant 0 : i32
        %dma_wait3A_244 = tpu.memref_slice %arg4[%dma_wait3A_243] : memref<640000xi32, #tpu.memory_space<hbm>> -> memref<160xi32, #tpu.memory_space<hbm>>
        %dma_wait3A_245 = arith.constant 0 : i32
        %dma_wait3A_246 = tpu.memref_slice %arg4[%dma_wait3A_245] : memref<640000xi32, #tpu.memory_space<hbm>> -> memref<160xi32, #tpu.memory_space<hbm>>
        tpu.wait_dma2 semaphore(%arg20 : memref<!tpu.dma_semaphore, #tpu.memory_space<semaphore_mem>>) src(%dma_wait3A_246 : memref<160xi32, #tpu.memory_space<hbm>>) dst(%arg11 : memref<160xi32, #tpu.memory_space<vmem>>)
        %dma_start3A_247 = arith.constant 0 : i32
        %dma_start3A_248 = tpu.memref_slice %arg11[%dma_start3A_247] : memref<160xi32, #tpu.memory_space<vmem>> -> memref<80xi32, #tpu.memory_space<vmem>>
        %dma_start3A_249 = arith.constant 0 : i32
        %dma_start3A_250 = arith.constant 0 : i32
        %dma_start3A_251 = tpu.memref_slice %arg2[%dma_start3A_249, %dma_start3A_250] : memref<10000x128xf32, #tpu.memory_space<hbm>> -> memref<10000x128xf32, #tpu.memory_space<hbm>>
        tpu.enqueue_indirect_dma source(%dma_start3A_251 : memref<10000x128xf32, #tpu.memory_space<hbm>>) target(%arg16 : memref<80x128xf32, #tpu.memory_space<vmem>>) offsets(%dma_start3A_248 : memref<80xi32, #tpu.memory_space<vmem>>) semaphore(%arg25 : memref<!tpu.dma_semaphore, #tpu.memory_space<semaphore_mem>>)
        %dma_start3A_252 = arith.constant 80 : i32
        %dma_start3A_253 = tpu.memref_slice %arg11[%dma_start3A_252] : memref<160xi32, #tpu.memory_space<vmem>> -> memref<80xi32, #tpu.memory_space<vmem>>
        %dma_start3A_254 = arith.constant 0 : i32
        %dma_start3A_255 = arith.constant 0 : i32
        %dma_start3A_256 = tpu.memref_slice %arg9[%dma_start3A_254, %dma_start3A_255] : memref<104x128xf32, #tpu.memory_space<vmem_shared>> -> memref<104x128xf32, #tpu.memory_space<vmem_shared>>
        tpu.enqueue_indirect_dma source(%dma_start3A_256 : memref<104x128xf32, #tpu.memory_space<vmem_shared>>) target(%arg18 : memref<80x128xf32, #tpu.memory_space<vmem>>) offsets(%dma_start3A_253 : memref<80xi32, #tpu.memory_space<vmem>>) semaphore(%arg26 : memref<!tpu.dma_semaphore, #tpu.memory_space<semaphore_mem>>)
        %scan3A_257 = arith.constant 0 : i32
        %scan3A_258 = arith.constant 0 : i32
        %scan3A_259 = arith.constant 80 : i32
        %scan3A_260 = arith.addi %scan3A_258, %scan3A_259 : i32
        %scan3A_261 = arith.constant 1 : i32
        %scan3A_262 = scf.for %scan3A_271 = %scan3A_258 to %scan3A_260 step %scan3A_261 iter_args(%scan3A_272 = %scan3A_257) -> (i32)  : i32 {
          %get3A = arith.index_cast %scan3A_271 : i32 to index
          %get3A_273 = arith.constant 0 : index
          %get3A_274 = tpu.vector_load %arg15[%get3A, %get3A_273] {strides = array<i32>} : memref<80x128xf32, #tpu.memory_space<vmem>>, vector<1x16xf32>,
          %get3A_275 = vector.shape_cast %get3A_274 : vector<1x16xf32> to vector<16xf32>
          %get3A_276 = arith.index_cast %scan3A_271 : i32 to index
          %get3A_277 = arith.constant 0 : index
          %get3A_278 = tpu.vector_load %arg17[%get3A_276, %get3A_277] {strides = array<i32>} : memref<80x128xf32, #tpu.memory_space<vmem>>, vector<1x16xf32>,
          %get3A_279 = vector.shape_cast %get3A_278 : vector<1x16xf32> to vector<16xf32>
          %mul3A_280 = arith.mulf %get3A_275, %get3A_279 : vector<16xf32>
          %swap3A = arith.index_cast %scan3A_271 : i32 to index
          %swap3A_281 = arith.constant 0 : index
          %swap3A_282 = tpu.vector_load %arg15[%swap3A, %swap3A_281] {strides = array<i32>} : memref<80x128xf32, #tpu.memory_space<vmem>>, vector<1x16xf32>,
          %swap3A_283 = vector.shape_cast %swap3A_282 : vector<1x16xf32> to vector<16xf32>
          %swap3A_284 = vector.shape_cast %mul3A_280 : vector<16xf32> to vector<1x16xf32>
          tpu.vector_store %arg15[%swap3A, %swap3A_281], %swap3A_284 {strides = array<i32>} : memref<80x128xf32, #tpu.memory_space<vmem>>, vector<1x16xf32>,
          %get3A_285 = arith.index_cast %scan3A_271 : i32 to index
          %get3A_286 = arith.constant 16 : index
          %get3A_287 = tpu.vector_load %arg15[%get3A_285, %get3A_286] {strides = array<i32>} : memref<80x128xf32, #tpu.memory_space<vmem>>, vector<1x16xf32>,
          %get3A_288 = vector.shape_cast %get3A_287 : vector<1x16xf32> to vector<16xf32>
          %get3A_289 = arith.index_cast %scan3A_271 : i32 to index
          %get3A_290 = arith.constant 16 : index
          %get3A_291 = tpu.vector_load %arg17[%get3A_289, %get3A_290] {strides = array<i32>} : memref<80x128xf32, #tpu.memory_space<vmem>>, vector<1x16xf32>,
          %get3A_292 = vector.shape_cast %get3A_291 : vector<1x16xf32> to vector<16xf32>
          %mul3A_293 = arith.mulf %get3A_288, %get3A_292 : vector<16xf32>
          %swap3A_294 = arith.index_cast %scan3A_271 : i32 to index
          %swap3A_295 = arith.constant 16 : index
          %swap3A_296 = tpu.vector_load %arg15[%swap3A_294, %swap3A_295] {strides = array<i32>} : memref<80x128xf32, #tpu.memory_space<vmem>>, vector<1x16xf32>,
          %swap3A_297 = vector.shape_cast %swap3A_296 : vector<1x16xf32> to vector<16xf32>
          %swap3A_298 = vector.shape_cast %mul3A_293 : vector<16xf32> to vector<1x16xf32>
          tpu.vector_store %arg15[%swap3A_294, %swap3A_295], %swap3A_298 {strides = array<i32>} : memref<80x128xf32, #tpu.memory_space<vmem>>, vector<1x16xf32>,
          %get3A_299 = arith.index_cast %scan3A_271 : i32 to index
          %get3A_300 = arith.constant 32 : index
          %get3A_301 = tpu.vector_load %arg15[%get3A_299, %get3A_300] {strides = array<i32>} : memref<80x128xf32, #tpu.memory_space<vmem>>, vector<1x16xf32>,
          %get3A_302 = vector.shape_cast %get3A_301 : vector<1x16xf32> to vector<16xf32>
          %get3A_303 = arith.index_cast %scan3A_271 : i32 to index
          %get3A_304 = arith.constant 32 : index
          %get3A_305 = tpu.vector_load %arg17[%get3A_303, %get3A_304] {strides = array<i32>} : memref<80x128xf32, #tpu.memory_space<vmem>>, vector<1x16xf32>,
          %get3A_306 = vector.shape_cast %get3A_305 : vector<1x16xf32> to vector<16xf32>
          %mul3A_307 = arith.mulf %get3A_302, %get3A_306 : vector<16xf32>
          %swap3A_308 = arith.index_cast %scan3A_271 : i32 to index
          %swap3A_309 = arith.constant 32 : index
          %swap3A_310 = tpu.vector_load %arg15[%swap3A_308, %swap3A_309] {strides = array<i32>} : memref<80x128xf32, #tpu.memory_space<vmem>>, vector<1x16xf32>,
          %swap3A_311 = vector.shape_cast %swap3A_310 : vector<1x16xf32> to vector<16xf32>
          %swap3A_312 = vector.shape_cast %mul3A_307 : vector<16xf32> to vector<1x16xf32>
          tpu.vector_store %arg15[%swap3A_308, %swap3A_309], %swap3A_312 {strides = array<i32>} : memref<80x128xf32, #tpu.memory_space<vmem>>, vector<1x16xf32>,
          %get3A_313 = arith.index_cast %scan3A_271 : i32 to index
          %get3A_314 = arith.constant 48 : index
          %get3A_315 = tpu.vector_load %arg15[%get3A_313, %get3A_314] {strides = array<i32>} : memref<80x128xf32, #tpu.memory_space<vmem>>, vector<1x16xf32>,
          %get3A_316 = vector.shape_cast %get3A_315 : vector<1x16xf32> to vector<16xf32>
          %get3A_317 = arith.index_cast %scan3A_271 : i32 to index
          %get3A_318 = arith.constant 48 : index
          %get3A_319 = tpu.vector_load %arg17[%get3A_317, %get3A_318] {strides = array<i32>} : memref<80x128xf32, #tpu.memory_space<vmem>>, vector<1x16xf32>,
          %get3A_320 = vector.shape_cast %get3A_319 : vector<1x16xf32> to vector<16xf32>
          %mul3A_321 = arith.mulf %get3A_316, %get3A_320 : vector<16xf32>
          %swap3A_322 = arith.index_cast %scan3A_271 : i32 to index
          %swap3A_323 = arith.constant 48 : index
          %swap3A_324 = tpu.vector_load %arg15[%swap3A_322, %swap3A_323] {strides = array<i32>} : memref<80x128xf32, #tpu.memory_space<vmem>>, vector<1x16xf32>,
          %swap3A_325 = vector.shape_cast %swap3A_324 : vector<1x16xf32> to vector<16xf32>
          %swap3A_326 = vector.shape_cast %mul3A_321 : vector<16xf32> to vector<1x16xf32>
          tpu.vector_store %arg15[%swap3A_322, %swap3A_323], %swap3A_326 {strides = array<i32>} : memref<80x128xf32, #tpu.memory_space<vmem>>, vector<1x16xf32>,
          %get3A_327 = arith.index_cast %scan3A_271 : i32 to index
          %get3A_328 = arith.constant 64 : index
          %get3A_329 = tpu.vector_load %arg15[%get3A_327, %get3A_328] {strides = array<i32>} : memref<80x128xf32, #tpu.memory_space<vmem>>, vector<1x16xf32>,
          %get3A_330 = vector.shape_cast %get3A_329 : vector<1x16xf32> to vector<16xf32>
          %get3A_331 = arith.index_cast %scan3A_271 : i32 to index
          %get3A_332 = arith.constant 64 : index
          %get3A_333 = tpu.vector_load %arg17[%get3A_331, %get3A_332] {strides = array<i32>} : memref<80x128xf32, #tpu.memory_space<vmem>>, vector<1x16xf32>,
          %get3A_334 = vector.shape_cast %get3A_333 : vector<1x16xf32> to vector<16xf32>
          %mul3A_335 = arith.mulf %get3A_330, %get3A_334 : vector<16xf32>
          %swap3A_336 = arith.index_cast %scan3A_271 : i32 to index
          %swap3A_337 = arith.constant 64 : index
          %swap3A_338 = tpu.vector_load %arg15[%swap3A_336, %swap3A_337] {strides = array<i32>} : memref<80x128xf32, #tpu.memory_space<vmem>>, vector<1x16xf32>,
          %swap3A_339 = vector.shape_cast %swap3A_338 : vector<1x16xf32> to vector<16xf32>
          %swap3A_340 = vector.shape_cast %mul3A_335 : vector<16xf32> to vector<1x16xf32>
          tpu.vector_store %arg15[%swap3A_336, %swap3A_337], %swap3A_340 {strides = array<i32>} : memref<80x128xf32, #tpu.memory_space<vmem>>, vector<1x16xf32>,
          %get3A_341 = arith.index_cast %scan3A_271 : i32 to index
          %get3A_342 = arith.constant 80 : index
          %get3A_343 = tpu.vector_load %arg15[%get3A_341, %get3A_342] {strides = array<i32>} : memref<80x128xf32, #tpu.memory_space<vmem>>, vector<1x16xf32>,
          %get3A_344 = vector.shape_cast %get3A_343 : vector<1x16xf32> to vector<16xf32>
          %get3A_345 = arith.index_cast %scan3A_271 : i32 to index
          %get3A_346 = arith.constant 80 : index
          %get3A_347 = tpu.vector_load %arg17[%get3A_345, %get3A_346] {strides = array<i32>} : memref<80x128xf32, #tpu.memory_space<vmem>>, vector<1x16xf32>,
          %get3A_348 = vector.shape_cast %get3A_347 : vector<1x16xf32> to vector<16xf32>
          %mul3A_349 = arith.mulf %get3A_344, %get3A_348 : vector<16xf32>
          %swap3A_350 = arith.index_cast %scan3A_271 : i32 to index
          %swap3A_351 = arith.constant 80 : index
          %swap3A_352 = tpu.vector_load %arg15[%swap3A_350, %swap3A_351] {strides = array<i32>} : memref<80x128xf32, #tpu.memory_space<vmem>>, vector<1x16xf32>,
          %swap3A_353 = vector.shape_cast %swap3A_352 : vector<1x16xf32> to vector<16xf32>
          %swap3A_354 = vector.shape_cast %mul3A_349 : vector<16xf32> to vector<1x16xf32>
          tpu.vector_store %arg15[%swap3A_350, %swap3A_351], %swap3A_354 {strides = array<i32>} : memref<80x128xf32, #tpu.memory_space<vmem>>, vector<1x16xf32>,
          %get3A_355 = arith.index_cast %scan3A_271 : i32 to index
          %get3A_356 = arith.constant 96 : index
          %get3A_357 = tpu.vector_load %arg15[%get3A_355, %get3A_356] {strides = array<i32>} : memref<80x128xf32, #tpu.memory_space<vmem>>, vector<1x16xf32>,
          %get3A_358 = vector.shape_cast %get3A_357 : vector<1x16xf32> to vector<16xf32>
          %get3A_359 = arith.index_cast %scan3A_271 : i32 to index
          %get3A_360 = arith.constant 96 : index
          %get3A_361 = tpu.vector_load %arg17[%get3A_359, %get3A_360] {strides = array<i32>} : memref<80x128xf32, #tpu.memory_space<vmem>>, vector<1x16xf32>,
          %get3A_362 = vector.shape_cast %get3A_361 : vector<1x16xf32> to vector<16xf32>
          %mul3A_363 = arith.mulf %get3A_358, %get3A_362 : vector<16xf32>
          %swap3A_364 = arith.index_cast %scan3A_271 : i32 to index
          %swap3A_365 = arith.constant 96 : index
          %swap3A_366 = tpu.vector_load %arg15[%swap3A_364, %swap3A_365] {strides = array<i32>} : memref<80x128xf32, #tpu.memory_space<vmem>>, vector<1x16xf32>,
          %swap3A_367 = vector.shape_cast %swap3A_366 : vector<1x16xf32> to vector<16xf32>
          %swap3A_368 = vector.shape_cast %mul3A_363 : vector<16xf32> to vector<1x16xf32>
          tpu.vector_store %arg15[%swap3A_364, %swap3A_365], %swap3A_368 {strides = array<i32>} : memref<80x128xf32, #tpu.memory_space<vmem>>, vector<1x16xf32>,
          %get3A_369 = arith.index_cast %scan3A_271 : i32 to index
          %get3A_370 = arith.constant 112 : index
          %get3A_371 = tpu.vector_load %arg15[%get3A_369, %get3A_370] {strides = array<i32>} : memref<80x128xf32, #tpu.memory_space<vmem>>, vector<1x16xf32>,
          %get3A_372 = vector.shape_cast %get3A_371 : vector<1x16xf32> to vector<16xf32>
          %get3A_373 = arith.index_cast %scan3A_271 : i32 to index
          %get3A_374 = arith.constant 112 : index
          %get3A_375 = tpu.vector_load %arg17[%get3A_373, %get3A_374] {strides = array<i32>} : memref<80x128xf32, #tpu.memory_space<vmem>>, vector<1x16xf32>,
          %get3A_376 = vector.shape_cast %get3A_375 : vector<1x16xf32> to vector<16xf32>
          %mul3A_377 = arith.mulf %get3A_372, %get3A_376 : vector<16xf32>
          %swap3A_378 = arith.index_cast %scan3A_271 : i32 to index
          %swap3A_379 = arith.constant 112 : index
          %swap3A_380 = tpu.vector_load %arg15[%swap3A_378, %swap3A_379] {strides = array<i32>} : memref<80x128xf32, #tpu.memory_space<vmem>>, vector<1x16xf32>,
          %swap3A_381 = vector.shape_cast %swap3A_380 : vector<1x16xf32> to vector<16xf32>
          %swap3A_382 = vector.shape_cast %mul3A_377 : vector<16xf32> to vector<1x16xf32>
          tpu.vector_store %arg15[%swap3A_378, %swap3A_379], %swap3A_382 {strides = array<i32>} : memref<80x128xf32, #tpu.memory_space<vmem>>, vector<1x16xf32>,
          %scan3A_383 = arith.constant 0 : i32
          scf.yield %scan3A_383 : i32
        }
        %scan3A_263 = arith.constant 80 : i32
        %dma_wait3A_264 = arith.constant 0 : i32
        %dma_wait3A_265 = tpu.memref_slice %arg5[%dma_wait3A_264] : memref<320000xi32, #tpu.memory_space<hbm>> -> memref<80xi32, #tpu.memory_space<hbm>>
        %dma_wait3A_266 = arith.constant 0 : i32
        %dma_wait3A_267 = tpu.memref_slice %arg5[%dma_wait3A_266] : memref<320000xi32, #tpu.memory_space<hbm>> -> memref<80xi32, #tpu.memory_space<hbm>>
        tpu.wait_dma2 semaphore(%arg21 : memref<!tpu.dma_semaphore, #tpu.memory_space<semaphore_mem>>) src(%dma_wait3A_267 : memref<80xi32, #tpu.memory_space<hbm>>) dst(%arg12 : memref<80xi32, #tpu.memory_space<vmem>>)
        %dma_start3A_268 = arith.constant 0 : i32
        %dma_start3A_269 = arith.constant 0 : i32
        %dma_start3A_270 = tpu.memref_slice %arg8[%dma_start3A_268, %dma_start3A_269] : memref<10000x128xf32, #tpu.memory_space<vmem_shared>> -> memref<10000x128xf32, #tpu.memory_space<vmem_shared>>
        tpu.enqueue_indirect_dma source(%arg15 : memref<80x128xf32, #tpu.memory_space<vmem>>) target(%dma_start3A_270 : memref<10000x128xf32, #tpu.memory_space<vmem_shared>>) offsets(%arg12 : memref<80xi32, #tpu.memory_space<vmem>>) semaphore(%arg27 : memref<!tpu.dma_semaphore, #tpu.memory_space<semaphore_mem>>) {add = true}
      } else {
      }
      %ne3A_151 = arith.constant 0 : i32
      %ne3A_152 = arith.cmpi ne, %scan3A_142, %ne3A_151 : i32
      %convert_element_type3A_153 = arith.extui %ne3A_152 : i1 to i32
      %cond3A_154 = arith.constant 0 : i32
      %cond3A_155 = arith.cmpi ne, %convert_element_type3A_153, %cond3A_154 : i32
      scf.if %cond3A_155 {
        %dma_wait3A_216 = arith.constant 0 : i32
        %dma_wait3A_217 = tpu.memref_slice %arg10[%dma_wait3A_216] : memref<160xi32, #tpu.memory_space<vmem>> -> memref<80xi32, #tpu.memory_space<vmem>>
        %dma_wait3A_218 = arith.constant 0 : i32
        %dma_wait3A_219 = arith.constant 0 : i32
        %dma_wait3A_220 = tpu.memref_slice %arg2[%dma_wait3A_218, %dma_wait3A_219] : memref<10000x128xf32, #tpu.memory_space<hbm>> -> memref<10000x128xf32, #tpu.memory_space<hbm>>
        tpu.wait_indirect_dma semaphore(%arg23 : memref<!tpu.dma_semaphore, #tpu.memory_space<semaphore_mem>>) src(%dma_wait3A_220 : memref<10000x128xf32, #tpu.memory_space<hbm>>) dst(%arg15 : memref<80x128xf32, #tpu.memory_space<vmem>>)
        %dma_wait3A_221 = arith.constant 80 : i32
        %dma_wait3A_222 = tpu.memref_slice %arg10[%dma_wait3A_221] : memref<160xi32, #tpu.memory_space<vmem>> -> memref<80xi32, #tpu.memory_space<vmem>>
        %dma_wait3A_223 = arith.constant 0 : i32
        %dma_wait3A_224 = arith.constant 0 : i32
        %dma_wait3A_225 = tpu.memref_slice %arg9[%dma_wait3A_223, %dma_wait3A_224] : memref<104x128xf32, #tpu.memory_space<vmem_shared>> -> memref<104x128xf32, #tpu.memory_space<vmem_shared>>
        tpu.wait_indirect_dma semaphore(%arg24 : memref<!tpu.dma_semaphore, #tpu.memory_space<semaphore_mem>>) src(%dma_wait3A_225 : memref<104x128xf32, #tpu.memory_space<vmem_shared>>) dst(%arg17 : memref<80x128xf32, #tpu.memory_space<vmem>>)
        %dma_wait3A_226 = arith.constant 0 : i32
        %dma_wait3A_227 = arith.constant 0 : i32
        %dma_wait3A_228 = tpu.memref_slice %arg8[%dma_wait3A_226, %dma_wait3A_227] : memref<10000x128xf32, #tpu.memory_space<vmem_shared>> -> memref<10000x128xf32, #tpu.memory_space<vmem_shared>>
        tpu.wait_indirect_dma semaphore(%arg27 : memref<!tpu.dma_semaphore, #tpu.memory_space<semaphore_mem>>) src(%arg16 : memref<80x128xf32, #tpu.memory_space<vmem>>) dst(%dma_wait3A_228 : memref<10000x128xf32, #tpu.memory_space<vmem_shared>>)
        %add3A_229 = arith.constant 2 : i32
        %add3A_230 = arith.addi %mul3A_145, %add3A_229 : i32
        %lt3A_231 = arith.constant 125 : i32
        %lt3A_232 = arith.cmpi slt, %add3A_230, %lt3A_231 : i32
        %convert_element_type3A_233 = arith.extui %lt3A_232 : i1 to i32
        %cond3A_234 = arith.constant 0 : i32
        %cond3A_235 = arith.cmpi ne, %convert_element_type3A_233, %cond3A_234 : i32
        scf.if %cond3A_235 {
          %add3A_274 = arith.constant 2 : i32
          %add3A_275 = arith.addi %mul3A_145, %add3A_274 : i32
          %add3A_276 = arith.addi %mul3A_24, %add3A_275 : i32
          %mul3A_277 = arith.constant 160 : i32
          %mul3A_278 = arith.muli %add3A_276, %mul3A_277 : i32
          %multiple_of3A_279 = tpu.assume_multiple %mul3A_278, 8 : i32
          %dma_start3A_280 = tpu.memref_slice %arg4[%multiple_of3A_279] : memref<640000xi32, #tpu.memory_space<hbm>> -> memref<160xi32, #tpu.memory_space<hbm>>
          %dma_start3A_281 = tpu.memref_slice %arg4[%multiple_of3A_279] : memref<640000xi32, #tpu.memory_space<hbm>> -> memref<160xi32, #tpu.memory_space<hbm>>
          tpu.enqueue_dma source(%dma_start3A_281 : memref<160xi32, #tpu.memory_space<hbm>>) target(%arg10 : memref<160xi32, #tpu.memory_space<vmem>>) target_semaphore(%arg19 : memref<!tpu.dma_semaphore, #tpu.memory_space<semaphore_mem>>)
        } else {
        }
        %add3A_236 = arith.constant 1 : i32
        %add3A_237 = arith.addi %mul3A_145, %add3A_236 : i32
        %mul3A_238 = arith.constant 80 : i32
        %mul3A_239 = arith.muli %add3A_237, %mul3A_238 : i32
        %add3A_240 = arith.addi %mul3A_26, %mul3A_239 : i32
        %multiple_of3A_241 = tpu.assume_multiple %add3A_240, 8 : i32
        %dma_start3A_242 = tpu.memref_slice %arg5[%multiple_of3A_241] : memref<320000xi32, #tpu.memory_space<hbm>> -> memref<80xi32, #tpu.memory_space<hbm>>
        %dma_start3A_243 = tpu.memref_slice %arg5[%multiple_of3A_241] : memref<320000xi32, #tpu.memory_space<hbm>> -> memref<80xi32, #tpu.memory_space<hbm>>
        tpu.enqueue_dma source(%dma_start3A_243 : memref<80xi32, #tpu.memory_space<hbm>>) target(%arg13 : memref<80xi32, #tpu.memory_space<vmem>>) target_semaphore(%arg22 : memref<!tpu.dma_semaphore, #tpu.memory_space<semaphore_mem>>)
        %add3A_244 = arith.constant 1 : i32
        %add3A_245 = arith.addi %mul3A_145, %add3A_244 : i32
        %dma_wait3A_246 = arith.constant 0 : i32
        %dma_wait3A_247 = tpu.memref_slice %arg4[%dma_wait3A_246] : memref<640000xi32, #tpu.memory_space<hbm>> -> memref<160xi32, #tpu.memory_space<hbm>>
        %dma_wait3A_248 = arith.constant 0 : i32
        %dma_wait3A_249 = tpu.memref_slice %arg4[%dma_wait3A_248] : memref<640000xi32, #tpu.memory_space<hbm>> -> memref<160xi32, #tpu.memory_space<hbm>>
        tpu.wait_dma2 semaphore(%arg20 : memref<!tpu.dma_semaphore, #tpu.memory_space<semaphore_mem>>) src(%dma_wait3A_249 : memref<160xi32, #tpu.memory_space<hbm>>) dst(%arg11 : memref<160xi32, #tpu.memory_space<vmem>>)
        %dma_start3A_250 = arith.constant 0 : i32
        %dma_start3A_251 = tpu.memref_slice %arg11[%dma_start3A_250] : memref<160xi32, #tpu.memory_space<vmem>> -> memref<80xi32, #tpu.memory_space<vmem>>
        %dma_start3A_252 = arith.constant 0 : i32
        %dma_start3A_253 = arith.constant 0 : i32
        %dma_start3A_254 = tpu.memref_slice %arg2[%dma_start3A_252, %dma_start3A_253] : memref<10000x128xf32, #tpu.memory_space<hbm>> -> memref<10000x128xf32, #tpu.memory_space<hbm>>
        tpu.enqueue_indirect_dma source(%dma_start3A_254 : memref<10000x128xf32, #tpu.memory_space<hbm>>) target(%arg16 : memref<80x128xf32, #tpu.memory_space<vmem>>) offsets(%dma_start3A_251 : memref<80xi32, #tpu.memory_space<vmem>>) semaphore(%arg25 : memref<!tpu.dma_semaphore, #tpu.memory_space<semaphore_mem>>)
        %dma_start3A_255 = arith.constant 80 : i32
        %dma_start3A_256 = tpu.memref_slice %arg11[%dma_start3A_255] : memref<160xi32, #tpu.memory_space<vmem>> -> memref<80xi32, #tpu.memory_space<vmem>>
        %dma_start3A_257 = arith.constant 0 : i32
        %dma_start3A_258 = arith.constant 0 : i32
        %dma_start3A_259 = tpu.memref_slice %arg9[%dma_start3A_257, %dma_start3A_258] : memref<104x128xf32, #tpu.memory_space<vmem_shared>> -> memref<104x128xf32, #tpu.memory_space<vmem_shared>>
        tpu.enqueue_indirect_dma source(%dma_start3A_259 : memref<104x128xf32, #tpu.memory_space<vmem_shared>>) target(%arg18 : memref<80x128xf32, #tpu.memory_space<vmem>>) offsets(%dma_start3A_256 : memref<80xi32, #tpu.memory_space<vmem>>) semaphore(%arg26 : memref<!tpu.dma_semaphore, #tpu.memory_space<semaphore_mem>>)
        %scan3A_260 = arith.constant 0 : i32
        %scan3A_261 = arith.constant 0 : i32
        %scan3A_262 = arith.constant 80 : i32
        %scan3A_263 = arith.addi %scan3A_261, %scan3A_262 : i32
        %scan3A_264 = arith.constant 1 : i32
        %scan3A_265 = scf.for %scan3A_274 = %scan3A_261 to %scan3A_263 step %scan3A_264 iter_args(%scan3A_275 = %scan3A_260) -> (i32)  : i32 {
          %get3A = arith.index_cast %scan3A_274 : i32 to index
          %get3A_276 = arith.constant 0 : index
          %get3A_277 = tpu.vector_load %arg15[%get3A, %get3A_276] {strides = array<i32>} : memref<80x128xf32, #tpu.memory_space<vmem>>, vector<1x16xf32>,
          %get3A_278 = vector.shape_cast %get3A_277 : vector<1x16xf32> to vector<16xf32>
          %get3A_279 = arith.index_cast %scan3A_274 : i32 to index
          %get3A_280 = arith.constant 0 : index
          %get3A_281 = tpu.vector_load %arg17[%get3A_279, %get3A_280] {strides = array<i32>} : memref<80x128xf32, #tpu.memory_space<vmem>>, vector<1x16xf32>,
          %get3A_282 = vector.shape_cast %get3A_281 : vector<1x16xf32> to vector<16xf32>
          %mul3A_283 = arith.mulf %get3A_278, %get3A_282 : vector<16xf32>
          %swap3A = arith.index_cast %scan3A_274 : i32 to index
          %swap3A_284 = arith.constant 0 : index
          %swap3A_285 = tpu.vector_load %arg15[%swap3A, %swap3A_284] {strides = array<i32>} : memref<80x128xf32, #tpu.memory_space<vmem>>, vector<1x16xf32>,
          %swap3A_286 = vector.shape_cast %swap3A_285 : vector<1x16xf32> to vector<16xf32>
          %swap3A_287 = vector.shape_cast %mul3A_283 : vector<16xf32> to vector<1x16xf32>
          tpu.vector_store %arg15[%swap3A, %swap3A_284], %swap3A_287 {strides = array<i32>} : memref<80x128xf32, #tpu.memory_space<vmem>>, vector<1x16xf32>,
          %get3A_288 = arith.index_cast %scan3A_274 : i32 to index
          %get3A_289 = arith.constant 16 : index
          %get3A_290 = tpu.vector_load %arg15[%get3A_288, %get3A_289] {strides = array<i32>} : memref<80x128xf32, #tpu.memory_space<vmem>>, vector<1x16xf32>,
          %get3A_291 = vector.shape_cast %get3A_290 : vector<1x16xf32> to vector<16xf32>
          %get3A_292 = arith.index_cast %scan3A_274 : i32 to index
          %get3A_293 = arith.constant 16 : index
          %get3A_294 = tpu.vector_load %arg17[%get3A_292, %get3A_293] {strides = array<i32>} : memref<80x128xf32, #tpu.memory_space<vmem>>, vector<1x16xf32>,
          %get3A_295 = vector.shape_cast %get3A_294 : vector<1x16xf32> to vector<16xf32>
          %mul3A_296 = arith.mulf %get3A_291, %get3A_295 : vector<16xf32>
          %swap3A_297 = arith.index_cast %scan3A_274 : i32 to index
          %swap3A_298 = arith.constant 16 : index
          %swap3A_299 = tpu.vector_load %arg15[%swap3A_297, %swap3A_298] {strides = array<i32>} : memref<80x128xf32, #tpu.memory_space<vmem>>, vector<1x16xf32>,
          %swap3A_300 = vector.shape_cast %swap3A_299 : vector<1x16xf32> to vector<16xf32>
          %swap3A_301 = vector.shape_cast %mul3A_296 : vector<16xf32> to vector<1x16xf32>
          tpu.vector_store %arg15[%swap3A_297, %swap3A_298], %swap3A_301 {strides = array<i32>} : memref<80x128xf32, #tpu.memory_space<vmem>>, vector<1x16xf32>,
          %get3A_302 = arith.index_cast %scan3A_274 : i32 to index
          %get3A_303 = arith.constant 32 : index
          %get3A_304 = tpu.vector_load %arg15[%get3A_302, %get3A_303] {strides = array<i32>} : memref<80x128xf32, #tpu.memory_space<vmem>>, vector<1x16xf32>,
          %get3A_305 = vector.shape_cast %get3A_304 : vector<1x16xf32> to vector<16xf32>
          %get3A_306 = arith.index_cast %scan3A_274 : i32 to index
          %get3A_307 = arith.constant 32 : index
          %get3A_308 = tpu.vector_load %arg17[%get3A_306, %get3A_307] {strides = array<i32>} : memref<80x128xf32, #tpu.memory_space<vmem>>, vector<1x16xf32>,
          %get3A_309 = vector.shape_cast %get3A_308 : vector<1x16xf32> to vector<16xf32>
          %mul3A_310 = arith.mulf %get3A_305, %get3A_309 : vector<16xf32>
          %swap3A_311 = arith.index_cast %scan3A_274 : i32 to index
          %swap3A_312 = arith.constant 32 : index
          %swap3A_313 = tpu.vector_load %arg15[%swap3A_311, %swap3A_312] {strides = array<i32>} : memref<80x128xf32, #tpu.memory_space<vmem>>, vector<1x16xf32>,
          %swap3A_314 = vector.shape_cast %swap3A_313 : vector<1x16xf32> to vector<16xf32>
          %swap3A_315 = vector.shape_cast %mul3A_310 : vector<16xf32> to vector<1x16xf32>
          tpu.vector_store %arg15[%swap3A_311, %swap3A_312], %swap3A_315 {strides = array<i32>} : memref<80x128xf32, #tpu.memory_space<vmem>>, vector<1x16xf32>,
          %get3A_316 = arith.index_cast %scan3A_274 : i32 to index
          %get3A_317 = arith.constant 48 : index
          %get3A_318 = tpu.vector_load %arg15[%get3A_316, %get3A_317] {strides = array<i32>} : memref<80x128xf32, #tpu.memory_space<vmem>>, vector<1x16xf32>,
          %get3A_319 = vector.shape_cast %get3A_318 : vector<1x16xf32> to vector<16xf32>
          %get3A_320 = arith.index_cast %scan3A_274 : i32 to index
          %get3A_321 = arith.constant 48 : index
          %get3A_322 = tpu.vector_load %arg17[%get3A_320, %get3A_321] {strides = array<i32>} : memref<80x128xf32, #tpu.memory_space<vmem>>, vector<1x16xf32>,
          %get3A_323 = vector.shape_cast %get3A_322 : vector<1x16xf32> to vector<16xf32>
          %mul3A_324 = arith.mulf %get3A_319, %get3A_323 : vector<16xf32>
          %swap3A_325 = arith.index_cast %scan3A_274 : i32 to index
          %swap3A_326 = arith.constant 48 : index
          %swap3A_327 = tpu.vector_load %arg15[%swap3A_325, %swap3A_326] {strides = array<i32>} : memref<80x128xf32, #tpu.memory_space<vmem>>, vector<1x16xf32>,
          %swap3A_328 = vector.shape_cast %swap3A_327 : vector<1x16xf32> to vector<16xf32>
          %swap3A_329 = vector.shape_cast %mul3A_324 : vector<16xf32> to vector<1x16xf32>
          tpu.vector_store %arg15[%swap3A_325, %swap3A_326], %swap3A_329 {strides = array<i32>} : memref<80x128xf32, #tpu.memory_space<vmem>>, vector<1x16xf32>,
          %get3A_330 = arith.index_cast %scan3A_274 : i32 to index
          %get3A_331 = arith.constant 64 : index
          %get3A_332 = tpu.vector_load %arg15[%get3A_330, %get3A_331] {strides = array<i32>} : memref<80x128xf32, #tpu.memory_space<vmem>>, vector<1x16xf32>,
          %get3A_333 = vector.shape_cast %get3A_332 : vector<1x16xf32> to vector<16xf32>
          %get3A_334 = arith.index_cast %scan3A_274 : i32 to index
          %get3A_335 = arith.constant 64 : index
          %get3A_336 = tpu.vector_load %arg17[%get3A_334, %get3A_335] {strides = array<i32>} : memref<80x128xf32, #tpu.memory_space<vmem>>, vector<1x16xf32>,
          %get3A_337 = vector.shape_cast %get3A_336 : vector<1x16xf32> to vector<16xf32>
          %mul3A_338 = arith.mulf %get3A_333, %get3A_337 : vector<16xf32>
          %swap3A_339 = arith.index_cast %scan3A_274 : i32 to index
          %swap3A_340 = arith.constant 64 : index
          %swap3A_341 = tpu.vector_load %arg15[%swap3A_339, %swap3A_340] {strides = array<i32>} : memref<80x128xf32, #tpu.memory_space<vmem>>, vector<1x16xf32>,
          %swap3A_342 = vector.shape_cast %swap3A_341 : vector<1x16xf32> to vector<16xf32>
          %swap3A_343 = vector.shape_cast %mul3A_338 : vector<16xf32> to vector<1x16xf32>
          tpu.vector_store %arg15[%swap3A_339, %swap3A_340], %swap3A_343 {strides = array<i32>} : memref<80x128xf32, #tpu.memory_space<vmem>>, vector<1x16xf32>,
          %get3A_344 = arith.index_cast %scan3A_274 : i32 to index
          %get3A_345 = arith.constant 80 : index
          %get3A_346 = tpu.vector_load %arg15[%get3A_344, %get3A_345] {strides = array<i32>} : memref<80x128xf32, #tpu.memory_space<vmem>>, vector<1x16xf32>,
          %get3A_347 = vector.shape_cast %get3A_346 : vector<1x16xf32> to vector<16xf32>
          %get3A_348 = arith.index_cast %scan3A_274 : i32 to index
          %get3A_349 = arith.constant 80 : index
          %get3A_350 = tpu.vector_load %arg17[%get3A_348, %get3A_349] {strides = array<i32>} : memref<80x128xf32, #tpu.memory_space<vmem>>, vector<1x16xf32>,
          %get3A_351 = vector.shape_cast %get3A_350 : vector<1x16xf32> to vector<16xf32>
          %mul3A_352 = arith.mulf %get3A_347, %get3A_351 : vector<16xf32>
          %swap3A_353 = arith.index_cast %scan3A_274 : i32 to index
          %swap3A_354 = arith.constant 80 : index
          %swap3A_355 = tpu.vector_load %arg15[%swap3A_353, %swap3A_354] {strides = array<i32>} : memref<80x128xf32, #tpu.memory_space<vmem>>, vector<1x16xf32>,
          %swap3A_356 = vector.shape_cast %swap3A_355 : vector<1x16xf32> to vector<16xf32>
          %swap3A_357 = vector.shape_cast %mul3A_352 : vector<16xf32> to vector<1x16xf32>
          tpu.vector_store %arg15[%swap3A_353, %swap3A_354], %swap3A_357 {strides = array<i32>} : memref<80x128xf32, #tpu.memory_space<vmem>>, vector<1x16xf32>,
          %get3A_358 = arith.index_cast %scan3A_274 : i32 to index
          %get3A_359 = arith.constant 96 : index
          %get3A_360 = tpu.vector_load %arg15[%get3A_358, %get3A_359] {strides = array<i32>} : memref<80x128xf32, #tpu.memory_space<vmem>>, vector<1x16xf32>,
          %get3A_361 = vector.shape_cast %get3A_360 : vector<1x16xf32> to vector<16xf32>
          %get3A_362 = arith.index_cast %scan3A_274 : i32 to index
          %get3A_363 = arith.constant 96 : index
          %get3A_364 = tpu.vector_load %arg17[%get3A_362, %get3A_363] {strides = array<i32>} : memref<80x128xf32, #tpu.memory_space<vmem>>, vector<1x16xf32>,
          %get3A_365 = vector.shape_cast %get3A_364 : vector<1x16xf32> to vector<16xf32>
          %mul3A_366 = arith.mulf %get3A_361, %get3A_365 : vector<16xf32>
          %swap3A_367 = arith.index_cast %scan3A_274 : i32 to index
          %swap3A_368 = arith.constant 96 : index
          %swap3A_369 = tpu.vector_load %arg15[%swap3A_367, %swap3A_368] {strides = array<i32>} : memref<80x128xf32, #tpu.memory_space<vmem>>, vector<1x16xf32>,
          %swap3A_370 = vector.shape_cast %swap3A_369 : vector<1x16xf32> to vector<16xf32>
          %swap3A_371 = vector.shape_cast %mul3A_366 : vector<16xf32> to vector<1x16xf32>
          tpu.vector_store %arg15[%swap3A_367, %swap3A_368], %swap3A_371 {strides = array<i32>} : memref<80x128xf32, #tpu.memory_space<vmem>>, vector<1x16xf32>,
          %get3A_372 = arith.index_cast %scan3A_274 : i32 to index
          %get3A_373 = arith.constant 112 : index
          %get3A_374 = tpu.vector_load %arg15[%get3A_372, %get3A_373] {strides = array<i32>} : memref<80x128xf32, #tpu.memory_space<vmem>>, vector<1x16xf32>,
          %get3A_375 = vector.shape_cast %get3A_374 : vector<1x16xf32> to vector<16xf32>
          %get3A_376 = arith.index_cast %scan3A_274 : i32 to index
          %get3A_377 = arith.constant 112 : index
          %get3A_378 = tpu.vector_load %arg17[%get3A_376, %get3A_377] {strides = array<i32>} : memref<80x128xf32, #tpu.memory_space<vmem>>, vector<1x16xf32>,
          %get3A_379 = vector.shape_cast %get3A_378 : vector<1x16xf32> to vector<16xf32>
          %mul3A_380 = arith.mulf %get3A_375, %get3A_379 : vector<16xf32>
          %swap3A_381 = arith.index_cast %scan3A_274 : i32 to index
          %swap3A_382 = arith.constant 112 : index
          %swap3A_383 = tpu.vector_load %arg15[%swap3A_381, %swap3A_382] {strides = array<i32>} : memref<80x128xf32, #tpu.memory_space<vmem>>, vector<1x16xf32>,
          %swap3A_384 = vector.shape_cast %swap3A_383 : vector<1x16xf32> to vector<16xf32>
          %swap3A_385 = vector.shape_cast %mul3A_380 : vector<16xf32> to vector<1x16xf32>
          tpu.vector_store %arg15[%swap3A_381, %swap3A_382], %swap3A_385 {strides = array<i32>} : memref<80x128xf32, #tpu.memory_space<vmem>>, vector<1x16xf32>,
          %scan3A_386 = arith.constant 0 : i32
          scf.yield %scan3A_386 : i32
        }
        %scan3A_266 = arith.constant 80 : i32
        %dma_wait3A_267 = arith.constant 0 : i32
        %dma_wait3A_268 = tpu.memref_slice %arg5[%dma_wait3A_267] : memref<320000xi32, #tpu.memory_space<hbm>> -> memref<80xi32, #tpu.memory_space<hbm>>
        %dma_wait3A_269 = arith.constant 0 : i32
        %dma_wait3A_270 = tpu.memref_slice %arg5[%dma_wait3A_269] : memref<320000xi32, #tpu.memory_space<hbm>> -> memref<80xi32, #tpu.memory_space<hbm>>
        tpu.wait_dma2 semaphore(%arg21 : memref<!tpu.dma_semaphore, #tpu.memory_space<semaphore_mem>>) src(%dma_wait3A_270 : memref<80xi32, #tpu.memory_space<hbm>>) dst(%arg12 : memref<80xi32, #tpu.memory_space<vmem>>)
        %dma_start3A_271 = arith.constant 0 : i32
        %dma_start3A_272 = arith.constant 0 : i32
        %dma_start3A_273 = tpu.memref_slice %arg8[%dma_start3A_271, %dma_start3A_272] : memref<10000x128xf32, #tpu.memory_space<vmem_shared>> -> memref<10000x128xf32, #tpu.memory_space<vmem_shared>>
        tpu.enqueue_indirect_dma source(%arg15 : memref<80x128xf32, #tpu.memory_space<vmem>>) target(%dma_start3A_273 : memref<10000x128xf32, #tpu.memory_space<vmem_shared>>) offsets(%arg12 : memref<80xi32, #tpu.memory_space<vmem>>) semaphore(%arg27 : memref<!tpu.dma_semaphore, #tpu.memory_space<semaphore_mem>>) {add = true}
      } else {
      }
      %add3A_156 = arith.constant 1 : i32
      %add3A_157 = arith.addi %mul3A_145, %add3A_156 : i32
      %dma_wait3A_158 = arith.constant 0 : i32
      %dma_wait3A_159 = tpu.memref_slice %arg11[%dma_wait3A_158] : memref<160xi32, #tpu.memory_space<vmem>> -> memref<80xi32, #tpu.memory_space<vmem>>
      %dma_wait3A_160 = arith.constant 0 : i32
      %dma_wait3A_161 = arith.constant 0 : i32
      %dma_wait3A_162 = tpu.memref_slice %arg2[%dma_wait3A_160, %dma_wait3A_161] : memref<10000x128xf32, #tpu.memory_space<hbm>> -> memref<10000x128xf32, #tpu.memory_space<hbm>>
      tpu.wait_indirect_dma semaphore(%arg25 : memref<!tpu.dma_semaphore, #tpu.memory_space<semaphore_mem>>) src(%dma_wait3A_162 : memref<10000x128xf32, #tpu.memory_space<hbm>>) dst(%arg16 : memref<80x128xf32, #tpu.memory_space<vmem>>)
      %dma_wait3A_163 = arith.constant 80 : i32
      %dma_wait3A_164 = tpu.memref_slice %arg11[%dma_wait3A_163] : memref<160xi32, #tpu.memory_space<vmem>> -> memref<80xi32, #tpu.memory_space<vmem>>
      %dma_wait3A_165 = arith.constant 0 : i32
      %dma_wait3A_166 = arith.constant 0 : i32
      %dma_wait3A_167 = tpu.memref_slice %arg9[%dma_wait3A_165, %dma_wait3A_166] : memref<104x128xf32, #tpu.memory_space<vmem_shared>> -> memref<104x128xf32, #tpu.memory_space<vmem_shared>>
      tpu.wait_indirect_dma semaphore(%arg26 : memref<!tpu.dma_semaphore, #tpu.memory_space<semaphore_mem>>) src(%dma_wait3A_167 : memref<104x128xf32, #tpu.memory_space<vmem_shared>>) dst(%arg18 : memref<80x128xf32, #tpu.memory_space<vmem>>)
      %dma_wait3A_168 = arith.constant 0 : i32
      %dma_wait3A_169 = arith.constant 0 : i32
      %dma_wait3A_170 = tpu.memref_slice %arg8[%dma_wait3A_168, %dma_wait3A_169] : memref<10000x128xf32, #tpu.memory_space<vmem_shared>> -> memref<10000x128xf32, #tpu.memory_space<vmem_shared>>
      tpu.wait_indirect_dma semaphore(%arg27 : memref<!tpu.dma_semaphore, #tpu.memory_space<semaphore_mem>>) src(%arg15 : memref<80x128xf32, #tpu.memory_space<vmem>>) dst(%dma_wait3A_170 : memref<10000x128xf32, #tpu.memory_space<vmem_shared>>)
      %add3A_171 = arith.constant 2 : i32
      %add3A_172 = arith.addi %add3A_157, %add3A_171 : i32
      %lt3A = arith.constant 125 : i32
      %lt3A_173 = arith.cmpi slt, %add3A_172, %lt3A : i32
      %convert_element_type3A_174 = arith.extui %lt3A_173 : i1 to i32
      %cond3A_175 = arith.constant 0 : i32
      %cond3A_176 = arith.cmpi ne, %convert_element_type3A_174, %cond3A_175 : i32
      scf.if %cond3A_176 {
        %add3A_216 = arith.constant 2 : i32
        %add3A_217 = arith.addi %add3A_157, %add3A_216 : i32
        %add3A_218 = arith.addi %mul3A_24, %add3A_217 : i32
        %mul3A_219 = arith.constant 160 : i32
        %mul3A_220 = arith.muli %add3A_218, %mul3A_219 : i32
        %multiple_of3A_221 = tpu.assume_multiple %mul3A_220, 8 : i32
        %dma_start3A_222 = tpu.memref_slice %arg4[%multiple_of3A_221] : memref<640000xi32, #tpu.memory_space<hbm>> -> memref<160xi32, #tpu.memory_space<hbm>>
        %dma_start3A_223 = tpu.memref_slice %arg4[%multiple_of3A_221] : memref<640000xi32, #tpu.memory_space<hbm>> -> memref<160xi32, #tpu.memory_space<hbm>>
        tpu.enqueue_dma source(%dma_start3A_223 : memref<160xi32, #tpu.memory_space<hbm>>) target(%arg11 : memref<160xi32, #tpu.memory_space<vmem>>) target_semaphore(%arg20 : memref<!tpu.dma_semaphore, #tpu.memory_space<semaphore_mem>>)
      } else {
      }
      %add3A_177 = arith.constant 1 : i32
      %add3A_178 = arith.addi %add3A_157, %add3A_177 : i32
      %mul3A_179 = arith.constant 80 : i32
      %mul3A_180 = arith.muli %add3A_178, %mul3A_179 : i32
      %add3A_181 = arith.addi %mul3A_26, %mul3A_180 : i32
      %multiple_of3A_182 = tpu.assume_multiple %add3A_181, 8 : i32
      %dma_start3A_183 = tpu.memref_slice %arg5[%multiple_of3A_182] : memref<320000xi32, #tpu.memory_space<hbm>> -> memref<80xi32, #tpu.memory_space<hbm>>
      %dma_start3A_184 = tpu.memref_slice %arg5[%multiple_of3A_182] : memref<320000xi32, #tpu.memory_space<hbm>> -> memref<80xi32, #tpu.memory_space<hbm>>
      tpu.enqueue_dma source(%dma_start3A_184 : memref<80xi32, #tpu.memory_space<hbm>>) target(%arg12 : memref<80xi32, #tpu.memory_space<vmem>>) target_semaphore(%arg21 : memref<!tpu.dma_semaphore, #tpu.memory_space<semaphore_mem>>)
      %add3A_185 = arith.constant 1 : i32
      %add3A_186 = arith.addi %add3A_157, %add3A_185 : i32
      %dma_wait3A_187 = arith.constant 0 : i32
      %dma_wait3A_188 = tpu.memref_slice %arg4[%dma_wait3A_187] : memref<640000xi32, #tpu.memory_space<hbm>> -> memref<160xi32, #tpu.memory_space<hbm>>
      %dma_wait3A_189 = arith.constant 0 : i32
      %dma_wait3A_190 = tpu.memref_slice %arg4[%dma_wait3A_189] : memref<640000xi32, #tpu.memory_space<hbm>> -> memref<160xi32, #tpu.memory_space<hbm>>
      tpu.wait_dma2 semaphore(%arg19 : memref<!tpu.dma_semaphore, #tpu.memory_space<semaphore_mem>>) src(%dma_wait3A_190 : memref<160xi32, #tpu.memory_space<hbm>>) dst(%arg10 : memref<160xi32, #tpu.memory_space<vmem>>)
      %dma_start3A_191 = arith.constant 0 : i32
      %dma_start3A_192 = tpu.memref_slice %arg10[%dma_start3A_191] : memref<160xi32, #tpu.memory_space<vmem>> -> memref<80xi32, #tpu.memory_space<vmem>>
      %dma_start3A_193 = arith.constant 0 : i32
      %dma_start3A_194 = arith.constant 0 : i32
      %dma_start3A_195 = tpu.memref_slice %arg2[%dma_start3A_193, %dma_start3A_194] : memref<10000x128xf32, #tpu.memory_space<hbm>> -> memref<10000x128xf32, #tpu.memory_space<hbm>>
      tpu.enqueue_indirect_dma source(%dma_start3A_195 : memref<10000x128xf32, #tpu.memory_space<hbm>>) target(%arg15 : memref<80x128xf32, #tpu.memory_space<vmem>>) offsets(%dma_start3A_192 : memref<80xi32, #tpu.memory_space<vmem>>) semaphore(%arg23 : memref<!tpu.dma_semaphore, #tpu.memory_space<semaphore_mem>>)
      %dma_start3A_196 = arith.constant 80 : i32
      %dma_start3A_197 = tpu.memref_slice %arg10[%dma_start3A_196] : memref<160xi32, #tpu.memory_space<vmem>> -> memref<80xi32, #tpu.memory_space<vmem>>
      %dma_start3A_198 = arith.constant 0 : i32
      %dma_start3A_199 = arith.constant 0 : i32
      %dma_start3A_200 = tpu.memref_slice %arg9[%dma_start3A_198, %dma_start3A_199] : memref<104x128xf32, #tpu.memory_space<vmem_shared>> -> memref<104x128xf32, #tpu.memory_space<vmem_shared>>
      tpu.enqueue_indirect_dma source(%dma_start3A_200 : memref<104x128xf32, #tpu.memory_space<vmem_shared>>) target(%arg17 : memref<80x128xf32, #tpu.memory_space<vmem>>) offsets(%dma_start3A_197 : memref<80xi32, #tpu.memory_space<vmem>>) semaphore(%arg24 : memref<!tpu.dma_semaphore, #tpu.memory_space<semaphore_mem>>)
      %scan3A_201 = arith.constant 0 : i32
      %scan3A_202 = arith.constant 0 : i32
      %scan3A_203 = arith.constant 80 : i32
      %scan3A_204 = arith.addi %scan3A_202, %scan3A_203 : i32
      %scan3A_205 = arith.constant 1 : i32
      %scan3A_206 = scf.for %scan3A_216 = %scan3A_202 to %scan3A_204 step %scan3A_205 iter_args(%scan3A_217 = %scan3A_201) -> (i32)  : i32 {
        %get3A = arith.index_cast %scan3A_216 : i32 to index
        %get3A_218 = arith.constant 0 : index
        %get3A_219 = tpu.vector_load %arg16[%get3A, %get3A_218] {strides = array<i32>} : memref<80x128xf32, #tpu.memory_space<vmem>>, vector<1x16xf32>,
        %get3A_220 = vector.shape_cast %get3A_219 : vector<1x16xf32> to vector<16xf32>
        %get3A_221 = arith.index_cast %scan3A_216 : i32 to index
        %get3A_222 = arith.constant 0 : index
        %get3A_223 = tpu.vector_load %arg18[%get3A_221, %get3A_222] {strides = array<i32>} : memref<80x128xf32, #tpu.memory_space<vmem>>, vector<1x16xf32>,
        %get3A_224 = vector.shape_cast %get3A_223 : vector<1x16xf32> to vector<16xf32>
        %mul3A_225 = arith.mulf %get3A_220, %get3A_224 : vector<16xf32>
        %swap3A = arith.index_cast %scan3A_216 : i32 to index
        %swap3A_226 = arith.constant 0 : index
        %swap3A_227 = tpu.vector_load %arg16[%swap3A, %swap3A_226] {strides = array<i32>} : memref<80x128xf32, #tpu.memory_space<vmem>>, vector<1x16xf32>,
        %swap3A_228 = vector.shape_cast %swap3A_227 : vector<1x16xf32> to vector<16xf32>
        %swap3A_229 = vector.shape_cast %mul3A_225 : vector<16xf32> to vector<1x16xf32>
        tpu.vector_store %arg16[%swap3A, %swap3A_226], %swap3A_229 {strides = array<i32>} : memref<80x128xf32, #tpu.memory_space<vmem>>, vector<1x16xf32>,
        %get3A_230 = arith.index_cast %scan3A_216 : i32 to index
        %get3A_231 = arith.constant 16 : index
        %get3A_232 = tpu.vector_load %arg16[%get3A_230, %get3A_231] {strides = array<i32>} : memref<80x128xf32, #tpu.memory_space<vmem>>, vector<1x16xf32>,
        %get3A_233 = vector.shape_cast %get3A_232 : vector<1x16xf32> to vector<16xf32>
        %get3A_234 = arith.index_cast %scan3A_216 : i32 to index
        %get3A_235 = arith.constant 16 : index
        %get3A_236 = tpu.vector_load %arg18[%get3A_234, %get3A_235] {strides = array<i32>} : memref<80x128xf32, #tpu.memory_space<vmem>>, vector<1x16xf32>,
        %get3A_237 = vector.shape_cast %get3A_236 : vector<1x16xf32> to vector<16xf32>
        %mul3A_238 = arith.mulf %get3A_233, %get3A_237 : vector<16xf32>
        %swap3A_239 = arith.index_cast %scan3A_216 : i32 to index
        %swap3A_240 = arith.constant 16 : index
        %swap3A_241 = tpu.vector_load %arg16[%swap3A_239, %swap3A_240] {strides = array<i32>} : memref<80x128xf32, #tpu.memory_space<vmem>>, vector<1x16xf32>,
        %swap3A_242 = vector.shape_cast %swap3A_241 : vector<1x16xf32> to vector<16xf32>
        %swap3A_243 = vector.shape_cast %mul3A_238 : vector<16xf32> to vector<1x16xf32>
        tpu.vector_store %arg16[%swap3A_239, %swap3A_240], %swap3A_243 {strides = array<i32>} : memref<80x128xf32, #tpu.memory_space<vmem>>, vector<1x16xf32>,
        %get3A_244 = arith.index_cast %scan3A_216 : i32 to index
        %get3A_245 = arith.constant 32 : index
        %get3A_246 = tpu.vector_load %arg16[%get3A_244, %get3A_245] {strides = array<i32>} : memref<80x128xf32, #tpu.memory_space<vmem>>, vector<1x16xf32>,
        %get3A_247 = vector.shape_cast %get3A_246 : vector<1x16xf32> to vector<16xf32>
        %get3A_248 = arith.index_cast %scan3A_216 : i32 to index
        %get3A_249 = arith.constant 32 : index
        %get3A_250 = tpu.vector_load %arg18[%get3A_248, %get3A_249] {strides = array<i32>} : memref<80x128xf32, #tpu.memory_space<vmem>>, vector<1x16xf32>,
        %get3A_251 = vector.shape_cast %get3A_250 : vector<1x16xf32> to vector<16xf32>
        %mul3A_252 = arith.mulf %get3A_247, %get3A_251 : vector<16xf32>
        %swap3A_253 = arith.index_cast %scan3A_216 : i32 to index
        %swap3A_254 = arith.constant 32 : index
        %swap3A_255 = tpu.vector_load %arg16[%swap3A_253, %swap3A_254] {strides = array<i32>} : memref<80x128xf32, #tpu.memory_space<vmem>>, vector<1x16xf32>,
        %swap3A_256 = vector.shape_cast %swap3A_255 : vector<1x16xf32> to vector<16xf32>
        %swap3A_257 = vector.shape_cast %mul3A_252 : vector<16xf32> to vector<1x16xf32>
        tpu.vector_store %arg16[%swap3A_253, %swap3A_254], %swap3A_257 {strides = array<i32>} : memref<80x128xf32, #tpu.memory_space<vmem>>, vector<1x16xf32>,
        %get3A_258 = arith.index_cast %scan3A_216 : i32 to index
        %get3A_259 = arith.constant 48 : index
        %get3A_260 = tpu.vector_load %arg16[%get3A_258, %get3A_259] {strides = array<i32>} : memref<80x128xf32, #tpu.memory_space<vmem>>, vector<1x16xf32>,
        %get3A_261 = vector.shape_cast %get3A_260 : vector<1x16xf32> to vector<16xf32>
        %get3A_262 = arith.index_cast %scan3A_216 : i32 to index
        %get3A_263 = arith.constant 48 : index
        %get3A_264 = tpu.vector_load %arg18[%get3A_262, %get3A_263] {strides = array<i32>} : memref<80x128xf32, #tpu.memory_space<vmem>>, vector<1x16xf32>,
        %get3A_265 = vector.shape_cast %get3A_264 : vector<1x16xf32> to vector<16xf32>
        %mul3A_266 = arith.mulf %get3A_261, %get3A_265 : vector<16xf32>
        %swap3A_267 = arith.index_cast %scan3A_216 : i32 to index
        %swap3A_268 = arith.constant 48 : index
        %swap3A_269 = tpu.vector_load %arg16[%swap3A_267, %swap3A_268] {strides = array<i32>} : memref<80x128xf32, #tpu.memory_space<vmem>>, vector<1x16xf32>,
        %swap3A_270 = vector.shape_cast %swap3A_269 : vector<1x16xf32> to vector<16xf32>
        %swap3A_271 = vector.shape_cast %mul3A_266 : vector<16xf32> to vector<1x16xf32>
        tpu.vector_store %arg16[%swap3A_267, %swap3A_268], %swap3A_271 {strides = array<i32>} : memref<80x128xf32, #tpu.memory_space<vmem>>, vector<1x16xf32>,
        %get3A_272 = arith.index_cast %scan3A_216 : i32 to index
        %get3A_273 = arith.constant 64 : index
        %get3A_274 = tpu.vector_load %arg16[%get3A_272, %get3A_273] {strides = array<i32>} : memref<80x128xf32, #tpu.memory_space<vmem>>, vector<1x16xf32>,
        %get3A_275 = vector.shape_cast %get3A_274 : vector<1x16xf32> to vector<16xf32>
        %get3A_276 = arith.index_cast %scan3A_216 : i32 to index
        %get3A_277 = arith.constant 64 : index
        %get3A_278 = tpu.vector_load %arg18[%get3A_276, %get3A_277] {strides = array<i32>} : memref<80x128xf32, #tpu.memory_space<vmem>>, vector<1x16xf32>,
        %get3A_279 = vector.shape_cast %get3A_278 : vector<1x16xf32> to vector<16xf32>
        %mul3A_280 = arith.mulf %get3A_275, %get3A_279 : vector<16xf32>
        %swap3A_281 = arith.index_cast %scan3A_216 : i32 to index
        %swap3A_282 = arith.constant 64 : index
        %swap3A_283 = tpu.vector_load %arg16[%swap3A_281, %swap3A_282] {strides = array<i32>} : memref<80x128xf32, #tpu.memory_space<vmem>>, vector<1x16xf32>,
        %swap3A_284 = vector.shape_cast %swap3A_283 : vector<1x16xf32> to vector<16xf32>
        %swap3A_285 = vector.shape_cast %mul3A_280 : vector<16xf32> to vector<1x16xf32>
        tpu.vector_store %arg16[%swap3A_281, %swap3A_282], %swap3A_285 {strides = array<i32>} : memref<80x128xf32, #tpu.memory_space<vmem>>, vector<1x16xf32>,
        %get3A_286 = arith.index_cast %scan3A_216 : i32 to index
        %get3A_287 = arith.constant 80 : index
        %get3A_288 = tpu.vector_load %arg16[%get3A_286, %get3A_287] {strides = array<i32>} : memref<80x128xf32, #tpu.memory_space<vmem>>, vector<1x16xf32>,
        %get3A_289 = vector.shape_cast %get3A_288 : vector<1x16xf32> to vector<16xf32>
        %get3A_290 = arith.index_cast %scan3A_216 : i32 to index
        %get3A_291 = arith.constant 80 : index
        %get3A_292 = tpu.vector_load %arg18[%get3A_290, %get3A_291] {strides = array<i32>} : memref<80x128xf32, #tpu.memory_space<vmem>>, vector<1x16xf32>,
        %get3A_293 = vector.shape_cast %get3A_292 : vector<1x16xf32> to vector<16xf32>
        %mul3A_294 = arith.mulf %get3A_289, %get3A_293 : vector<16xf32>
        %swap3A_295 = arith.index_cast %scan3A_216 : i32 to index
        %swap3A_296 = arith.constant 80 : index
        %swap3A_297 = tpu.vector_load %arg16[%swap3A_295, %swap3A_296] {strides = array<i32>} : memref<80x128xf32, #tpu.memory_space<vmem>>, vector<1x16xf32>,
        %swap3A_298 = vector.shape_cast %swap3A_297 : vector<1x16xf32> to vector<16xf32>
        %swap3A_299 = vector.shape_cast %mul3A_294 : vector<16xf32> to vector<1x16xf32>
        tpu.vector_store %arg16[%swap3A_295, %swap3A_296], %swap3A_299 {strides = array<i32>} : memref<80x128xf32, #tpu.memory_space<vmem>>, vector<1x16xf32>,
        %get3A_300 = arith.index_cast %scan3A_216 : i32 to index
        %get3A_301 = arith.constant 96 : index
        %get3A_302 = tpu.vector_load %arg16[%get3A_300, %get3A_301] {strides = array<i32>} : memref<80x128xf32, #tpu.memory_space<vmem>>, vector<1x16xf32>,
        %get3A_303 = vector.shape_cast %get3A_302 : vector<1x16xf32> to vector<16xf32>
        %get3A_304 = arith.index_cast %scan3A_216 : i32 to index
        %get3A_305 = arith.constant 96 : index
        %get3A_306 = tpu.vector_load %arg18[%get3A_304, %get3A_305] {strides = array<i32>} : memref<80x128xf32, #tpu.memory_space<vmem>>, vector<1x16xf32>,
        %get3A_307 = vector.shape_cast %get3A_306 : vector<1x16xf32> to vector<16xf32>
        %mul3A_308 = arith.mulf %get3A_303, %get3A_307 : vector<16xf32>
        %swap3A_309 = arith.index_cast %scan3A_216 : i32 to index
        %swap3A_310 = arith.constant 96 : index
        %swap3A_311 = tpu.vector_load %arg16[%swap3A_309, %swap3A_310] {strides = array<i32>} : memref<80x128xf32, #tpu.memory_space<vmem>>, vector<1x16xf32>,
        %swap3A_312 = vector.shape_cast %swap3A_311 : vector<1x16xf32> to vector<16xf32>
        %swap3A_313 = vector.shape_cast %mul3A_308 : vector<16xf32> to vector<1x16xf32>
        tpu.vector_store %arg16[%swap3A_309, %swap3A_310], %swap3A_313 {strides = array<i32>} : memref<80x128xf32, #tpu.memory_space<vmem>>, vector<1x16xf32>,
        %get3A_314 = arith.index_cast %scan3A_216 : i32 to index
        %get3A_315 = arith.constant 112 : index
        %get3A_316 = tpu.vector_load %arg16[%get3A_314, %get3A_315] {strides = array<i32>} : memref<80x128xf32, #tpu.memory_space<vmem>>, vector<1x16xf32>,
        %get3A_317 = vector.shape_cast %get3A_316 : vector<1x16xf32> to vector<16xf32>
        %get3A_318 = arith.index_cast %scan3A_216 : i32 to index
        %get3A_319 = arith.constant 112 : index
        %get3A_320 = tpu.vector_load %arg18[%get3A_318, %get3A_319] {strides = array<i32>} : memref<80x128xf32, #tpu.memory_space<vmem>>, vector<1x16xf32>,
        %get3A_321 = vector.shape_cast %get3A_320 : vector<1x16xf32> to vector<16xf32>
        %mul3A_322 = arith.mulf %get3A_317, %get3A_321 : vector<16xf32>
        %swap3A_323 = arith.index_cast %scan3A_216 : i32 to index
        %swap3A_324 = arith.constant 112 : index
        %swap3A_325 = tpu.vector_load %arg16[%swap3A_323, %swap3A_324] {strides = array<i32>} : memref<80x128xf32, #tpu.memory_space<vmem>>, vector<1x16xf32>,
        %swap3A_326 = vector.shape_cast %swap3A_325 : vector<1x16xf32> to vector<16xf32>
        %swap3A_327 = vector.shape_cast %mul3A_322 : vector<16xf32> to vector<1x16xf32>
        tpu.vector_store %arg16[%swap3A_323, %swap3A_324], %swap3A_327 {strides = array<i32>} : memref<80x128xf32, #tpu.memory_space<vmem>>, vector<1x16xf32>,
        %scan3A_328 = arith.constant 0 : i32
        scf.yield %scan3A_328 : i32
      }
      %scan3A_207 = arith.constant 80 : i32
      %dma_wait3A_208 = arith.constant 0 : i32
      %dma_wait3A_209 = tpu.memref_slice %arg5[%dma_wait3A_208] : memref<320000xi32, #tpu.memory_space<hbm>> -> memref<80xi32, #tpu.memory_space<hbm>>
      %dma_wait3A_210 = arith.constant 0 : i32
      %dma_wait3A_211 = tpu.memref_slice %arg5[%dma_wait3A_210] : memref<320000xi32, #tpu.memory_space<hbm>> -> memref<80xi32, #tpu.memory_space<hbm>>
      tpu.wait_dma2 semaphore(%arg22 : memref<!tpu.dma_semaphore, #tpu.memory_space<semaphore_mem>>) src(%dma_wait3A_211 : memref<80xi32, #tpu.memory_space<hbm>>) dst(%arg13 : memref<80xi32, #tpu.memory_space<vmem>>)
      %dma_start3A_212 = arith.constant 0 : i32
      %dma_start3A_213 = arith.constant 0 : i32
      %dma_start3A_214 = tpu.memref_slice %arg8[%dma_start3A_212, %dma_start3A_213] : memref<10000x128xf32, #tpu.memory_space<vmem_shared>> -> memref<10000x128xf32, #tpu.memory_space<vmem_shared>>
      tpu.enqueue_indirect_dma source(%arg16 : memref<80x128xf32, #tpu.memory_space<vmem>>) target(%dma_start3A_214 : memref<10000x128xf32, #tpu.memory_space<vmem_shared>>) offsets(%arg13 : memref<80xi32, #tpu.memory_space<vmem>>) semaphore(%arg27 : memref<!tpu.dma_semaphore, #tpu.memory_space<semaphore_mem>>) {add = true}
      %scan3A_215 = arith.constant 0 : i32
      scf.yield %scan3A_215 : i32
    }
    %scan3A_64 = arith.constant 62 : i32
    %dma_wait3A_65 = arith.constant 0 : i32
    %dma_wait3A_66 = tpu.memref_slice %arg10[%dma_wait3A_65] : memref<160xi32, #tpu.memory_space<vmem>> -> memref<80xi32, #tpu.memory_space<vmem>>
    %dma_wait3A_67 = arith.constant 0 : i32
    %dma_wait3A_68 = arith.constant 0 : i32
    %dma_wait3A_69 = tpu.memref_slice %arg2[%dma_wait3A_67, %dma_wait3A_68] : memref<10000x128xf32, #tpu.memory_space<hbm>> -> memref<10000x128xf32, #tpu.memory_space<hbm>>
    tpu.wait_indirect_dma semaphore(%arg23 : memref<!tpu.dma_semaphore, #tpu.memory_space<semaphore_mem>>) src(%dma_wait3A_69 : memref<10000x128xf32, #tpu.memory_space<hbm>>) dst(%arg15 : memref<80x128xf32, #tpu.memory_space<vmem>>)
    %dma_wait3A_70 = arith.constant 80 : i32
    %dma_wait3A_71 = tpu.memref_slice %arg10[%dma_wait3A_70] : memref<160xi32, #tpu.memory_space<vmem>> -> memref<80xi32, #tpu.memory_space<vmem>>
    %dma_wait3A_72 = arith.constant 0 : i32
    %dma_wait3A_73 = arith.constant 0 : i32
    %dma_wait3A_74 = tpu.memref_slice %arg9[%dma_wait3A_72, %dma_wait3A_73] : memref<104x128xf32, #tpu.memory_space<vmem_shared>> -> memref<104x128xf32, #tpu.memory_space<vmem_shared>>
    tpu.wait_indirect_dma semaphore(%arg24 : memref<!tpu.dma_semaphore, #tpu.memory_space<semaphore_mem>>) src(%dma_wait3A_74 : memref<104x128xf32, #tpu.memory_space<vmem_shared>>) dst(%arg17 : memref<80x128xf32, #tpu.memory_space<vmem>>)
    %dma_wait3A_75 = arith.constant 0 : i32
    %dma_wait3A_76 = arith.constant 0 : i32
    %dma_wait3A_77 = tpu.memref_slice %arg8[%dma_wait3A_75, %dma_wait3A_76] : memref<10000x128xf32, #tpu.memory_space<vmem_shared>> -> memref<10000x128xf32, #tpu.memory_space<vmem_shared>>
    tpu.wait_indirect_dma semaphore(%arg27 : memref<!tpu.dma_semaphore, #tpu.memory_space<semaphore_mem>>) src(%arg16 : memref<80x128xf32, #tpu.memory_space<vmem>>) dst(%dma_wait3A_77 : memref<10000x128xf32, #tpu.memory_space<vmem_shared>>)
    %scan3A_78 = arith.constant 0 : i32
    %scan3A_79 = arith.constant 0 : i32
    %scan3A_80 = arith.constant 80 : i32
    %scan3A_81 = arith.addi %scan3A_79, %scan3A_80 : i32
    %scan3A_82 = arith.constant 1 : i32
    %scan3A_83 = scf.for %scan3A_142 = %scan3A_79 to %scan3A_81 step %scan3A_82 iter_args(%scan3A_143 = %scan3A_78) -> (i32)  : i32 {
      %get3A = arith.index_cast %scan3A_142 : i32 to index
      %get3A_144 = arith.constant 0 : index
      %get3A_145 = tpu.vector_load %arg15[%get3A, %get3A_144] {strides = array<i32>} : memref<80x128xf32, #tpu.memory_space<vmem>>, vector<1x16xf32>,
      %get3A_146 = vector.shape_cast %get3A_145 : vector<1x16xf32> to vector<16xf32>
      %get3A_147 = arith.index_cast %scan3A_142 : i32 to index
      %get3A_148 = arith.constant 0 : index
      %get3A_149 = tpu.vector_load %arg17[%get3A_147, %get3A_148] {strides = array<i32>} : memref<80x128xf32, #tpu.memory_space<vmem>>, vector<1x16xf32>,
      %get3A_150 = vector.shape_cast %get3A_149 : vector<1x16xf32> to vector<16xf32>
      %mul3A_151 = arith.mulf %get3A_146, %get3A_150 : vector<16xf32>
      %swap3A = arith.index_cast %scan3A_142 : i32 to index
      %swap3A_152 = arith.constant 0 : index
      %swap3A_153 = tpu.vector_load %arg15[%swap3A, %swap3A_152] {strides = array<i32>} : memref<80x128xf32, #tpu.memory_space<vmem>>, vector<1x16xf32>,
      %swap3A_154 = vector.shape_cast %swap3A_153 : vector<1x16xf32> to vector<16xf32>
      %swap3A_155 = vector.shape_cast %mul3A_151 : vector<16xf32> to vector<1x16xf32>
      tpu.vector_store %arg15[%swap3A, %swap3A_152], %swap3A_155 {strides = array<i32>} : memref<80x128xf32, #tpu.memory_space<vmem>>, vector<1x16xf32>,
      %get3A_156 = arith.index_cast %scan3A_142 : i32 to index
      %get3A_157 = arith.constant 16 : index
      %get3A_158 = tpu.vector_load %arg15[%get3A_156, %get3A_157] {strides = array<i32>} : memref<80x128xf32, #tpu.memory_space<vmem>>, vector<1x16xf32>,
      %get3A_159 = vector.shape_cast %get3A_158 : vector<1x16xf32> to vector<16xf32>
      %get3A_160 = arith.index_cast %scan3A_142 : i32 to index
      %get3A_161 = arith.constant 16 : index
      %get3A_162 = tpu.vector_load %arg17[%get3A_160, %get3A_161] {strides = array<i32>} : memref<80x128xf32, #tpu.memory_space<vmem>>, vector<1x16xf32>,
      %get3A_163 = vector.shape_cast %get3A_162 : vector<1x16xf32> to vector<16xf32>
      %mul3A_164 = arith.mulf %get3A_159, %get3A_163 : vector<16xf32>
      %swap3A_165 = arith.index_cast %scan3A_142 : i32 to index
      %swap3A_166 = arith.constant 16 : index
      %swap3A_167 = tpu.vector_load %arg15[%swap3A_165, %swap3A_166] {strides = array<i32>} : memref<80x128xf32, #tpu.memory_space<vmem>>, vector<1x16xf32>,
      %swap3A_168 = vector.shape_cast %swap3A_167 : vector<1x16xf32> to vector<16xf32>
      %swap3A_169 = vector.shape_cast %mul3A_164 : vector<16xf32> to vector<1x16xf32>
      tpu.vector_store %arg15[%swap3A_165, %swap3A_166], %swap3A_169 {strides = array<i32>} : memref<80x128xf32, #tpu.memory_space<vmem>>, vector<1x16xf32>,
      %get3A_170 = arith.index_cast %scan3A_142 : i32 to index
      %get3A_171 = arith.constant 32 : index
      %get3A_172 = tpu.vector_load %arg15[%get3A_170, %get3A_171] {strides = array<i32>} : memref<80x128xf32, #tpu.memory_space<vmem>>, vector<1x16xf32>,
      %get3A_173 = vector.shape_cast %get3A_172 : vector<1x16xf32> to vector<16xf32>
      %get3A_174 = arith.index_cast %scan3A_142 : i32 to index
      %get3A_175 = arith.constant 32 : index
      %get3A_176 = tpu.vector_load %arg17[%get3A_174, %get3A_175] {strides = array<i32>} : memref<80x128xf32, #tpu.memory_space<vmem>>, vector<1x16xf32>,
      %get3A_177 = vector.shape_cast %get3A_176 : vector<1x16xf32> to vector<16xf32>
      %mul3A_178 = arith.mulf %get3A_173, %get3A_177 : vector<16xf32>
      %swap3A_179 = arith.index_cast %scan3A_142 : i32 to index
      %swap3A_180 = arith.constant 32 : index
      %swap3A_181 = tpu.vector_load %arg15[%swap3A_179, %swap3A_180] {strides = array<i32>} : memref<80x128xf32, #tpu.memory_space<vmem>>, vector<1x16xf32>,
      %swap3A_182 = vector.shape_cast %swap3A_181 : vector<1x16xf32> to vector<16xf32>
      %swap3A_183 = vector.shape_cast %mul3A_178 : vector<16xf32> to vector<1x16xf32>
      tpu.vector_store %arg15[%swap3A_179, %swap3A_180], %swap3A_183 {strides = array<i32>} : memref<80x128xf32, #tpu.memory_space<vmem>>, vector<1x16xf32>,
      %get3A_184 = arith.index_cast %scan3A_142 : i32 to index
      %get3A_185 = arith.constant 48 : index
      %get3A_186 = tpu.vector_load %arg15[%get3A_184, %get3A_185] {strides = array<i32>} : memref<80x128xf32, #tpu.memory_space<vmem>>, vector<1x16xf32>,
      %get3A_187 = vector.shape_cast %get3A_186 : vector<1x16xf32> to vector<16xf32>
      %get3A_188 = arith.index_cast %scan3A_142 : i32 to index
      %get3A_189 = arith.constant 48 : index
      %get3A_190 = tpu.vector_load %arg17[%get3A_188, %get3A_189] {strides = array<i32>} : memref<80x128xf32, #tpu.memory_space<vmem>>, vector<1x16xf32>,
      %get3A_191 = vector.shape_cast %get3A_190 : vector<1x16xf32> to vector<16xf32>
      %mul3A_192 = arith.mulf %get3A_187, %get3A_191 : vector<16xf32>
      %swap3A_193 = arith.index_cast %scan3A_142 : i32 to index
      %swap3A_194 = arith.constant 48 : index
      %swap3A_195 = tpu.vector_load %arg15[%swap3A_193, %swap3A_194] {strides = array<i32>} : memref<80x128xf32, #tpu.memory_space<vmem>>, vector<1x16xf32>,
      %swap3A_196 = vector.shape_cast %swap3A_195 : vector<1x16xf32> to vector<16xf32>
      %swap3A_197 = vector.shape_cast %mul3A_192 : vector<16xf32> to vector<1x16xf32>
      tpu.vector_store %arg15[%swap3A_193, %swap3A_194], %swap3A_197 {strides = array<i32>} : memref<80x128xf32, #tpu.memory_space<vmem>>, vector<1x16xf32>,
      %get3A_198 = arith.index_cast %scan3A_142 : i32 to index
      %get3A_199 = arith.constant 64 : index
      %get3A_200 = tpu.vector_load %arg15[%get3A_198, %get3A_199] {strides = array<i32>} : memref<80x128xf32, #tpu.memory_space<vmem>>, vector<1x16xf32>,
      %get3A_201 = vector.shape_cast %get3A_200 : vector<1x16xf32> to vector<16xf32>
      %get3A_202 = arith.index_cast %scan3A_142 : i32 to index
      %get3A_203 = arith.constant 64 : index
      %get3A_204 = tpu.vector_load %arg17[%get3A_202, %get3A_203] {strides = array<i32>} : memref<80x128xf32, #tpu.memory_space<vmem>>, vector<1x16xf32>,
      %get3A_205 = vector.shape_cast %get3A_204 : vector<1x16xf32> to vector<16xf32>
      %mul3A_206 = arith.mulf %get3A_201, %get3A_205 : vector<16xf32>
      %swap3A_207 = arith.index_cast %scan3A_142 : i32 to index
      %swap3A_208 = arith.constant 64 : index
      %swap3A_209 = tpu.vector_load %arg15[%swap3A_207, %swap3A_208] {strides = array<i32>} : memref<80x128xf32, #tpu.memory_space<vmem>>, vector<1x16xf32>,
      %swap3A_210 = vector.shape_cast %swap3A_209 : vector<1x16xf32> to vector<16xf32>
      %swap3A_211 = vector.shape_cast %mul3A_206 : vector<16xf32> to vector<1x16xf32>
      tpu.vector_store %arg15[%swap3A_207, %swap3A_208], %swap3A_211 {strides = array<i32>} : memref<80x128xf32, #tpu.memory_space<vmem>>, vector<1x16xf32>,
      %get3A_212 = arith.index_cast %scan3A_142 : i32 to index
      %get3A_213 = arith.constant 80 : index
      %get3A_214 = tpu.vector_load %arg15[%get3A_212, %get3A_213] {strides = array<i32>} : memref<80x128xf32, #tpu.memory_space<vmem>>, vector<1x16xf32>,
      %get3A_215 = vector.shape_cast %get3A_214 : vector<1x16xf32> to vector<16xf32>
      %get3A_216 = arith.index_cast %scan3A_142 : i32 to index
      %get3A_217 = arith.constant 80 : index
      %get3A_218 = tpu.vector_load %arg17[%get3A_216, %get3A_217] {strides = array<i32>} : memref<80x128xf32, #tpu.memory_space<vmem>>, vector<1x16xf32>,
      %get3A_219 = vector.shape_cast %get3A_218 : vector<1x16xf32> to vector<16xf32>
      %mul3A_220 = arith.mulf %get3A_215, %get3A_219 : vector<16xf32>
      %swap3A_221 = arith.index_cast %scan3A_142 : i32 to index
      %swap3A_222 = arith.constant 80 : index
      %swap3A_223 = tpu.vector_load %arg15[%swap3A_221, %swap3A_222] {strides = array<i32>} : memref<80x128xf32, #tpu.memory_space<vmem>>, vector<1x16xf32>,
      %swap3A_224 = vector.shape_cast %swap3A_223 : vector<1x16xf32> to vector<16xf32>
      %swap3A_225 = vector.shape_cast %mul3A_220 : vector<16xf32> to vector<1x16xf32>
      tpu.vector_store %arg15[%swap3A_221, %swap3A_222], %swap3A_225 {strides = array<i32>} : memref<80x128xf32, #tpu.memory_space<vmem>>, vector<1x16xf32>,
      %get3A_226 = arith.index_cast %scan3A_142 : i32 to index
      %get3A_227 = arith.constant 96 : index
      %get3A_228 = tpu.vector_load %arg15[%get3A_226, %get3A_227] {strides = array<i32>} : memref<80x128xf32, #tpu.memory_space<vmem>>, vector<1x16xf32>,
      %get3A_229 = vector.shape_cast %get3A_228 : vector<1x16xf32> to vector<16xf32>
      %get3A_230 = arith.index_cast %scan3A_142 : i32 to index
      %get3A_231 = arith.constant 96 : index
      %get3A_232 = tpu.vector_load %arg17[%get3A_230, %get3A_231] {strides = array<i32>} : memref<80x128xf32, #tpu.memory_space<vmem>>, vector<1x16xf32>,
      %get3A_233 = vector.shape_cast %get3A_232 : vector<1x16xf32> to vector<16xf32>
      %mul3A_234 = arith.mulf %get3A_229, %get3A_233 : vector<16xf32>
      %swap3A_235 = arith.index_cast %scan3A_142 : i32 to index
      %swap3A_236 = arith.constant 96 : index
      %swap3A_237 = tpu.vector_load %arg15[%swap3A_235, %swap3A_236] {strides = array<i32>} : memref<80x128xf32, #tpu.memory_space<vmem>>, vector<1x16xf32>,
      %swap3A_238 = vector.shape_cast %swap3A_237 : vector<1x16xf32> to vector<16xf32>
      %swap3A_239 = vector.shape_cast %mul3A_234 : vector<16xf32> to vector<1x16xf32>
      tpu.vector_store %arg15[%swap3A_235, %swap3A_236], %swap3A_239 {strides = array<i32>} : memref<80x128xf32, #tpu.memory_space<vmem>>, vector<1x16xf32>,
      %get3A_240 = arith.index_cast %scan3A_142 : i32 to index
      %get3A_241 = arith.constant 112 : index
      %get3A_242 = tpu.vector_load %arg15[%get3A_240, %get3A_241] {strides = array<i32>} : memref<80x128xf32, #tpu.memory_space<vmem>>, vector<1x16xf32>,
      %get3A_243 = vector.shape_cast %get3A_242 : vector<1x16xf32> to vector<16xf32>
      %get3A_244 = arith.index_cast %scan3A_142 : i32 to index
      %get3A_245 = arith.constant 112 : index
      %get3A_246 = tpu.vector_load %arg17[%get3A_244, %get3A_245] {strides = array<i32>} : memref<80x128xf32, #tpu.memory_space<vmem>>, vector<1x16xf32>,
      %get3A_247 = vector.shape_cast %get3A_246 : vector<1x16xf32> to vector<16xf32>
      %mul3A_248 = arith.mulf %get3A_243, %get3A_247 : vector<16xf32>
      %swap3A_249 = arith.index_cast %scan3A_142 : i32 to index
      %swap3A_250 = arith.constant 112 : index
      %swap3A_251 = tpu.vector_load %arg15[%swap3A_249, %swap3A_250] {strides = array<i32>} : memref<80x128xf32, #tpu.memory_space<vmem>>, vector<1x16xf32>,
      %swap3A_252 = vector.shape_cast %swap3A_251 : vector<1x16xf32> to vector<16xf32>
      %swap3A_253 = vector.shape_cast %mul3A_248 : vector<16xf32> to vector<1x16xf32>
      tpu.vector_store %arg15[%swap3A_249, %swap3A_250], %swap3A_253 {strides = array<i32>} : memref<80x128xf32, #tpu.memory_space<vmem>>, vector<1x16xf32>,
      %scan3A_254 = arith.constant 0 : i32
      scf.yield %scan3A_254 : i32
    }
    %scan3A_84 = arith.constant 80 : i32
    %dma_wait3A_85 = arith.constant 0 : i32
    %dma_wait3A_86 = tpu.memref_slice %arg5[%dma_wait3A_85] : memref<320000xi32, #tpu.memory_space<hbm>> -> memref<80xi32, #tpu.memory_space<hbm>>
    %dma_wait3A_87 = arith.constant 0 : i32
    %dma_wait3A_88 = tpu.memref_slice %arg5[%dma_wait3A_87] : memref<320000xi32, #tpu.memory_space<hbm>> -> memref<80xi32, #tpu.memory_space<hbm>>
    tpu.wait_dma2 semaphore(%arg21 : memref<!tpu.dma_semaphore, #tpu.memory_space<semaphore_mem>>) src(%dma_wait3A_88 : memref<80xi32, #tpu.memory_space<hbm>>) dst(%arg12 : memref<80xi32, #tpu.memory_space<vmem>>)
    %dma_start3A_89 = arith.constant 0 : i32
    %dma_start3A_90 = arith.constant 0 : i32
    %dma_start3A_91 = tpu.memref_slice %arg8[%dma_start3A_89, %dma_start3A_90] : memref<10000x128xf32, #tpu.memory_space<vmem_shared>> -> memref<10000x128xf32, #tpu.memory_space<vmem_shared>>
    tpu.enqueue_indirect_dma source(%arg15 : memref<80x128xf32, #tpu.memory_space<vmem>>) target(%dma_start3A_91 : memref<10000x128xf32, #tpu.memory_space<vmem_shared>>) offsets(%arg12 : memref<80xi32, #tpu.memory_space<vmem>>) semaphore(%arg27 : memref<!tpu.dma_semaphore, #tpu.memory_space<semaphore_mem>>) {add = true}
    %dma_wait3A_92 = arith.constant 0 : i32
    %dma_wait3A_93 = arith.constant 0 : i32
    %dma_wait3A_94 = tpu.memref_slice %arg8[%dma_wait3A_92, %dma_wait3A_93] : memref<10000x128xf32, #tpu.memory_space<vmem_shared>> -> memref<10000x128xf32, #tpu.memory_space<vmem_shared>>
    tpu.wait_indirect_dma semaphore(%arg27 : memref<!tpu.dma_semaphore, #tpu.memory_space<semaphore_mem>>) src(%arg15 : memref<80x128xf32, #tpu.memory_space<vmem>>) dst(%dma_wait3A_94 : memref<10000x128xf32, #tpu.memory_space<vmem_shared>>)
    %barrier3A_95 = arith.constant 0 : index
    tpu.barrier barrier_id(%barrier3A_95)
    %eq3A_96 = arith.constant 15 : i32
    %eq3A_97 = arith.cmpi eq, %arg1, %eq3A_96 : i32
    %convert_element_type3A_98 = arith.extui %eq3A_97 : i1 to i32
    %cond3A_99 = arith.constant 0 : i32
    %cond3A_100 = arith.cmpi ne, %convert_element_type3A_98, %cond3A_99 : i32
    scf.if %cond3A_100 {
      "tpu.region"() ({
        %run_scoped3A = tpu.sem_alloc : memref<!tpu.dma_semaphore, #tpu.memory_space<semaphore_mem>>
        %dma_start3A_142 = arith.constant 0 : i32
        %dma_start3A_143 = tpu.memref_slice %arg6[%arg0, %multiple_of3A, %dma_start3A_142] : memref<2x10000x128xf32, #tpu.memory_space<hbm>> -> memref<1x640x128xf32, #tpu.memory_space<hbm>>
        %dma_start3A_144 = tpu.memref_squeeze %dma_start3A_143 : memref<1x640x128xf32, #tpu.memory_space<hbm>> -> memref<640x128xf32, #tpu.memory_space<hbm>>
        %dma_start3A_145 = arith.constant 0 : i32
        %dma_start3A_146 = tpu.memref_slice %arg8[%multiple_of3A, %dma_start3A_145] : memref<10000x128xf32, #tpu.memory_space<vmem_shared>> -> memref<640x128xf32, #tpu.memory_space<vmem_shared>>
        tpu.enqueue_dma source(%dma_start3A_146 : memref<640x128xf32, #tpu.memory_space<vmem_shared>>) target(%dma_start3A_144 : memref<640x128xf32, #tpu.memory_space<hbm>>) target_semaphore(%run_scoped3A : memref<!tpu.dma_semaphore, #tpu.memory_space<semaphore_mem>>)
        %dma_wait3A_147 = arith.constant 0 : i32
        %dma_wait3A_148 = tpu.memref_slice %arg6[%arg0, %multiple_of3A, %dma_wait3A_147] : memref<2x10000x128xf32, #tpu.memory_space<hbm>> -> memref<1x640x128xf32, #tpu.memory_space<hbm>>
        %dma_wait3A_149 = tpu.memref_squeeze %dma_wait3A_148 : memref<1x640x128xf32, #tpu.memory_space<hbm>> -> memref<640x128xf32, #tpu.memory_space<hbm>>
        %dma_wait3A_150 = arith.constant 0 : i32
        %dma_wait3A_151 = tpu.memref_slice %arg8[%multiple_of3A, %dma_wait3A_150] : memref<10000x128xf32, #tpu.memory_space<vmem_shared>> -> memref<640x128xf32, #tpu.memory_space<vmem_shared>>
        tpu.wait_dma2 semaphore(%run_scoped3A : memref<!tpu.dma_semaphore, #tpu.memory_space<semaphore_mem>>) src(%dma_wait3A_151 : memref<640x128xf32, #tpu.memory_space<vmem_shared>>) dst(%dma_wait3A_149 : memref<640x128xf32, #tpu.memory_space<hbm>>)
        tpu.yield
      }) : () -> ()
    } else {
    }
    %ne3A_101 = arith.constant 15 : i32
    %ne3A_102 = arith.cmpi ne, %arg1, %ne3A_101 : i32
    %convert_element_type3A_103 = arith.extui %ne3A_102 : i1 to i32
    %cond3A_104 = arith.constant 0 : i32
    %cond3A_105 = arith.cmpi ne, %convert_element_type3A_103, %cond3A_104 : i32
    scf.if %cond3A_105 {
      "tpu.region"() ({
        %run_scoped3A = tpu.sem_alloc : memref<!tpu.dma_semaphore, #tpu.memory_space<semaphore_mem>>
        %dma_start3A_142 = arith.constant 0 : i32
        %dma_start3A_143 = tpu.memref_slice %arg6[%arg0, %multiple_of3A, %dma_start3A_142] : memref<2x10000x128xf32, #tpu.memory_space<hbm>> -> memref<1x624x128xf32, #tpu.memory_space<hbm>>
        %dma_start3A_144 = tpu.memref_squeeze %dma_start3A_143 : memref<1x624x128xf32, #tpu.memory_space<hbm>> -> memref<624x128xf32, #tpu.memory_space<hbm>>
        %dma_start3A_145 = arith.constant 0 : i32
        %dma_start3A_146 = tpu.memref_slice %arg8[%multiple_of3A, %dma_start3A_145] : memref<10000x128xf32, #tpu.memory_space<vmem_shared>> -> memref<624x128xf32, #tpu.memory_space<vmem_shared>>
        tpu.enqueue_dma source(%dma_start3A_146 : memref<624x128xf32, #tpu.memory_space<vmem_shared>>) target(%dma_start3A_144 : memref<624x128xf32, #tpu.memory_space<hbm>>) target_semaphore(%run_scoped3A : memref<!tpu.dma_semaphore, #tpu.memory_space<semaphore_mem>>)
        %dma_wait3A_147 = arith.constant 0 : i32
        %dma_wait3A_148 = tpu.memref_slice %arg6[%arg0, %multiple_of3A, %dma_wait3A_147] : memref<2x10000x128xf32, #tpu.memory_space<hbm>> -> memref<1x624x128xf32, #tpu.memory_space<hbm>>
        %dma_wait3A_149 = tpu.memref_squeeze %dma_wait3A_148 : memref<1x624x128xf32, #tpu.memory_space<hbm>> -> memref<624x128xf32, #tpu.memory_space<hbm>>
        %dma_wait3A_150 = arith.constant 0 : i32
        %dma_wait3A_151 = tpu.memref_slice %arg8[%multiple_of3A, %dma_wait3A_150] : memref<10000x128xf32, #tpu.memory_space<vmem_shared>> -> memref<624x128xf32, #tpu.memory_space<vmem_shared>>
        tpu.wait_dma2 semaphore(%run_scoped3A : memref<!tpu.dma_semaphore, #tpu.memory_space<semaphore_mem>>) src(%dma_wait3A_151 : memref<624x128xf32, #tpu.memory_space<vmem_shared>>) dst(%dma_wait3A_149 : memref<624x128xf32, #tpu.memory_space<hbm>>)
        tpu.yield
      }) : () -> ()
    } else {
    }
    %scan3A_106 = arith.constant 0 : i32
    %scan3A_107 = arith.constant 0 : i32
    %scan3A_108 = arith.constant 80 : i32
    %scan3A_109 = arith.addi %scan3A_107, %scan3A_108 : i32
    %scan3A_110 = arith.constant 1 : i32
    %scan3A_111 = scf.for %scan3A_142 = %scan3A_107 to %scan3A_109 step %scan3A_110 iter_args(%scan3A_143 = %scan3A_106) -> (i32)  : i32 {
      %swap3A = arith.index_cast %scan3A_142 : i32 to index
      %swap3A_144 = arith.constant 0 : index
      %swap3A_145 = tpu.vector_load %arg15[%swap3A, %swap3A_144] {strides = array<i32>} : memref<80x128xf32, #tpu.memory_space<vmem>>, vector<1x16xf32>,
      %swap3A_146 = vector.shape_cast %swap3A_145 : vector<1x16xf32> to vector<16xf32>
      %swap3A_147 = vector.shape_cast %broadcast_in_dim3A_1 : vector<16xf32> to vector<1x16xf32>
      tpu.vector_store %arg15[%swap3A, %swap3A_144], %swap3A_147 {strides = array<i32>} : memref<80x128xf32, #tpu.memory_space<vmem>>, vector<1x16xf32>,
      %swap3A_148 = arith.index_cast %scan3A_142 : i32 to index
      %swap3A_149 = arith.constant 0 : index
      %swap3A_150 = tpu.vector_load %arg17[%swap3A_148, %swap3A_149] {strides = array<i32>} : memref<80x128xf32, #tpu.memory_space<vmem>>, vector<1x16xf32>,
      %swap3A_151 = vector.shape_cast %swap3A_150 : vector<1x16xf32> to vector<16xf32>
      %swap3A_152 = vector.shape_cast %broadcast_in_dim3A_3 : vector<16xf32> to vector<1x16xf32>
      tpu.vector_store %arg17[%swap3A_148, %swap3A_149], %swap3A_152 {strides = array<i32>} : memref<80x128xf32, #tpu.memory_space<vmem>>, vector<1x16xf32>,
      %swap3A_153 = arith.index_cast %scan3A_142 : i32 to index
      %swap3A_154 = arith.constant 16 : index
      %swap3A_155 = tpu.vector_load %arg15[%swap3A_153, %swap3A_154] {strides = array<i32>} : memref<80x128xf32, #tpu.memory_space<vmem>>, vector<1x16xf32>,
      %swap3A_156 = vector.shape_cast %swap3A_155 : vector<1x16xf32> to vector<16xf32>
      %swap3A_157 = vector.shape_cast %broadcast_in_dim3A_1 : vector<16xf32> to vector<1x16xf32>
      tpu.vector_store %arg15[%swap3A_153, %swap3A_154], %swap3A_157 {strides = array<i32>} : memref<80x128xf32, #tpu.memory_space<vmem>>, vector<1x16xf32>,
      %swap3A_158 = arith.index_cast %scan3A_142 : i32 to index
      %swap3A_159 = arith.constant 16 : index
      %swap3A_160 = tpu.vector_load %arg17[%swap3A_158, %swap3A_159] {strides = array<i32>} : memref<80x128xf32, #tpu.memory_space<vmem>>, vector<1x16xf32>,
      %swap3A_161 = vector.shape_cast %swap3A_160 : vector<1x16xf32> to vector<16xf32>
      %swap3A_162 = vector.shape_cast %broadcast_in_dim3A_3 : vector<16xf32> to vector<1x16xf32>
      tpu.vector_store %arg17[%swap3A_158, %swap3A_159], %swap3A_162 {strides = array<i32>} : memref<80x128xf32, #tpu.memory_space<vmem>>, vector<1x16xf32>,
      %swap3A_163 = arith.index_cast %scan3A_142 : i32 to index
      %swap3A_164 = arith.constant 32 : index
      %swap3A_165 = tpu.vector_load %arg15[%swap3A_163, %swap3A_164] {strides = array<i32>} : memref<80x128xf32, #tpu.memory_space<vmem>>, vector<1x16xf32>,
      %swap3A_166 = vector.shape_cast %swap3A_165 : vector<1x16xf32> to vector<16xf32>
      %swap3A_167 = vector.shape_cast %broadcast_in_dim3A_1 : vector<16xf32> to vector<1x16xf32>
      tpu.vector_store %arg15[%swap3A_163, %swap3A_164], %swap3A_167 {strides = array<i32>} : memref<80x128xf32, #tpu.memory_space<vmem>>, vector<1x16xf32>,
      %swap3A_168 = arith.index_cast %scan3A_142 : i32 to index
      %swap3A_169 = arith.constant 32 : index
      %swap3A_170 = tpu.vector_load %arg17[%swap3A_168, %swap3A_169] {strides = array<i32>} : memref<80x128xf32, #tpu.memory_space<vmem>>, vector<1x16xf32>,
      %swap3A_171 = vector.shape_cast %swap3A_170 : vector<1x16xf32> to vector<16xf32>
      %swap3A_172 = vector.shape_cast %broadcast_in_dim3A_3 : vector<16xf32> to vector<1x16xf32>
      tpu.vector_store %arg17[%swap3A_168, %swap3A_169], %swap3A_172 {strides = array<i32>} : memref<80x128xf32, #tpu.memory_space<vmem>>, vector<1x16xf32>,
      %swap3A_173 = arith.index_cast %scan3A_142 : i32 to index
      %swap3A_174 = arith.constant 48 : index
      %swap3A_175 = tpu.vector_load %arg15[%swap3A_173, %swap3A_174] {strides = array<i32>} : memref<80x128xf32, #tpu.memory_space<vmem>>, vector<1x16xf32>,
      %swap3A_176 = vector.shape_cast %swap3A_175 : vector<1x16xf32> to vector<16xf32>
      %swap3A_177 = vector.shape_cast %broadcast_in_dim3A_1 : vector<16xf32> to vector<1x16xf32>
      tpu.vector_store %arg15[%swap3A_173, %swap3A_174], %swap3A_177 {strides = array<i32>} : memref<80x128xf32, #tpu.memory_space<vmem>>, vector<1x16xf32>,
      %swap3A_178 = arith.index_cast %scan3A_142 : i32 to index
      %swap3A_179 = arith.constant 48 : index
      %swap3A_180 = tpu.vector_load %arg17[%swap3A_178, %swap3A_179] {strides = array<i32>} : memref<80x128xf32, #tpu.memory_space<vmem>>, vector<1x16xf32>,
      %swap3A_181 = vector.shape_cast %swap3A_180 : vector<1x16xf32> to vector<16xf32>
      %swap3A_182 = vector.shape_cast %broadcast_in_dim3A_3 : vector<16xf32> to vector<1x16xf32>
      tpu.vector_store %arg17[%swap3A_178, %swap3A_179], %swap3A_182 {strides = array<i32>} : memref<80x128xf32, #tpu.memory_space<vmem>>, vector<1x16xf32>,
      %swap3A_183 = arith.index_cast %scan3A_142 : i32 to index
      %swap3A_184 = arith.constant 64 : index
      %swap3A_185 = tpu.vector_load %arg15[%swap3A_183, %swap3A_184] {strides = array<i32>} : memref<80x128xf32, #tpu.memory_space<vmem>>, vector<1x16xf32>,
      %swap3A_186 = vector.shape_cast %swap3A_185 : vector<1x16xf32> to vector<16xf32>
      %swap3A_187 = vector.shape_cast %broadcast_in_dim3A_1 : vector<16xf32> to vector<1x16xf32>
      tpu.vector_store %arg15[%swap3A_183, %swap3A_184], %swap3A_187 {strides = array<i32>} : memref<80x128xf32, #tpu.memory_space<vmem>>, vector<1x16xf32>,
      %swap3A_188 = arith.index_cast %scan3A_142 : i32 to index
      %swap3A_189 = arith.constant 64 : index
      %swap3A_190 = tpu.vector_load %arg17[%swap3A_188, %swap3A_189] {strides = array<i32>} : memref<80x128xf32, #tpu.memory_space<vmem>>, vector<1x16xf32>,
      %swap3A_191 = vector.shape_cast %swap3A_190 : vector<1x16xf32> to vector<16xf32>
      %swap3A_192 = vector.shape_cast %broadcast_in_dim3A_3 : vector<16xf32> to vector<1x16xf32>
      tpu.vector_store %arg17[%swap3A_188, %swap3A_189], %swap3A_192 {strides = array<i32>} : memref<80x128xf32, #tpu.memory_space<vmem>>, vector<1x16xf32>,
      %swap3A_193 = arith.index_cast %scan3A_142 : i32 to index
      %swap3A_194 = arith.constant 80 : index
      %swap3A_195 = tpu.vector_load %arg15[%swap3A_193, %swap3A_194] {strides = array<i32>} : memref<80x128xf32, #tpu.memory_space<vmem>>, vector<1x16xf32>,
      %swap3A_196 = vector.shape_cast %swap3A_195 : vector<1x16xf32> to vector<16xf32>
      %swap3A_197 = vector.shape_cast %broadcast_in_dim3A_1 : vector<16xf32> to vector<1x16xf32>
      tpu.vector_store %arg15[%swap3A_193, %swap3A_194], %swap3A_197 {strides = array<i32>} : memref<80x128xf32, #tpu.memory_space<vmem>>, vector<1x16xf32>,
      %swap3A_198 = arith.index_cast %scan3A_142 : i32 to index
      %swap3A_199 = arith.constant 80 : index
      %swap3A_200 = tpu.vector_load %arg17[%swap3A_198, %swap3A_199] {strides = array<i32>} : memref<80x128xf32, #tpu.memory_space<vmem>>, vector<1x16xf32>,
      %swap3A_201 = vector.shape_cast %swap3A_200 : vector<1x16xf32> to vector<16xf32>
      %swap3A_202 = vector.shape_cast %broadcast_in_dim3A_3 : vector<16xf32> to vector<1x16xf32>
      tpu.vector_store %arg17[%swap3A_198, %swap3A_199], %swap3A_202 {strides = array<i32>} : memref<80x128xf32, #tpu.memory_space<vmem>>, vector<1x16xf32>,
      %swap3A_203 = arith.index_cast %scan3A_142 : i32 to index
      %swap3A_204 = arith.constant 96 : index
      %swap3A_205 = tpu.vector_load %arg15[%swap3A_203, %swap3A_204] {strides = array<i32>} : memref<80x128xf32, #tpu.memory_space<vmem>>, vector<1x16xf32>,
      %swap3A_206 = vector.shape_cast %swap3A_205 : vector<1x16xf32> to vector<16xf32>
      %swap3A_207 = vector.shape_cast %broadcast_in_dim3A_1 : vector<16xf32> to vector<1x16xf32>
      tpu.vector_store %arg15[%swap3A_203, %swap3A_204], %swap3A_207 {strides = array<i32>} : memref<80x128xf32, #tpu.memory_space<vmem>>, vector<1x16xf32>,
      %swap3A_208 = arith.index_cast %scan3A_142 : i32 to index
      %swap3A_209 = arith.constant 96 : index
      %swap3A_210 = tpu.vector_load %arg17[%swap3A_208, %swap3A_209] {strides = array<i32>} : memref<80x128xf32, #tpu.memory_space<vmem>>, vector<1x16xf32>,
      %swap3A_211 = vector.shape_cast %swap3A_210 : vector<1x16xf32> to vector<16xf32>
      %swap3A_212 = vector.shape_cast %broadcast_in_dim3A_3 : vector<16xf32> to vector<1x16xf32>
      tpu.vector_store %arg17[%swap3A_208, %swap3A_209], %swap3A_212 {strides = array<i32>} : memref<80x128xf32, #tpu.memory_space<vmem>>, vector<1x16xf32>,
      %swap3A_213 = arith.index_cast %scan3A_142 : i32 to index
      %swap3A_214 = arith.constant 112 : index
      %swap3A_215 = tpu.vector_load %arg15[%swap3A_213, %swap3A_214] {strides = array<i32>} : memref<80x128xf32, #tpu.memory_space<vmem>>, vector<1x16xf32>,
      %swap3A_216 = vector.shape_cast %swap3A_215 : vector<1x16xf32> to vector<16xf32>
      %swap3A_217 = vector.shape_cast %broadcast_in_dim3A_1 : vector<16xf32> to vector<1x16xf32>
      tpu.vector_store %arg15[%swap3A_213, %swap3A_214], %swap3A_217 {strides = array<i32>} : memref<80x128xf32, #tpu.memory_space<vmem>>, vector<1x16xf32>,
      %swap3A_218 = arith.index_cast %scan3A_142 : i32 to index
      %swap3A_219 = arith.constant 112 : index
      %swap3A_220 = tpu.vector_load %arg17[%swap3A_218, %swap3A_219] {strides = array<i32>} : memref<80x128xf32, #tpu.memory_space<vmem>>, vector<1x16xf32>,
      %swap3A_221 = vector.shape_cast %swap3A_220 : vector<1x16xf32> to vector<16xf32>
      %swap3A_222 = vector.shape_cast %broadcast_in_dim3A_3 : vector<16xf32> to vector<1x16xf32>
      tpu.vector_store %arg17[%swap3A_218, %swap3A_219], %swap3A_222 {strides = array<i32>} : memref<80x128xf32, #tpu.memory_space<vmem>>, vector<1x16xf32>,
      %scan3A_223 = arith.constant 0 : i32
      scf.yield %scan3A_223 : i32
    }
    %scan3A_112 = arith.constant 80 : i32
    %eq3A_113 = arith.constant 15 : i32
    %eq3A_114 = arith.cmpi eq, %arg1, %eq3A_113 : i32
    %convert_element_type3A_115 = arith.extui %eq3A_114 : i1 to i32
    %cond3A_116 = arith.constant 0 : i32
    %cond3A_117 = arith.cmpi ne, %convert_element_type3A_115, %cond3A_116 : i32
    scf.if %cond3A_117 {
      %add3A_142 = arith.constant 0 : i32
      %add3A_143 = arith.addi %multiple_of3A, %add3A_142 : i32
      %add3A_144 = arith.constant 80 : i32
      %add3A_145 = arith.addi %multiple_of3A, %add3A_144 : i32
      %add3A_146 = arith.constant 160 : i32
      %add3A_147 = arith.addi %multiple_of3A, %add3A_146 : i32
      %add3A_148 = arith.constant 240 : i32
      %add3A_149 = arith.addi %multiple_of3A, %add3A_148 : i32
      %add3A_150 = arith.constant 320 : i32
      %add3A_151 = arith.addi %multiple_of3A, %add3A_150 : i32
      %add3A_152 = arith.constant 400 : i32
      %add3A_153 = arith.addi %multiple_of3A, %add3A_152 : i32
      %add3A_154 = arith.constant 480 : i32
      %add3A_155 = arith.addi %multiple_of3A, %add3A_154 : i32
      %add3A_156 = arith.constant 560 : i32
      %add3A_157 = arith.addi %multiple_of3A, %add3A_156 : i32
      %multiple_of3A_158 = tpu.assume_multiple %add3A_143, 8 : i32
      %dma_start3A_159 = arith.constant 0 : i32
      %dma_start3A_160 = tpu.memref_slice %arg8[%multiple_of3A_158, %dma_start3A_159] : memref<10000x128xf32, #tpu.memory_space<vmem_shared>> -> memref<80x128xf32, #tpu.memory_space<vmem_shared>>
      %dma_start3A_161 = arith.constant 0 : i32
      %dma_start3A_162 = tpu.memref_slice %arg8[%multiple_of3A_158, %dma_start3A_161] : memref<10000x128xf32, #tpu.memory_space<vmem_shared>> -> memref<80x128xf32, #tpu.memory_space<vmem_shared>>
      tpu.enqueue_dma source(%arg15 : memref<80x128xf32, #tpu.memory_space<vmem>>) target(%dma_start3A_162 : memref<80x128xf32, #tpu.memory_space<vmem_shared>>) target_semaphore(%arg27 : memref<!tpu.dma_semaphore, #tpu.memory_space<semaphore_mem>>)
      %multiple_of3A_163 = tpu.assume_multiple %add3A_145, 8 : i32
      %dma_start3A_164 = arith.constant 0 : i32
      %dma_start3A_165 = tpu.memref_slice %arg8[%multiple_of3A_163, %dma_start3A_164] : memref<10000x128xf32, #tpu.memory_space<vmem_shared>> -> memref<80x128xf32, #tpu.memory_space<vmem_shared>>
      %dma_start3A_166 = arith.constant 0 : i32
      %dma_start3A_167 = tpu.memref_slice %arg8[%multiple_of3A_163, %dma_start3A_166] : memref<10000x128xf32, #tpu.memory_space<vmem_shared>> -> memref<80x128xf32, #tpu.memory_space<vmem_shared>>
      tpu.enqueue_dma source(%arg15 : memref<80x128xf32, #tpu.memory_space<vmem>>) target(%dma_start3A_167 : memref<80x128xf32, #tpu.memory_space<vmem_shared>>) target_semaphore(%arg27 : memref<!tpu.dma_semaphore, #tpu.memory_space<semaphore_mem>>)
      %multiple_of3A_168 = tpu.assume_multiple %add3A_147, 8 : i32
      %dma_start3A_169 = arith.constant 0 : i32
      %dma_start3A_170 = tpu.memref_slice %arg8[%multiple_of3A_168, %dma_start3A_169] : memref<10000x128xf32, #tpu.memory_space<vmem_shared>> -> memref<80x128xf32, #tpu.memory_space<vmem_shared>>
      %dma_start3A_171 = arith.constant 0 : i32
      %dma_start3A_172 = tpu.memref_slice %arg8[%multiple_of3A_168, %dma_start3A_171] : memref<10000x128xf32, #tpu.memory_space<vmem_shared>> -> memref<80x128xf32, #tpu.memory_space<vmem_shared>>
      tpu.enqueue_dma source(%arg15 : memref<80x128xf32, #tpu.memory_space<vmem>>) target(%dma_start3A_172 : memref<80x128xf32, #tpu.memory_space<vmem_shared>>) target_semaphore(%arg27 : memref<!tpu.dma_semaphore, #tpu.memory_space<semaphore_mem>>)
      %multiple_of3A_173 = tpu.assume_multiple %add3A_149, 8 : i32
      %dma_start3A_174 = arith.constant 0 : i32
      %dma_start3A_175 = tpu.memref_slice %arg8[%multiple_of3A_173, %dma_start3A_174] : memref<10000x128xf32, #tpu.memory_space<vmem_shared>> -> memref<80x128xf32, #tpu.memory_space<vmem_shared>>
      %dma_start3A_176 = arith.constant 0 : i32
      %dma_start3A_177 = tpu.memref_slice %arg8[%multiple_of3A_173, %dma_start3A_176] : memref<10000x128xf32, #tpu.memory_space<vmem_shared>> -> memref<80x128xf32, #tpu.memory_space<vmem_shared>>
      tpu.enqueue_dma source(%arg15 : memref<80x128xf32, #tpu.memory_space<vmem>>) target(%dma_start3A_177 : memref<80x128xf32, #tpu.memory_space<vmem_shared>>) target_semaphore(%arg27 : memref<!tpu.dma_semaphore, #tpu.memory_space<semaphore_mem>>)
      %multiple_of3A_178 = tpu.assume_multiple %add3A_151, 8 : i32
      %dma_start3A_179 = arith.constant 0 : i32
      %dma_start3A_180 = tpu.memref_slice %arg8[%multiple_of3A_178, %dma_start3A_179] : memref<10000x128xf32, #tpu.memory_space<vmem_shared>> -> memref<80x128xf32, #tpu.memory_space<vmem_shared>>
      %dma_start3A_181 = arith.constant 0 : i32
      %dma_start3A_182 = tpu.memref_slice %arg8[%multiple_of3A_178, %dma_start3A_181] : memref<10000x128xf32, #tpu.memory_space<vmem_shared>> -> memref<80x128xf32, #tpu.memory_space<vmem_shared>>
      tpu.enqueue_dma source(%arg15 : memref<80x128xf32, #tpu.memory_space<vmem>>) target(%dma_start3A_182 : memref<80x128xf32, #tpu.memory_space<vmem_shared>>) target_semaphore(%arg27 : memref<!tpu.dma_semaphore, #tpu.memory_space<semaphore_mem>>)
      %multiple_of3A_183 = tpu.assume_multiple %add3A_153, 8 : i32
      %dma_start3A_184 = arith.constant 0 : i32
      %dma_start3A_185 = tpu.memref_slice %arg8[%multiple_of3A_183, %dma_start3A_184] : memref<10000x128xf32, #tpu.memory_space<vmem_shared>> -> memref<80x128xf32, #tpu.memory_space<vmem_shared>>
      %dma_start3A_186 = arith.constant 0 : i32
      %dma_start3A_187 = tpu.memref_slice %arg8[%multiple_of3A_183, %dma_start3A_186] : memref<10000x128xf32, #tpu.memory_space<vmem_shared>> -> memref<80x128xf32, #tpu.memory_space<vmem_shared>>
      tpu.enqueue_dma source(%arg15 : memref<80x128xf32, #tpu.memory_space<vmem>>) target(%dma_start3A_187 : memref<80x128xf32, #tpu.memory_space<vmem_shared>>) target_semaphore(%arg27 : memref<!tpu.dma_semaphore, #tpu.memory_space<semaphore_mem>>)
      %multiple_of3A_188 = tpu.assume_multiple %add3A_155, 8 : i32
      %dma_start3A_189 = arith.constant 0 : i32
      %dma_start3A_190 = tpu.memref_slice %arg8[%multiple_of3A_188, %dma_start3A_189] : memref<10000x128xf32, #tpu.memory_space<vmem_shared>> -> memref<80x128xf32, #tpu.memory_space<vmem_shared>>
      %dma_start3A_191 = arith.constant 0 : i32
      %dma_start3A_192 = tpu.memref_slice %arg8[%multiple_of3A_188, %dma_start3A_191] : memref<10000x128xf32, #tpu.memory_space<vmem_shared>> -> memref<80x128xf32, #tpu.memory_space<vmem_shared>>
      tpu.enqueue_dma source(%arg15 : memref<80x128xf32, #tpu.memory_space<vmem>>) target(%dma_start3A_192 : memref<80x128xf32, #tpu.memory_space<vmem_shared>>) target_semaphore(%arg27 : memref<!tpu.dma_semaphore, #tpu.memory_space<semaphore_mem>>)
      %multiple_of3A_193 = tpu.assume_multiple %add3A_157, 8 : i32
      %dma_start3A_194 = arith.constant 0 : i32
      %dma_start3A_195 = tpu.memref_slice %arg8[%multiple_of3A_193, %dma_start3A_194] : memref<10000x128xf32, #tpu.memory_space<vmem_shared>> -> memref<80x128xf32, #tpu.memory_space<vmem_shared>>
      %dma_start3A_196 = arith.constant 0 : i32
      %dma_start3A_197 = tpu.memref_slice %arg8[%multiple_of3A_193, %dma_start3A_196] : memref<10000x128xf32, #tpu.memory_space<vmem_shared>> -> memref<80x128xf32, #tpu.memory_space<vmem_shared>>
      tpu.enqueue_dma source(%arg15 : memref<80x128xf32, #tpu.memory_space<vmem>>) target(%dma_start3A_197 : memref<80x128xf32, #tpu.memory_space<vmem_shared>>) target_semaphore(%arg27 : memref<!tpu.dma_semaphore, #tpu.memory_space<semaphore_mem>>)
      %multiple_of3A_198 = tpu.assume_multiple %add3A_143, 8 : i32
      %dma_wait3A_199 = arith.constant 0 : i32
      %dma_wait3A_200 = tpu.memref_slice %arg8[%multiple_of3A_198, %dma_wait3A_199] : memref<10000x128xf32, #tpu.memory_space<vmem_shared>> -> memref<80x128xf32, #tpu.memory_space<vmem_shared>>
      %dma_wait3A_201 = arith.constant 0 : i32
      %dma_wait3A_202 = tpu.memref_slice %arg8[%multiple_of3A_198, %dma_wait3A_201] : memref<10000x128xf32, #tpu.memory_space<vmem_shared>> -> memref<80x128xf32, #tpu.memory_space<vmem_shared>>
      tpu.wait_dma2 semaphore(%arg27 : memref<!tpu.dma_semaphore, #tpu.memory_space<semaphore_mem>>) src(%arg15 : memref<80x128xf32, #tpu.memory_space<vmem>>) dst(%dma_wait3A_202 : memref<80x128xf32, #tpu.memory_space<vmem_shared>>)
      %multiple_of3A_203 = tpu.assume_multiple %add3A_145, 8 : i32
      %dma_wait3A_204 = arith.constant 0 : i32
      %dma_wait3A_205 = tpu.memref_slice %arg8[%multiple_of3A_203, %dma_wait3A_204] : memref<10000x128xf32, #tpu.memory_space<vmem_shared>> -> memref<80x128xf32, #tpu.memory_space<vmem_shared>>
      %dma_wait3A_206 = arith.constant 0 : i32
      %dma_wait3A_207 = tpu.memref_slice %arg8[%multiple_of3A_203, %dma_wait3A_206] : memref<10000x128xf32, #tpu.memory_space<vmem_shared>> -> memref<80x128xf32, #tpu.memory_space<vmem_shared>>
      tpu.wait_dma2 semaphore(%arg27 : memref<!tpu.dma_semaphore, #tpu.memory_space<semaphore_mem>>) src(%arg15 : memref<80x128xf32, #tpu.memory_space<vmem>>) dst(%dma_wait3A_207 : memref<80x128xf32, #tpu.memory_space<vmem_shared>>)
      %multiple_of3A_208 = tpu.assume_multiple %add3A_147, 8 : i32
      %dma_wait3A_209 = arith.constant 0 : i32
      %dma_wait3A_210 = tpu.memref_slice %arg8[%multiple_of3A_208, %dma_wait3A_209] : memref<10000x128xf32, #tpu.memory_space<vmem_shared>> -> memref<80x128xf32, #tpu.memory_space<vmem_shared>>
      %dma_wait3A_211 = arith.constant 0 : i32
      %dma_wait3A_212 = tpu.memref_slice %arg8[%multiple_of3A_208, %dma_wait3A_211] : memref<10000x128xf32, #tpu.memory_space<vmem_shared>> -> memref<80x128xf32, #tpu.memory_space<vmem_shared>>
      tpu.wait_dma2 semaphore(%arg27 : memref<!tpu.dma_semaphore, #tpu.memory_space<semaphore_mem>>) src(%arg15 : memref<80x128xf32, #tpu.memory_space<vmem>>) dst(%dma_wait3A_212 : memref<80x128xf32, #tpu.memory_space<vmem_shared>>)
      %multiple_of3A_213 = tpu.assume_multiple %add3A_149, 8 : i32
      %dma_wait3A_214 = arith.constant 0 : i32
      %dma_wait3A_215 = tpu.memref_slice %arg8[%multiple_of3A_213, %dma_wait3A_214] : memref<10000x128xf32, #tpu.memory_space<vmem_shared>> -> memref<80x128xf32, #tpu.memory_space<vmem_shared>>
      %dma_wait3A_216 = arith.constant 0 : i32
      %dma_wait3A_217 = tpu.memref_slice %arg8[%multiple_of3A_213, %dma_wait3A_216] : memref<10000x128xf32, #tpu.memory_space<vmem_shared>> -> memref<80x128xf32, #tpu.memory_space<vmem_shared>>
      tpu.wait_dma2 semaphore(%arg27 : memref<!tpu.dma_semaphore, #tpu.memory_space<semaphore_mem>>) src(%arg15 : memref<80x128xf32, #tpu.memory_space<vmem>>) dst(%dma_wait3A_217 : memref<80x128xf32, #tpu.memory_space<vmem_shared>>)
      %multiple_of3A_218 = tpu.assume_multiple %add3A_151, 8 : i32
      %dma_wait3A_219 = arith.constant 0 : i32
      %dma_wait3A_220 = tpu.memref_slice %arg8[%multiple_of3A_218, %dma_wait3A_219] : memref<10000x128xf32, #tpu.memory_space<vmem_shared>> -> memref<80x128xf32, #tpu.memory_space<vmem_shared>>
      %dma_wait3A_221 = arith.constant 0 : i32
      %dma_wait3A_222 = tpu.memref_slice %arg8[%multiple_of3A_218, %dma_wait3A_221] : memref<10000x128xf32, #tpu.memory_space<vmem_shared>> -> memref<80x128xf32, #tpu.memory_space<vmem_shared>>
      tpu.wait_dma2 semaphore(%arg27 : memref<!tpu.dma_semaphore, #tpu.memory_space<semaphore_mem>>) src(%arg15 : memref<80x128xf32, #tpu.memory_space<vmem>>) dst(%dma_wait3A_222 : memref<80x128xf32, #tpu.memory_space<vmem_shared>>)
      %multiple_of3A_223 = tpu.assume_multiple %add3A_153, 8 : i32
      %dma_wait3A_224 = arith.constant 0 : i32
      %dma_wait3A_225 = tpu.memref_slice %arg8[%multiple_of3A_223, %dma_wait3A_224] : memref<10000x128xf32, #tpu.memory_space<vmem_shared>> -> memref<80x128xf32, #tpu.memory_space<vmem_shared>>
      %dma_wait3A_226 = arith.constant 0 : i32
      %dma_wait3A_227 = tpu.memref_slice %arg8[%multiple_of3A_223, %dma_wait3A_226] : memref<10000x128xf32, #tpu.memory_space<vmem_shared>> -> memref<80x128xf32, #tpu.memory_space<vmem_shared>>
      tpu.wait_dma2 semaphore(%arg27 : memref<!tpu.dma_semaphore, #tpu.memory_space<semaphore_mem>>) src(%arg15 : memref<80x128xf32, #tpu.memory_space<vmem>>) dst(%dma_wait3A_227 : memref<80x128xf32, #tpu.memory_space<vmem_shared>>)
      %multiple_of3A_228 = tpu.assume_multiple %add3A_155, 8 : i32
      %dma_wait3A_229 = arith.constant 0 : i32
      %dma_wait3A_230 = tpu.memref_slice %arg8[%multiple_of3A_228, %dma_wait3A_229] : memref<10000x128xf32, #tpu.memory_space<vmem_shared>> -> memref<80x128xf32, #tpu.memory_space<vmem_shared>>
      %dma_wait3A_231 = arith.constant 0 : i32
      %dma_wait3A_232 = tpu.memref_slice %arg8[%multiple_of3A_228, %dma_wait3A_231] : memref<10000x128xf32, #tpu.memory_space<vmem_shared>> -> memref<80x128xf32, #tpu.memory_space<vmem_shared>>
      tpu.wait_dma2 semaphore(%arg27 : memref<!tpu.dma_semaphore, #tpu.memory_space<semaphore_mem>>) src(%arg15 : memref<80x128xf32, #tpu.memory_space<vmem>>) dst(%dma_wait3A_232 : memref<80x128xf32, #tpu.memory_space<vmem_shared>>)
      %multiple_of3A_233 = tpu.assume_multiple %add3A_157, 8 : i32
      %dma_wait3A_234 = arith.constant 0 : i32
      %dma_wait3A_235 = tpu.memref_slice %arg8[%multiple_of3A_233, %dma_wait3A_234] : memref<10000x128xf32, #tpu.memory_space<vmem_shared>> -> memref<80x128xf32, #tpu.memory_space<vmem_shared>>
      %dma_wait3A_236 = arith.constant 0 : i32
      %dma_wait3A_237 = tpu.memref_slice %arg8[%multiple_of3A_233, %dma_wait3A_236] : memref<10000x128xf32, #tpu.memory_space<vmem_shared>> -> memref<80x128xf32, #tpu.memory_space<vmem_shared>>
      tpu.wait_dma2 semaphore(%arg27 : memref<!tpu.dma_semaphore, #tpu.memory_space<semaphore_mem>>) src(%arg15 : memref<80x128xf32, #tpu.memory_space<vmem>>) dst(%dma_wait3A_237 : memref<80x128xf32, #tpu.memory_space<vmem_shared>>)
    } else {
    }
    %ne3A_118 = arith.constant 15 : i32
    %ne3A_119 = arith.cmpi ne, %arg1, %ne3A_118 : i32
    %convert_element_type3A_120 = arith.extui %ne3A_119 : i1 to i32
    %cond3A_121 = arith.constant 0 : i32
    %cond3A_122 = arith.cmpi ne, %convert_element_type3A_120, %cond3A_121 : i32
    scf.if %cond3A_122 {
      %add3A_142 = arith.constant 0 : i32
      %add3A_143 = arith.addi %multiple_of3A, %add3A_142 : i32
      %add3A_144 = arith.constant 80 : i32
      %add3A_145 = arith.addi %multiple_of3A, %add3A_144 : i32
      %add3A_146 = arith.constant 160 : i32
      %add3A_147 = arith.addi %multiple_of3A, %add3A_146 : i32
      %add3A_148 = arith.constant 240 : i32
      %add3A_149 = arith.addi %multiple_of3A, %add3A_148 : i32
      %add3A_150 = arith.constant 320 : i32
      %add3A_151 = arith.addi %multiple_of3A, %add3A_150 : i32
      %add3A_152 = arith.constant 400 : i32
      %add3A_153 = arith.addi %multiple_of3A, %add3A_152 : i32
      %add3A_154 = arith.constant 480 : i32
      %add3A_155 = arith.addi %multiple_of3A, %add3A_154 : i32
      %add3A_156 = arith.constant 624 : i32
      %add3A_157 = arith.addi %multiple_of3A, %add3A_156 : i32
      %sub3A = arith.constant 80 : i32
      %sub3A_158 = arith.subi %add3A_157, %sub3A : i32
      %multiple_of3A_159 = tpu.assume_multiple %add3A_143, 8 : i32
      %dma_start3A_160 = arith.constant 0 : i32
      %dma_start3A_161 = tpu.memref_slice %arg8[%multiple_of3A_159, %dma_start3A_160] : memref<10000x128xf32, #tpu.memory_space<vmem_shared>> -> memref<80x128xf32, #tpu.memory_space<vmem_shared>>
      %dma_start3A_162 = arith.constant 0 : i32
      %dma_start3A_163 = tpu.memref_slice %arg8[%multiple_of3A_159, %dma_start3A_162] : memref<10000x128xf32, #tpu.memory_space<vmem_shared>> -> memref<80x128xf32, #tpu.memory_space<vmem_shared>>
      tpu.enqueue_dma source(%arg15 : memref<80x128xf32, #tpu.memory_space<vmem>>) target(%dma_start3A_163 : memref<80x128xf32, #tpu.memory_space<vmem_shared>>) target_semaphore(%arg27 : memref<!tpu.dma_semaphore, #tpu.memory_space<semaphore_mem>>)
      %multiple_of3A_164 = tpu.assume_multiple %add3A_145, 8 : i32
      %dma_start3A_165 = arith.constant 0 : i32
      %dma_start3A_166 = tpu.memref_slice %arg8[%multiple_of3A_164, %dma_start3A_165] : memref<10000x128xf32, #tpu.memory_space<vmem_shared>> -> memref<80x128xf32, #tpu.memory_space<vmem_shared>>
      %dma_start3A_167 = arith.constant 0 : i32
      %dma_start3A_168 = tpu.memref_slice %arg8[%multiple_of3A_164, %dma_start3A_167] : memref<10000x128xf32, #tpu.memory_space<vmem_shared>> -> memref<80x128xf32, #tpu.memory_space<vmem_shared>>
      tpu.enqueue_dma source(%arg15 : memref<80x128xf32, #tpu.memory_space<vmem>>) target(%dma_start3A_168 : memref<80x128xf32, #tpu.memory_space<vmem_shared>>) target_semaphore(%arg27 : memref<!tpu.dma_semaphore, #tpu.memory_space<semaphore_mem>>)
      %multiple_of3A_169 = tpu.assume_multiple %add3A_147, 8 : i32
      %dma_start3A_170 = arith.constant 0 : i32
      %dma_start3A_171 = tpu.memref_slice %arg8[%multiple_of3A_169, %dma_start3A_170] : memref<10000x128xf32, #tpu.memory_space<vmem_shared>> -> memref<80x128xf32, #tpu.memory_space<vmem_shared>>
      %dma_start3A_172 = arith.constant 0 : i32
      %dma_start3A_173 = tpu.memref_slice %arg8[%multiple_of3A_169, %dma_start3A_172] : memref<10000x128xf32, #tpu.memory_space<vmem_shared>> -> memref<80x128xf32, #tpu.memory_space<vmem_shared>>
      tpu.enqueue_dma source(%arg15 : memref<80x128xf32, #tpu.memory_space<vmem>>) target(%dma_start3A_173 : memref<80x128xf32, #tpu.memory_space<vmem_shared>>) target_semaphore(%arg27 : memref<!tpu.dma_semaphore, #tpu.memory_space<semaphore_mem>>)
      %multiple_of3A_174 = tpu.assume_multiple %add3A_149, 8 : i32
      %dma_start3A_175 = arith.constant 0 : i32
      %dma_start3A_176 = tpu.memref_slice %arg8[%multiple_of3A_174, %dma_start3A_175] : memref<10000x128xf32, #tpu.memory_space<vmem_shared>> -> memref<80x128xf32, #tpu.memory_space<vmem_shared>>
      %dma_start3A_177 = arith.constant 0 : i32
      %dma_start3A_178 = tpu.memref_slice %arg8[%multiple_of3A_174, %dma_start3A_177] : memref<10000x128xf32, #tpu.memory_space<vmem_shared>> -> memref<80x128xf32, #tpu.memory_space<vmem_shared>>
      tpu.enqueue_dma source(%arg15 : memref<80x128xf32, #tpu.memory_space<vmem>>) target(%dma_start3A_178 : memref<80x128xf32, #tpu.memory_space<vmem_shared>>) target_semaphore(%arg27 : memref<!tpu.dma_semaphore, #tpu.memory_space<semaphore_mem>>)
      %multiple_of3A_179 = tpu.assume_multiple %add3A_151, 8 : i32
      %dma_start3A_180 = arith.constant 0 : i32
      %dma_start3A_181 = tpu.memref_slice %arg8[%multiple_of3A_179, %dma_start3A_180] : memref<10000x128xf32, #tpu.memory_space<vmem_shared>> -> memref<80x128xf32, #tpu.memory_space<vmem_shared>>
      %dma_start3A_182 = arith.constant 0 : i32
      %dma_start3A_183 = tpu.memref_slice %arg8[%multiple_of3A_179, %dma_start3A_182] : memref<10000x128xf32, #tpu.memory_space<vmem_shared>> -> memref<80x128xf32, #tpu.memory_space<vmem_shared>>
      tpu.enqueue_dma source(%arg15 : memref<80x128xf32, #tpu.memory_space<vmem>>) target(%dma_start3A_183 : memref<80x128xf32, #tpu.memory_space<vmem_shared>>) target_semaphore(%arg27 : memref<!tpu.dma_semaphore, #tpu.memory_space<semaphore_mem>>)
      %multiple_of3A_184 = tpu.assume_multiple %add3A_153, 8 : i32
      %dma_start3A_185 = arith.constant 0 : i32
      %dma_start3A_186 = tpu.memref_slice %arg8[%multiple_of3A_184, %dma_start3A_185] : memref<10000x128xf32, #tpu.memory_space<vmem_shared>> -> memref<80x128xf32, #tpu.memory_space<vmem_shared>>
      %dma_start3A_187 = arith.constant 0 : i32
      %dma_start3A_188 = tpu.memref_slice %arg8[%multiple_of3A_184, %dma_start3A_187] : memref<10000x128xf32, #tpu.memory_space<vmem_shared>> -> memref<80x128xf32, #tpu.memory_space<vmem_shared>>
      tpu.enqueue_dma source(%arg15 : memref<80x128xf32, #tpu.memory_space<vmem>>) target(%dma_start3A_188 : memref<80x128xf32, #tpu.memory_space<vmem_shared>>) target_semaphore(%arg27 : memref<!tpu.dma_semaphore, #tpu.memory_space<semaphore_mem>>)
      %multiple_of3A_189 = tpu.assume_multiple %add3A_155, 8 : i32
      %dma_start3A_190 = arith.constant 0 : i32
      %dma_start3A_191 = tpu.memref_slice %arg8[%multiple_of3A_189, %dma_start3A_190] : memref<10000x128xf32, #tpu.memory_space<vmem_shared>> -> memref<80x128xf32, #tpu.memory_space<vmem_shared>>
      %dma_start3A_192 = arith.constant 0 : i32
      %dma_start3A_193 = tpu.memref_slice %arg8[%multiple_of3A_189, %dma_start3A_192] : memref<10000x128xf32, #tpu.memory_space<vmem_shared>> -> memref<80x128xf32, #tpu.memory_space<vmem_shared>>
      tpu.enqueue_dma source(%arg15 : memref<80x128xf32, #tpu.memory_space<vmem>>) target(%dma_start3A_193 : memref<80x128xf32, #tpu.memory_space<vmem_shared>>) target_semaphore(%arg27 : memref<!tpu.dma_semaphore, #tpu.memory_space<semaphore_mem>>)
      %multiple_of3A_194 = tpu.assume_multiple %sub3A_158, 8 : i32
      %dma_start3A_195 = arith.constant 0 : i32
      %dma_start3A_196 = tpu.memref_slice %arg8[%multiple_of3A_194, %dma_start3A_195] : memref<10000x128xf32, #tpu.memory_space<vmem_shared>> -> memref<80x128xf32, #tpu.memory_space<vmem_shared>>
      %dma_start3A_197 = arith.constant 0 : i32
      %dma_start3A_198 = tpu.memref_slice %arg8[%multiple_of3A_194, %dma_start3A_197] : memref<10000x128xf32, #tpu.memory_space<vmem_shared>> -> memref<80x128xf32, #tpu.memory_space<vmem_shared>>
      tpu.enqueue_dma source(%arg15 : memref<80x128xf32, #tpu.memory_space<vmem>>) target(%dma_start3A_198 : memref<80x128xf32, #tpu.memory_space<vmem_shared>>) target_semaphore(%arg27 : memref<!tpu.dma_semaphore, #tpu.memory_space<semaphore_mem>>)
      %multiple_of3A_199 = tpu.assume_multiple %add3A_143, 8 : i32
      %dma_wait3A_200 = arith.constant 0 : i32
      %dma_wait3A_201 = tpu.memref_slice %arg8[%multiple_of3A_199, %dma_wait3A_200] : memref<10000x128xf32, #tpu.memory_space<vmem_shared>> -> memref<80x128xf32, #tpu.memory_space<vmem_shared>>
      %dma_wait3A_202 = arith.constant 0 : i32
      %dma_wait3A_203 = tpu.memref_slice %arg8[%multiple_of3A_199, %dma_wait3A_202] : memref<10000x128xf32, #tpu.memory_space<vmem_shared>> -> memref<80x128xf32, #tpu.memory_space<vmem_shared>>
      tpu.wait_dma2 semaphore(%arg27 : memref<!tpu.dma_semaphore, #tpu.memory_space<semaphore_mem>>) src(%arg15 : memref<80x128xf32, #tpu.memory_space<vmem>>) dst(%dma_wait3A_203 : memref<80x128xf32, #tpu.memory_space<vmem_shared>>)
      %multiple_of3A_204 = tpu.assume_multiple %add3A_145, 8 : i32
      %dma_wait3A_205 = arith.constant 0 : i32
      %dma_wait3A_206 = tpu.memref_slice %arg8[%multiple_of3A_204, %dma_wait3A_205] : memref<10000x128xf32, #tpu.memory_space<vmem_shared>> -> memref<80x128xf32, #tpu.memory_space<vmem_shared>>
      %dma_wait3A_207 = arith.constant 0 : i32
      %dma_wait3A_208 = tpu.memref_slice %arg8[%multiple_of3A_204, %dma_wait3A_207] : memref<10000x128xf32, #tpu.memory_space<vmem_shared>> -> memref<80x128xf32, #tpu.memory_space<vmem_shared>>
      tpu.wait_dma2 semaphore(%arg27 : memref<!tpu.dma_semaphore, #tpu.memory_space<semaphore_mem>>) src(%arg15 : memref<80x128xf32, #tpu.memory_space<vmem>>) dst(%dma_wait3A_208 : memref<80x128xf32, #tpu.memory_space<vmem_shared>>)
      %multiple_of3A_209 = tpu.assume_multiple %add3A_147, 8 : i32
      %dma_wait3A_210 = arith.constant 0 : i32
      %dma_wait3A_211 = tpu.memref_slice %arg8[%multiple_of3A_209, %dma_wait3A_210] : memref<10000x128xf32, #tpu.memory_space<vmem_shared>> -> memref<80x128xf32, #tpu.memory_space<vmem_shared>>
      %dma_wait3A_212 = arith.constant 0 : i32
      %dma_wait3A_213 = tpu.memref_slice %arg8[%multiple_of3A_209, %dma_wait3A_212] : memref<10000x128xf32, #tpu.memory_space<vmem_shared>> -> memref<80x128xf32, #tpu.memory_space<vmem_shared>>
      tpu.wait_dma2 semaphore(%arg27 : memref<!tpu.dma_semaphore, #tpu.memory_space<semaphore_mem>>) src(%arg15 : memref<80x128xf32, #tpu.memory_space<vmem>>) dst(%dma_wait3A_213 : memref<80x128xf32, #tpu.memory_space<vmem_shared>>)
      %multiple_of3A_214 = tpu.assume_multiple %add3A_149, 8 : i32
      %dma_wait3A_215 = arith.constant 0 : i32
      %dma_wait3A_216 = tpu.memref_slice %arg8[%multiple_of3A_214, %dma_wait3A_215] : memref<10000x128xf32, #tpu.memory_space<vmem_shared>> -> memref<80x128xf32, #tpu.memory_space<vmem_shared>>
      %dma_wait3A_217 = arith.constant 0 : i32
      %dma_wait3A_218 = tpu.memref_slice %arg8[%multiple_of3A_214, %dma_wait3A_217] : memref<10000x128xf32, #tpu.memory_space<vmem_shared>> -> memref<80x128xf32, #tpu.memory_space<vmem_shared>>
      tpu.wait_dma2 semaphore(%arg27 : memref<!tpu.dma_semaphore, #tpu.memory_space<semaphore_mem>>) src(%arg15 : memref<80x128xf32, #tpu.memory_space<vmem>>) dst(%dma_wait3A_218 : memref<80x128xf32, #tpu.memory_space<vmem_shared>>)
      %multiple_of3A_219 = tpu.assume_multiple %add3A_151, 8 : i32
      %dma_wait3A_220 = arith.constant 0 : i32
      %dma_wait3A_221 = tpu.memref_slice %arg8[%multiple_of3A_219, %dma_wait3A_220] : memref<10000x128xf32, #tpu.memory_space<vmem_shared>> -> memref<80x128xf32, #tpu.memory_space<vmem_shared>>
      %dma_wait3A_222 = arith.constant 0 : i32
      %dma_wait3A_223 = tpu.memref_slice %arg8[%multiple_of3A_219, %dma_wait3A_222] : memref<10000x128xf32, #tpu.memory_space<vmem_shared>> -> memref<80x128xf32, #tpu.memory_space<vmem_shared>>
      tpu.wait_dma2 semaphore(%arg27 : memref<!tpu.dma_semaphore, #tpu.memory_space<semaphore_mem>>) src(%arg15 : memref<80x128xf32, #tpu.memory_space<vmem>>) dst(%dma_wait3A_223 : memref<80x128xf32, #tpu.memory_space<vmem_shared>>)
      %multiple_of3A_224 = tpu.assume_multiple %add3A_153, 8 : i32
      %dma_wait3A_225 = arith.constant 0 : i32
      %dma_wait3A_226 = tpu.memref_slice %arg8[%multiple_of3A_224, %dma_wait3A_225] : memref<10000x128xf32, #tpu.memory_space<vmem_shared>> -> memref<80x128xf32, #tpu.memory_space<vmem_shared>>
      %dma_wait3A_227 = arith.constant 0 : i32
      %dma_wait3A_228 = tpu.memref_slice %arg8[%multiple_of3A_224, %dma_wait3A_227] : memref<10000x128xf32, #tpu.memory_space<vmem_shared>> -> memref<80x128xf32, #tpu.memory_space<vmem_shared>>
      tpu.wait_dma2 semaphore(%arg27 : memref<!tpu.dma_semaphore, #tpu.memory_space<semaphore_mem>>) src(%arg15 : memref<80x128xf32, #tpu.memory_space<vmem>>) dst(%dma_wait3A_228 : memref<80x128xf32, #tpu.memory_space<vmem_shared>>)
      %multiple_of3A_229 = tpu.assume_multiple %add3A_155, 8 : i32
      %dma_wait3A_230 = arith.constant 0 : i32
      %dma_wait3A_231 = tpu.memref_slice %arg8[%multiple_of3A_229, %dma_wait3A_230] : memref<10000x128xf32, #tpu.memory_space<vmem_shared>> -> memref<80x128xf32, #tpu.memory_space<vmem_shared>>
      %dma_wait3A_232 = arith.constant 0 : i32
      %dma_wait3A_233 = tpu.memref_slice %arg8[%multiple_of3A_229, %dma_wait3A_232] : memref<10000x128xf32, #tpu.memory_space<vmem_shared>> -> memref<80x128xf32, #tpu.memory_space<vmem_shared>>
      tpu.wait_dma2 semaphore(%arg27 : memref<!tpu.dma_semaphore, #tpu.memory_space<semaphore_mem>>) src(%arg15 : memref<80x128xf32, #tpu.memory_space<vmem>>) dst(%dma_wait3A_233 : memref<80x128xf32, #tpu.memory_space<vmem_shared>>)
      %multiple_of3A_234 = tpu.assume_multiple %sub3A_158, 8 : i32
      %dma_wait3A_235 = arith.constant 0 : i32
      %dma_wait3A_236 = tpu.memref_slice %arg8[%multiple_of3A_234, %dma_wait3A_235] : memref<10000x128xf32, #tpu.memory_space<vmem_shared>> -> memref<80x128xf32, #tpu.memory_space<vmem_shared>>
      %dma_wait3A_237 = arith.constant 0 : i32
      %dma_wait3A_238 = tpu.memref_slice %arg8[%multiple_of3A_234, %dma_wait3A_237] : memref<10000x128xf32, #tpu.memory_space<vmem_shared>> -> memref<80x128xf32, #tpu.memory_space<vmem_shared>>
      tpu.wait_dma2 semaphore(%arg27 : memref<!tpu.dma_semaphore, #tpu.memory_space<semaphore_mem>>) src(%arg15 : memref<80x128xf32, #tpu.memory_space<vmem>>) dst(%dma_wait3A_238 : memref<80x128xf32, #tpu.memory_space<vmem_shared>>)
    } else {
    }
    %barrier3A_123 = arith.constant 0 : index
    tpu.barrier barrier_id(%barrier3A_123)
    %scan3A_124 = arith.constant 0 : i32
    %scan3A_125 = arith.constant 0 : i32
    %scan3A_126 = arith.constant 25 : i32
    %scan3A_127 = arith.addi %scan3A_125, %scan3A_126 : i32
    %scan3A_128 = arith.constant 1 : i32
    %scan3A_129 = scf.for %scan3A_142 = %scan3A_125 to %scan3A_127 step %scan3A_128 iter_args(%scan3A_143 = %scan3A_124) -> (i32)  : i32 {
      %mul3A_144 = arith.constant 400 : i32
      %mul3A_145 = arith.muli %scan3A_142, %mul3A_144 : i32
      %add3A_146 = arith.addi %mul3A_26, %mul3A_145 : i32
      %multiple_of3A_147 = tpu.assume_multiple %add3A_146, 8 : i32
      "tpu.region"() ({
        %run_scoped3A = tpu.sem_alloc : memref<!tpu.dma_semaphore, #tpu.memory_space<semaphore_mem>>
        %dma_start3A_199 = tpu.memref_slice %arg5[%multiple_of3A_147] : memref<320000xi32, #tpu.memory_space<hbm>> -> memref<400xi32, #tpu.memory_space<hbm>>
        %dma_start3A_200 = tpu.memref_slice %arg5[%multiple_of3A_147] : memref<320000xi32, #tpu.memory_space<hbm>> -> memref<400xi32, #tpu.memory_space<hbm>>
        tpu.enqueue_dma source(%dma_start3A_200 : memref<400xi32, #tpu.memory_space<hbm>>) target(%arg14 : memref<400xi32, #tpu.memory_space<vmem>>) target_semaphore(%run_scoped3A : memref<!tpu.dma_semaphore, #tpu.memory_space<semaphore_mem>>)
        %dma_wait3A_201 = tpu.memref_slice %arg5[%multiple_of3A_147] : memref<320000xi32, #tpu.memory_space<hbm>> -> memref<400xi32, #tpu.memory_space<hbm>>
        %dma_wait3A_202 = tpu.memref_slice %arg5[%multiple_of3A_147] : memref<320000xi32, #tpu.memory_space<hbm>> -> memref<400xi32, #tpu.memory_space<hbm>>
        tpu.wait_dma2 semaphore(%run_scoped3A : memref<!tpu.dma_semaphore, #tpu.memory_space<semaphore_mem>>) src(%dma_wait3A_202 : memref<400xi32, #tpu.memory_space<hbm>>) dst(%arg14 : memref<400xi32, #tpu.memory_space<vmem>>)
        tpu.yield
      }) : () -> ()
      %dma_start3A_148 = arith.constant 0 : i32
      %dma_start3A_149 = tpu.memref_slice %arg14[%dma_start3A_148] : memref<400xi32, #tpu.memory_space<vmem>> -> memref<80xi32, #tpu.memory_space<vmem>>
      %dma_start3A_150 = arith.constant 0 : i32
      %dma_start3A_151 = arith.constant 0 : i32
      %dma_start3A_152 = tpu.memref_slice %arg8[%dma_start3A_150, %dma_start3A_151] : memref<10000x128xf32, #tpu.memory_space<vmem_shared>> -> memref<10000x128xf32, #tpu.memory_space<vmem_shared>>
      tpu.enqueue_indirect_dma source(%arg17 : memref<80x128xf32, #tpu.memory_space<vmem>>) target(%dma_start3A_152 : memref<10000x128xf32, #tpu.memory_space<vmem_shared>>) offsets(%dma_start3A_149 : memref<80xi32, #tpu.memory_space<vmem>>) semaphore(%arg27 : memref<!tpu.dma_semaphore, #tpu.memory_space<semaphore_mem>>) {add = true}
      %dma_start3A_153 = arith.constant 80 : i32
      %dma_start3A_154 = tpu.memref_slice %arg14[%dma_start3A_153] : memref<400xi32, #tpu.memory_space<vmem>> -> memref<80xi32, #tpu.memory_space<vmem>>
      %dma_start3A_155 = arith.constant 0 : i32
      %dma_start3A_156 = arith.constant 0 : i32
      %dma_start3A_157 = tpu.memref_slice %arg8[%dma_start3A_155, %dma_start3A_156] : memref<10000x128xf32, #tpu.memory_space<vmem_shared>> -> memref<10000x128xf32, #tpu.memory_space<vmem_shared>>
      tpu.enqueue_indirect_dma source(%arg17 : memref<80x128xf32, #tpu.memory_space<vmem>>) target(%dma_start3A_157 : memref<10000x128xf32, #tpu.memory_space<vmem_shared>>) offsets(%dma_start3A_154 : memref<80xi32, #tpu.memory_space<vmem>>) semaphore(%arg27 : memref<!tpu.dma_semaphore, #tpu.memory_space<semaphore_mem>>) {add = true}
      %dma_start3A_158 = arith.constant 160 : i32
      %dma_start3A_159 = tpu.memref_slice %arg14[%dma_start3A_158] : memref<400xi32, #tpu.memory_space<vmem>> -> memref<80xi32, #tpu.memory_space<vmem>>
      %dma_start3A_160 = arith.constant 0 : i32
      %dma_start3A_161 = arith.constant 0 : i32
      %dma_start3A_162 = tpu.memref_slice %arg8[%dma_start3A_160, %dma_start3A_161] : memref<10000x128xf32, #tpu.memory_space<vmem_shared>> -> memref<10000x128xf32, #tpu.memory_space<vmem_shared>>
      tpu.enqueue_indirect_dma source(%arg17 : memref<80x128xf32, #tpu.memory_space<vmem>>) target(%dma_start3A_162 : memref<10000x128xf32, #tpu.memory_space<vmem_shared>>) offsets(%dma_start3A_159 : memref<80xi32, #tpu.memory_space<vmem>>) semaphore(%arg27 : memref<!tpu.dma_semaphore, #tpu.memory_space<semaphore_mem>>) {add = true}
      %dma_start3A_163 = arith.constant 240 : i32
      %dma_start3A_164 = tpu.memref_slice %arg14[%dma_start3A_163] : memref<400xi32, #tpu.memory_space<vmem>> -> memref<80xi32, #tpu.memory_space<vmem>>
      %dma_start3A_165 = arith.constant 0 : i32
      %dma_start3A_166 = arith.constant 0 : i32
      %dma_start3A_167 = tpu.memref_slice %arg8[%dma_start3A_165, %dma_start3A_166] : memref<10000x128xf32, #tpu.memory_space<vmem_shared>> -> memref<10000x128xf32, #tpu.memory_space<vmem_shared>>
      tpu.enqueue_indirect_dma source(%arg17 : memref<80x128xf32, #tpu.memory_space<vmem>>) target(%dma_start3A_167 : memref<10000x128xf32, #tpu.memory_space<vmem_shared>>) offsets(%dma_start3A_164 : memref<80xi32, #tpu.memory_space<vmem>>) semaphore(%arg27 : memref<!tpu.dma_semaphore, #tpu.memory_space<semaphore_mem>>) {add = true}
      %dma_start3A_168 = arith.constant 320 : i32
      %dma_start3A_169 = tpu.memref_slice %arg14[%dma_start3A_168] : memref<400xi32, #tpu.memory_space<vmem>> -> memref<80xi32, #tpu.memory_space<vmem>>
      %dma_start3A_170 = arith.constant 0 : i32
      %dma_start3A_171 = arith.constant 0 : i32
      %dma_start3A_172 = tpu.memref_slice %arg8[%dma_start3A_170, %dma_start3A_171] : memref<10000x128xf32, #tpu.memory_space<vmem_shared>> -> memref<10000x128xf32, #tpu.memory_space<vmem_shared>>
      tpu.enqueue_indirect_dma source(%arg17 : memref<80x128xf32, #tpu.memory_space<vmem>>) target(%dma_start3A_172 : memref<10000x128xf32, #tpu.memory_space<vmem_shared>>) offsets(%dma_start3A_169 : memref<80xi32, #tpu.memory_space<vmem>>) semaphore(%arg27 : memref<!tpu.dma_semaphore, #tpu.memory_space<semaphore_mem>>) {add = true}
      %dma_wait3A_173 = arith.constant 0 : i32
      %dma_wait3A_174 = tpu.memref_slice %arg14[%dma_wait3A_173] : memref<400xi32, #tpu.memory_space<vmem>> -> memref<80xi32, #tpu.memory_space<vmem>>
      %dma_wait3A_175 = arith.constant 0 : i32
      %dma_wait3A_176 = arith.constant 0 : i32
      %dma_wait3A_177 = tpu.memref_slice %arg8[%dma_wait3A_175, %dma_wait3A_176] : memref<10000x128xf32, #tpu.memory_space<vmem_shared>> -> memref<10000x128xf32, #tpu.memory_space<vmem_shared>>
      tpu.wait_indirect_dma semaphore(%arg27 : memref<!tpu.dma_semaphore, #tpu.memory_space<semaphore_mem>>) src(%arg17 : memref<80x128xf32, #tpu.memory_space<vmem>>) dst(%dma_wait3A_177 : memref<10000x128xf32, #tpu.memory_space<vmem_shared>>)
      %dma_wait3A_178 = arith.constant 80 : i32
      %dma_wait3A_179 = tpu.memref_slice %arg14[%dma_wait3A_178] : memref<400xi32, #tpu.memory_space<vmem>> -> memref<80xi32, #tpu.memory_space<vmem>>
      %dma_wait3A_180 = arith.constant 0 : i32
      %dma_wait3A_181 = arith.constant 0 : i32
      %dma_wait3A_182 = tpu.memref_slice %arg8[%dma_wait3A_180, %dma_wait3A_181] : memref<10000x128xf32, #tpu.memory_space<vmem_shared>> -> memref<10000x128xf32, #tpu.memory_space<vmem_shared>>
      tpu.wait_indirect_dma semaphore(%arg27 : memref<!tpu.dma_semaphore, #tpu.memory_space<semaphore_mem>>) src(%arg17 : memref<80x128xf32, #tpu.memory_space<vmem>>) dst(%dma_wait3A_182 : memref<10000x128xf32, #tpu.memory_space<vmem_shared>>)
      %dma_wait3A_183 = arith.constant 160 : i32
      %dma_wait3A_184 = tpu.memref_slice %arg14[%dma_wait3A_183] : memref<400xi32, #tpu.memory_space<vmem>> -> memref<80xi32, #tpu.memory_space<vmem>>
      %dma_wait3A_185 = arith.constant 0 : i32
      %dma_wait3A_186 = arith.constant 0 : i32
      %dma_wait3A_187 = tpu.memref_slice %arg8[%dma_wait3A_185, %dma_wait3A_186] : memref<10000x128xf32, #tpu.memory_space<vmem_shared>> -> memref<10000x128xf32, #tpu.memory_space<vmem_shared>>
      tpu.wait_indirect_dma semaphore(%arg27 : memref<!tpu.dma_semaphore, #tpu.memory_space<semaphore_mem>>) src(%arg17 : memref<80x128xf32, #tpu.memory_space<vmem>>) dst(%dma_wait3A_187 : memref<10000x128xf32, #tpu.memory_space<vmem_shared>>)
      %dma_wait3A_188 = arith.constant 240 : i32
      %dma_wait3A_189 = tpu.memref_slice %arg14[%dma_wait3A_188] : memref<400xi32, #tpu.memory_space<vmem>> -> memref<80xi32, #tpu.memory_space<vmem>>
      %dma_wait3A_190 = arith.constant 0 : i32
      %dma_wait3A_191 = arith.constant 0 : i32
      %dma_wait3A_192 = tpu.memref_slice %arg8[%dma_wait3A_190, %dma_wait3A_191] : memref<10000x128xf32, #tpu.memory_space<vmem_shared>> -> memref<10000x128xf32, #tpu.memory_space<vmem_shared>>
      tpu.wait_indirect_dma semaphore(%arg27 : memref<!tpu.dma_semaphore, #tpu.memory_space<semaphore_mem>>) src(%arg17 : memref<80x128xf32, #tpu.memory_space<vmem>>) dst(%dma_wait3A_192 : memref<10000x128xf32, #tpu.memory_space<vmem_shared>>)
      %dma_wait3A_193 = arith.constant 320 : i32
      %dma_wait3A_194 = tpu.memref_slice %arg14[%dma_wait3A_193] : memref<400xi32, #tpu.memory_space<vmem>> -> memref<80xi32, #tpu.memory_space<vmem>>
      %dma_wait3A_195 = arith.constant 0 : i32
      %dma_wait3A_196 = arith.constant 0 : i32
      %dma_wait3A_197 = tpu.memref_slice %arg8[%dma_wait3A_195, %dma_wait3A_196] : memref<10000x128xf32, #tpu.memory_space<vmem_shared>> -> memref<10000x128xf32, #tpu.memory_space<vmem_shared>>
      tpu.wait_indirect_dma semaphore(%arg27 : memref<!tpu.dma_semaphore, #tpu.memory_space<semaphore_mem>>) src(%arg17 : memref<80x128xf32, #tpu.memory_space<vmem>>) dst(%dma_wait3A_197 : memref<10000x128xf32, #tpu.memory_space<vmem_shared>>)
      %scan3A_198 = arith.constant 0 : i32
      scf.yield %scan3A_198 : i32
    }
    %scan3A_130 = arith.constant 25 : i32
    %barrier3A_131 = arith.constant 0 : index
    tpu.barrier barrier_id(%barrier3A_131)
    %eq3A_132 = arith.constant 15 : i32
    %eq3A_133 = arith.cmpi eq, %arg1, %eq3A_132 : i32
    %convert_element_type3A_134 = arith.extui %eq3A_133 : i1 to i32
    %cond3A_135 = arith.constant 0 : i32
    %cond3A_136 = arith.cmpi ne, %convert_element_type3A_134, %cond3A_135 : i32
    scf.if %cond3A_136 {
      "tpu.region"() ({
        %run_scoped3A = tpu.sem_alloc : memref<!tpu.dma_semaphore, #tpu.memory_space<semaphore_mem>>
        %dma_start3A_142 = arith.constant 0 : i32
        %dma_start3A_143 = tpu.memref_slice %arg7[%arg0, %multiple_of3A, %dma_start3A_142] : memref<2x10000x128xf32, #tpu.memory_space<hbm>> -> memref<1x640x128xf32, #tpu.memory_space<hbm>>
        %dma_start3A_144 = tpu.memref_squeeze %dma_start3A_143 : memref<1x640x128xf32, #tpu.memory_space<hbm>> -> memref<640x128xf32, #tpu.memory_space<hbm>>
        %dma_start3A_145 = arith.constant 0 : i32
        %dma_start3A_146 = tpu.memref_slice %arg8[%multiple_of3A, %dma_start3A_145] : memref<10000x128xf32, #tpu.memory_space<vmem_shared>> -> memref<640x128xf32, #tpu.memory_space<vmem_shared>>
        tpu.enqueue_dma source(%dma_start3A_146 : memref<640x128xf32, #tpu.memory_space<vmem_shared>>) target(%dma_start3A_144 : memref<640x128xf32, #tpu.memory_space<hbm>>) target_semaphore(%run_scoped3A : memref<!tpu.dma_semaphore, #tpu.memory_space<semaphore_mem>>)
        %dma_wait3A_147 = arith.constant 0 : i32
        %dma_wait3A_148 = tpu.memref_slice %arg7[%arg0, %multiple_of3A, %dma_wait3A_147] : memref<2x10000x128xf32, #tpu.memory_space<hbm>> -> memref<1x640x128xf32, #tpu.memory_space<hbm>>
        %dma_wait3A_149 = tpu.memref_squeeze %dma_wait3A_148 : memref<1x640x128xf32, #tpu.memory_space<hbm>> -> memref<640x128xf32, #tpu.memory_space<hbm>>
        %dma_wait3A_150 = arith.constant 0 : i32
        %dma_wait3A_151 = tpu.memref_slice %arg8[%multiple_of3A, %dma_wait3A_150] : memref<10000x128xf32, #tpu.memory_space<vmem_shared>> -> memref<640x128xf32, #tpu.memory_space<vmem_shared>>
        tpu.wait_dma2 semaphore(%run_scoped3A : memref<!tpu.dma_semaphore, #tpu.memory_space<semaphore_mem>>) src(%dma_wait3A_151 : memref<640x128xf32, #tpu.memory_space<vmem_shared>>) dst(%dma_wait3A_149 : memref<640x128xf32, #tpu.memory_space<hbm>>)
        tpu.yield
      }) : () -> ()
    } else {
    }
    %ne3A_137 = arith.constant 15 : i32
    %ne3A_138 = arith.cmpi ne, %arg1, %ne3A_137 : i32
    %convert_element_type3A_139 = arith.extui %ne3A_138 : i1 to i32
    %cond3A_140 = arith.constant 0 : i32
    %cond3A_141 = arith.cmpi ne, %convert_element_type3A_139, %cond3A_140 : i32
    scf.if %cond3A_141 {
      "tpu.region"() ({
        %run_scoped3A = tpu.sem_alloc : memref<!tpu.dma_semaphore, #tpu.memory_space<semaphore_mem>>
        %dma_start3A_142 = arith.constant 0 : i32
        %dma_start3A_143 = tpu.memref_slice %arg7[%arg0, %multiple_of3A, %dma_start3A_142] : memref<2x10000x128xf32, #tpu.memory_space<hbm>> -> memref<1x624x128xf32, #tpu.memory_space<hbm>>
        %dma_start3A_144 = tpu.memref_squeeze %dma_start3A_143 : memref<1x624x128xf32, #tpu.memory_space<hbm>> -> memref<624x128xf32, #tpu.memory_space<hbm>>
        %dma_start3A_145 = arith.constant 0 : i32
        %dma_start3A_146 = tpu.memref_slice %arg8[%multiple_of3A, %dma_start3A_145] : memref<10000x128xf32, #tpu.memory_space<vmem_shared>> -> memref<624x128xf32, #tpu.memory_space<vmem_shared>>
        tpu.enqueue_dma source(%dma_start3A_146 : memref<624x128xf32, #tpu.memory_space<vmem_shared>>) target(%dma_start3A_144 : memref<624x128xf32, #tpu.memory_space<hbm>>) target_semaphore(%run_scoped3A : memref<!tpu.dma_semaphore, #tpu.memory_space<semaphore_mem>>)
        %dma_wait3A_147 = arith.constant 0 : i32
        %dma_wait3A_148 = tpu.memref_slice %arg7[%arg0, %multiple_of3A, %dma_wait3A_147] : memref<2x10000x128xf32, #tpu.memory_space<hbm>> -> memref<1x624x128xf32, #tpu.memory_space<hbm>>
        %dma_wait3A_149 = tpu.memref_squeeze %dma_wait3A_148 : memref<1x624x128xf32, #tpu.memory_space<hbm>> -> memref<624x128xf32, #tpu.memory_space<hbm>>
        %dma_wait3A_150 = arith.constant 0 : i32
        %dma_wait3A_151 = tpu.memref_slice %arg8[%multiple_of3A, %dma_wait3A_150] : memref<10000x128xf32, #tpu.memory_space<vmem_shared>> -> memref<624x128xf32, #tpu.memory_space<vmem_shared>>
        tpu.wait_dma2 semaphore(%run_scoped3A : memref<!tpu.dma_semaphore, #tpu.memory_space<semaphore_mem>>) src(%dma_wait3A_151 : memref<624x128xf32, #tpu.memory_space<vmem_shared>>) dst(%dma_wait3A_149 : memref<624x128xf32, #tpu.memory_space<hbm>>)
        tpu.yield
      }) : () -> ()
    } else {
    }
    return
  }
}

module attributes {stable_mosaic.version = 14 : i64} {
  func.func @_rel_body(%arg0: memref<100x128xf32, #tpu.memory_space<vmem>>, %arg1: memref<128x128xf32, #tpu.memory_space<vmem>>, %arg2: memref<100x128xf32, #tpu.memory_space<vmem>>, %arg3: memref<100x128xf32, #tpu.memory_space<vmem>>) attributes {dimension_semantics = [], scalar_prefetch = 0 : i64, scratch_operands = 0 : i64, tpu.core_type = #tpu.core_type<tc>} {
    %get3A = arith.constant 0 : index
    %get3A_0 = arith.constant 0 : index
    %get3A_1 = vector.load %arg0[%get3A, %get3A_0] : memref<100x128xf32, #tpu.memory_space<vmem>>, vector<100x128xf32>
    %logistic3A = arith.negf %get3A_1 : vector<100x128xf32>
    %logistic3A_2 = math.exp %logistic3A : vector<100x128xf32>
    %logistic3A_3 = arith.constant 1.000000e+00 : f32
    %logistic3A_4 = vector.broadcast %logistic3A_3 : f32 to vector<100x128xf32>
    %logistic3A_5 = arith.addf %logistic3A_4, %logistic3A_2 : vector<100x128xf32>
    %logistic3A_6 = arith.divf %logistic3A_4, %logistic3A_5 : vector<100x128xf32>
    %swap3A = arith.constant 0 : index
    %swap3A_7 = arith.constant 0 : index
    %swap3A_8 = vector.load %arg2[%swap3A, %swap3A_7] : memref<100x128xf32, #tpu.memory_space<vmem>>, vector<100x128xf32>
    tpu.vector_store %arg2[%swap3A, %swap3A_7], %logistic3A_6 {strides = array<i32>} : memref<100x128xf32, #tpu.memory_space<vmem>>, vector<100x128xf32>,
    %get3A_9 = arith.constant 0 : index
    %get3A_10 = arith.constant 0 : index
    %get3A_11 = vector.load %arg1[%get3A_9, %get3A_10] : memref<128x128xf32, #tpu.memory_space<vmem>>, vector<128x128xf32>
    %dot_general3A = arith.constant dense<0.000000e+00> : vector<100x128xf32>
    %dot_general3A_12 = tpu.matmul %get3A_1, %get3A_11, %dot_general3A {dimension_numbers = #tpu.dot_dimension_numbers<[1], [1], [0], [0], [0, 0, 1, 0], [], []>, transpose_lhs_hint = false} : vector<100x128xf32>, vector<128x128xf32>, vector<100x128xf32> -> vector<100x128xf32>
    %swap3A_13 = arith.constant 0 : index
    %swap3A_14 = arith.constant 0 : index
    %swap3A_15 = vector.load %arg3[%swap3A_13, %swap3A_14] : memref<100x128xf32, #tpu.memory_space<vmem>>, vector<100x128xf32>
    tpu.vector_store %arg3[%swap3A_13, %swap3A_14], %dot_general3A_12 {strides = array<i32>} : memref<100x128xf32, #tpu.memory_space<vmem>>, vector<100x128xf32>,
    return
  }
}

module attributes {stable_mosaic.version = 14 : i64} {
  func.func @_fin_body(%arg0: memref<10000x128xf32, #tpu.memory_space<vmem>>, %arg1: memref<2x10000x128xf32, #tpu.memory_space<vmem>>, %arg2: memref<2x10000x128xf32, #tpu.memory_space<vmem>>, %arg3: memref<128x128xf32, #tpu.memory_space<vmem>>, %arg4: memref<128x128xf32, #tpu.memory_space<vmem>>, %arg5: memref<128xf32, #tpu.memory_space<vmem>>, %arg6: memref<128xf32, #tpu.memory_space<vmem>>, %arg7: memref<10000x128xf32, #tpu.memory_space<vmem>>) attributes {dimension_semantics = [], scalar_prefetch = 0 : i64, scratch_operands = 0 : i64, tpu.core_type = #tpu.core_type<tc>} {
    %get3A = arith.constant 0 : index
    %get3A_0 = arith.constant 0 : index
    %get3A_1 = arith.constant 0 : index
    %get3A_2 = vector.load %arg1[%get3A, %get3A_0, %get3A_1] : memref<2x10000x128xf32, #tpu.memory_space<vmem>>, vector<1x10000x128xf32>
    %get3A_3 = vector.shape_cast %get3A_2 : vector<1x10000x128xf32> to vector<10000x128xf32>
    %get3A_4 = arith.constant 1 : index
    %get3A_5 = arith.constant 0 : index
    %get3A_6 = arith.constant 0 : index
    %get3A_7 = vector.load %arg1[%get3A_4, %get3A_5, %get3A_6] : memref<2x10000x128xf32, #tpu.memory_space<vmem>>, vector<1x10000x128xf32>
    %get3A_8 = vector.shape_cast %get3A_7 : vector<1x10000x128xf32> to vector<10000x128xf32>
    %add3A = arith.addf %get3A_3, %get3A_8 : vector<10000x128xf32>
    %get3A_9 = arith.constant 0 : index
    %get3A_10 = arith.constant 0 : index
    %get3A_11 = arith.constant 0 : index
    %get3A_12 = vector.load %arg2[%get3A_9, %get3A_10, %get3A_11] : memref<2x10000x128xf32, #tpu.memory_space<vmem>>, vector<1x10000x1xf32>
    %get3A_13 = vector.shape_cast %get3A_12 : vector<1x10000x1xf32> to vector<10000x1xf32>
    %get3A_14 = arith.constant 1 : index
    %get3A_15 = arith.constant 0 : index
    %get3A_16 = arith.constant 0 : index
    %get3A_17 = vector.load %arg2[%get3A_14, %get3A_15, %get3A_16] : memref<2x10000x128xf32, #tpu.memory_space<vmem>>, vector<1x10000x1xf32>
    %get3A_18 = vector.shape_cast %get3A_17 : vector<1x10000x1xf32> to vector<10000x1xf32>
    %add3A_19 = arith.addf %get3A_13, %get3A_18 : vector<10000x1xf32>
    %max3A = arith.constant 1.000000e+00 : f32
    %max3A_20 = vector.broadcast %max3A : f32 to vector<10000x1xf32>
    %max3A_21 = arith.maximumf %add3A_19, %max3A_20 : vector<10000x1xf32>
    %div3A = vector.broadcast %max3A_21 : vector<10000x1xf32> to vector<10000x128xf32>
    %div3A_22 = arith.divf %add3A, %div3A : vector<10000x128xf32>
    %get3A_23 = arith.constant 0 : index
    %get3A_24 = arith.constant 0 : index
    %get3A_25 = vector.load %arg0[%get3A_23, %get3A_24] : memref<10000x128xf32, #tpu.memory_space<vmem>>, vector<10000x128xf32>
    %get3A_26 = arith.constant 0 : index
    %get3A_27 = arith.constant 0 : index
    %get3A_28 = vector.load %arg3[%get3A_26, %get3A_27] : memref<128x128xf32, #tpu.memory_space<vmem>>, vector<128x128xf32>
    %dot_general3A = arith.constant dense<0.000000e+00> : vector<10000x128xf32>
    %dot_general3A_29 = tpu.matmul %get3A_25, %get3A_28, %dot_general3A {dimension_numbers = #tpu.dot_dimension_numbers<[1], [1], [0], [0], [0, 0, 1, 0], [], []>, transpose_lhs_hint = false} : vector<10000x128xf32>, vector<128x128xf32>, vector<10000x128xf32> -> vector<10000x128xf32>
    %get3A_30 = arith.constant 0 : index
    %get3A_31 = arith.constant 0 : index
    %get3A_32 = vector.load %arg4[%get3A_30, %get3A_31] : memref<128x128xf32, #tpu.memory_space<vmem>>, vector<128x128xf32>
    %dot_general3A_33 = arith.constant dense<0.000000e+00> : vector<10000x128xf32>
    %dot_general3A_34 = tpu.matmul %div3A_22, %get3A_32, %dot_general3A_33 {dimension_numbers = #tpu.dot_dimension_numbers<[1], [1], [0], [0], [0, 0, 1, 0], [], []>, transpose_lhs_hint = false} : vector<10000x128xf32>, vector<128x128xf32>, vector<10000x128xf32> -> vector<10000x128xf32>
    %add3A_35 = arith.addf %dot_general3A_29, %dot_general3A_34 : vector<10000x128xf32>
    %reduce_sum3A = arith.constant dense<0.000000e+00> : vector<128xf32>
    %reduce_sum3A_36 = vector.multi_reduction <add>, %add3A_35, %reduce_sum3A [0] : vector<10000x128xf32> to vector<128xf32>
    %div3A_37 = arith.constant 1.000000e+04 : f32
    %div3A_38 = vector.broadcast %div3A_37 : f32 to vector<128xf32>
    %div3A_39 = arith.divf %reduce_sum3A_36, %div3A_38 : vector<128xf32>
    %broadcast_in_dim3A = vector.shape_cast %div3A_39 : vector<128xf32> to vector<1x128xf32>
    %sub3A = vector.broadcast %broadcast_in_dim3A : vector<1x128xf32> to vector<10000x128xf32>
    %sub3A_40 = arith.subf %add3A_35, %sub3A : vector<10000x128xf32>
    %integer_pow3A = arith.mulf %sub3A_40, %sub3A_40 : vector<10000x128xf32>
    %reduce_sum3A_41 = arith.constant dense<0.000000e+00> : vector<128xf32>
    %reduce_sum3A_42 = vector.multi_reduction <add>, %integer_pow3A, %reduce_sum3A_41 [0] : vector<10000x128xf32> to vector<128xf32>
    %div3A_43 = arith.constant 1.000000e+04 : f32
    %div3A_44 = vector.broadcast %div3A_43 : f32 to vector<128xf32>
    %div3A_45 = arith.divf %reduce_sum3A_42, %div3A_44 : vector<128xf32>
    %broadcast_in_dim3A_46 = vector.shape_cast %div3A_39 : vector<128xf32> to vector<1x128xf32>
    %sub3A_47 = vector.broadcast %broadcast_in_dim3A_46 : vector<1x128xf32> to vector<10000x128xf32>
    %sub3A_48 = arith.subf %add3A_35, %sub3A_47 : vector<10000x128xf32>
    %add3A_49 = arith.constant 9.99999974E-6 : f32
    %add3A_50 = vector.broadcast %add3A_49 : f32 to vector<128xf32>
    %add3A_51 = arith.addf %div3A_45, %add3A_50 : vector<128xf32>
    %rsqrt3A = math.rsqrt %add3A_51 : vector<128xf32>
    %broadcast_in_dim3A_52 = vector.shape_cast %rsqrt3A : vector<128xf32> to vector<1x128xf32>
    %mul3A = vector.broadcast %broadcast_in_dim3A_52 : vector<1x128xf32> to vector<10000x128xf32>
    %mul3A_53 = arith.mulf %sub3A_48, %mul3A : vector<10000x128xf32>
    %get3A_54 = arith.constant 0 : index
    %get3A_55 = vector.load %arg5[%get3A_54] : memref<128xf32, #tpu.memory_space<vmem>>, vector<128xf32>
    %broadcast_in_dim3A_56 = vector.shape_cast %get3A_55 : vector<128xf32> to vector<1x128xf32>
    %mul3A_57 = vector.broadcast %broadcast_in_dim3A_56 : vector<1x128xf32> to vector<10000x128xf32>
    %mul3A_58 = arith.mulf %mul3A_53, %mul3A_57 : vector<10000x128xf32>
    %get3A_59 = arith.constant 0 : index
    %get3A_60 = vector.load %arg6[%get3A_59] : memref<128xf32, #tpu.memory_space<vmem>>, vector<128xf32>
    %broadcast_in_dim3A_61 = vector.shape_cast %get3A_60 : vector<128xf32> to vector<1x128xf32>
    %add3A_62 = vector.broadcast %broadcast_in_dim3A_61 : vector<1x128xf32> to vector<10000x128xf32>
    %add3A_63 = arith.addf %mul3A_58, %add3A_62 : vector<10000x128xf32>
    %max3A_64 = arith.constant 0.000000e+00 : f32
    %max3A_65 = vector.broadcast %max3A_64 : f32 to vector<10000x128xf32>
    %max3A_66 = arith.maximumf %add3A_63, %max3A_65 : vector<10000x128xf32>
    %swap3A = arith.constant 0 : index
    %swap3A_67 = arith.constant 0 : index
    %swap3A_68 = vector.load %arg7[%swap3A, %swap3A_67] : memref<10000x128xf32, #tpu.memory_space<vmem>>, vector<10000x128xf32>
    tpu.vector_store %arg7[%swap3A, %swap3A_67], %max3A_66 {strides = array<i32>} : memref<10000x128xf32, #tpu.memory_space<vmem>>, vector<10000x128xf32>,
    return
  }
}

</mosaic_0001>

<sc_bundles>
// kernel: kernel.5.cloned.1.call-start
scs
__scs_entry_jumppad:
0x0: {  	(pc) =	sbr.rel $0x88, $3  }
0x1: {  	(tag) =	ssettag $0x0;
	lr =	simm.s32 $0x1  }
0x2: {  	[smem:$0x3F98] =	sst lr;
	_ =	strace $0xD0000000  }
0x3: {  	_ = 	snop  }
0x4: {  	_ = 	snop  }
0x5: {  	_ = 	snop  }
0x6: {  	_ = 	snop  }
0x7: {  	_ = 	snop  }
__scs_overlays_trampoline_lowered:
0x8: {  	[smem:$0x3FA7] =	sst s0  }
0x9: {  	[smem:$0x3FA8] =	sst s1  }
0xa: {  	[smem:$0x3FA9] =	sst s2  }
0xb: {  	[smem:$0x3FAA] =	sst s3  }
0xc: {  	[smem:$0x3FAB] =	sst s4  }
0xd: {  	[smem:$0x3FAC] =	sst s5  }
0xe: {  	[smem:$0x3FAD] =	sst s6  }
0xf: {  	[smem:$0x3FAE] =	sst s7  }
0x10: {  	[smem:$0x3FAF] =	sst s8  }
0x11: {  	[smem:$0x3FB0] =	sst s9;
	s0 =	simm.s32 @!p0 $0x0  }
0x12: {  	s1 =	sld [smem:$0x3F96];
	s0 =	simm.s32 @p0 $0x1  }
0x13: {  	[smem:$0x3FB1] =	sst s0;
	s0 =	simm.s32 @!p1 $0x0  }
0x14: {  	s2 =	sld [smem:$0x3F95];
	s0 =	simm.s32 @p1 $0x1  }
0x15: {  	[smem:$0x3FB2] =	sst s0;
	s0 =	simm.s32 @!p2 $0x0  }
0x16: {  	s3 =	sld [smem:$0x3FDB];
	s0 =	simm.s32 @p2 $0x1  }
0x17: {  	s4 =	simm.s32 $0x1BF5;
	[smem:$0x3FB4] =	sst s0  }
0x18: {  	s0 =	sld [smem:$0x3F97];
	_ =	swait.ge [sflag:s4], $0x0  }
0x19: {  	s7 =	sld [smem:$0x3F98]  }
0x1a: {  	s8 =	sadd.s32 $0xFFFFE003, lr  }
0x1b: {  	s9 =	sadd.s32 $0xFFFFFEF7, lr;
	s5 =	simm.s32 $0xFFFFFFFF;
	p2 =	slt.u32 s8, $0xFFFFF086  }
0x1c: {  	p1 =	slt.u32 s9, $0xF7A;
	s5 =	simm.s32 @!p2 $0x0  }
0x1d: {  	s5 =	simm.s32 @p1 $0x1;
	p0 =	seq.s32 s7, s2  }
0x1e: {  	s7 =	smul.u32 @!p0 $0xF7A, s2;
	p2 =	seq.s32 @!p0 s5, $0x0  }
0x1f: {  	s9 =	smul.u32 $0xF7A, s1;
	s8 =	simm.s32 @!p0 $0x1BF5;
	p2 =	por !p2, p0  }
0x20: {  	[sflag:s8] =	ssyncset.s32 @!p0 $0xFFFFF086;
	s6 =	sadd.s32 @!p0 s3, s7;
	s7 =	simm.s32 @!p0 $0x108  }
0x21: {  	s3 =	sadd.s32 s3, s9;
	s6 =	sadd.s32 @!p0 $0x88, s6;
	s7 =	simm.s32 @p2 $0x1082  }
0x22: {  	[simem:s7], [sflag:s8] =	dma.local @!p0 [hbm:s6], $0xF7A  }
0x23: {  	s9 =	sor.u32 $0xD0000000, s2;
	s6 =	simm.s32 $0x108;
	_ =	swait.ge @!p0 [sflag:s8], $0x0  }
0x24: {  	s3 =	sadd.s32 $0x88, s3;
	s6 =	simm.s32 @!p1 $0x1082;
	[sflag:s4] =	ssyncset.s32 $0xFFFFF086  }
0x25: {  	[simem:s6], [sflag:s4] =	dma.local [hbm:s3], $0xF7A  }
0x26: {  	[smem:$0x3F98] =	sst s1;
	(tag) =	ssettag s2;
	_ =	strace s9  }
0x27: {  	s1 =	sld [smem:$0x3FA8]  }
0x28: {  	s2 =	sld [smem:$0x3FA9]  }
0x29: {  	s4 =	sld [smem:$0x3FAB]  }
0x2a: {  	p0 =	seq.s32 s5, $0x0;
	s5 =	sld [smem:$0x3FAC]  }
0x2b: {  	s6 =	sld [smem:$0x3FAD]  }
0x2c: {  	s7 =	sld [smem:$0x3FAE]  }
0x2d: {  	s3 =	simm.s32 $0x108;
	s8 =	sld [smem:$0x3FAF]  }
0x2e: {  	s3 =	simm.s32 @!p0 $0x1082;
	s9 =	sld [smem:$0x3FB0]  }
0x2f: {  	lr =	sadd.s32 s0, s3;
	s0 =	sld [smem:$0x3FA7]  }
0x30: {  	s3 =	sld [smem:$0x3FAA]  }
0x31: {  	[smem:$0x3FB3] =	sst s10  }
0x32: {  	s10 =	sld [smem:$0x3FB1];
	_ =	sdelay $0x3  }
0x33: {  	p0 =	seq.s32 s10, $0x1;
	s10 =	sld [smem:$0x3FB3];
	_ =	sdelay $0x3  }
0x34: {  	[smem:$0x3FB3] =	sst s10  }
0x35: {  	s10 =	sld [smem:$0x3FB2];
	_ =	sdelay $0x3  }
0x36: {  	p1 =	seq.s32 s10, $0x1;
	s10 =	sld [smem:$0x3FB3];
	_ =	sdelay $0x3  }
0x37: {  	[smem:$0x3FB3] =	sst s10  }
0x38: {  	s10 =	sld [smem:$0x3FB4]  }
0x39: {  	_ = 	snop;
	(pc) =	sbr.ind lr, $3  }
0x3a: {  	_ = 	snop  }
0x3b: {  	_ = 	snop  }
0x3c: {  	p2 =	seq.s32 s10, $0x1;
	s10 =	sld [smem:$0x3FB3]  }
0x3d: {  	_ =	shalt  }
0x3e: {  	_ =	shalt  }
0x3f: {  	_ =	shalt  }
0x40: {  	_ =	shalt  }
0x41: {  	_ =	shalt  }
0x42: {  	_ =	shalt  }
0x43: {  	_ =	shalt  }
0x44: {  	_ =	shalt  }
0x45: {  	_ =	shalt  }
0x46: {  	_ =	shalt  }
0x47: {  	_ =	shalt  }
0x48: {  	_ =	shalt  }
0x49: {  	_ =	shalt  }
0x4a: {  	_ =	shalt  }
0x4b: {  	_ =	shalt  }
0x4c: {  	_ =	shalt  }
0x4d: {  	_ =	shalt  }
0x4e: {  	_ =	shalt  }
0x4f: {  	_ =	shalt  }
0x50: {  	_ =	shalt  }
0x51: {  	_ =	shalt  }
0x52: {  	_ =	shalt  }
0x53: {  	_ =	shalt  }
0x54: {  	_ =	shalt  }
0x55: {  	_ =	shalt  }
0x56: {  	_ =	shalt  }
0x57: {  	_ =	shalt  }
0x58: {  	_ =	shalt  }
0x59: {  	_ =	shalt  }
0x5a: {  	_ =	shalt  }
0x5b: {  	_ =	shalt  }
0x5c: {  	_ =	shalt  }
0x5d: {  	_ =	shalt  }
0x5e: {  	_ =	shalt  }
0x5f: {  	_ =	shalt  }
0x60: {  	_ =	shalt  }
0x61: {  	_ =	shalt  }
0x62: {  	_ =	shalt  }
0x63: {  	_ =	shalt  }
0x64: {  	_ =	shalt  }
0x65: {  	_ =	shalt  }
0x66: {  	_ =	shalt  }
0x67: {  	_ =	shalt  }
0x68: {  	_ =	shalt  }
0x69: {  	_ =	shalt  }
0x6a: {  	_ =	shalt  }
0x6b: {  	_ =	shalt  }
0x6c: {  	_ =	shalt  }
0x6d: {  	_ =	shalt  }
0x6e: {  	_ =	shalt  }
0x6f: {  	_ =	shalt  }
0x70: {  	_ =	shalt  }
0x71: {  	_ =	shalt  }
0x72: {  	_ =	shalt  }
0x73: {  	_ =	shalt  }
0x74: {  	_ =	shalt  }
0x75: {  	_ =	shalt  }
0x76: {  	_ =	shalt  }
0x77: {  	_ =	shalt  }
0x78: {  	_ =	shalt  }
0x79: {  	_ =	shalt  }
0x7a: {  	_ =	shalt  }
0x7b: {  	_ =	shalt  }
0x7c: {  	_ =	shalt  }
0x7d: {  	_ =	shalt  }
0x7e: {  	_ =	shalt  }
0x7f: {  	_ =	shalt  }
0x80: {  	_ =	shalt  }
0x81: {  	_ =	shalt  }
0x82: {  	_ =	shalt  }
0x83: {  	_ =	shalt  }
0x84: {  	_ =	shalt  }
0x85: {  	_ =	shalt  }
0x86: {  	_ =	shalt  }
0x87: {  	_ =	shalt  }
.Lfunc_end0:
.L_simem_size_0:
called_computation_lowered:
.L_overlay_start_0:
0x88: {  	s2 =	sld [smem:$0x3FD9]  }
0x89: {  	s3 =	sld [smem:$0x3FFE];
	_ =	sdelay $0x1  }
0x8a: {  	s1 =	srdreg.scid  }
0x8b: {  	s0 =	sand.u32 $0x1, s1  }
0x8c: {  	s14 =	sshll.u32 s0, $0xA;
	s2 =	sadd.s32 s3, s2  }
0x8d: {  	s2 =	sadd.s32 s2, s14  }
0x8e: {  	[smem:$0x3FBF] =	sst s2  }
0x8f: {  	_ = 	snop  }
0x90: {  	s2 =	sld [smem:$0x3FD0];
	_ =	sdelay $0x2  }
0x91: {  	s4 =	simm.s32 $0xA;
	s5 =	simm.s32 $0x10;
	s15 =	sld [smem:$0x3FC9]  }
0x92: {  	[smem:s5], [sflag:s4] =	dma.local [hbm:s2], $0x1  }
0x93: {  	_ =	swait.eq [sflag:s4], $0x1  }
0x94: {  	[sflag:s4] =	ssyncset.done $0x0  }
0x95: {  	[sflag:s4] =	ssyncadd.s32 $0xFFFFFFFF  }
0x96: {  	s16 =	sld [smem:$0x10];
	(tm) =	ssettm $0x1  }
0x97: {  	s17 =	sld [smem:$0x3FFB];
	_ =	sdelay $0x3  }
0x98: {  	_ =	strace s17  }
0x99: {  	s4 =	sld [smem:$0x3FFC];
	_ =	sdelay $0x3  }
0x9a: {  	_ =	strace s4  }
0x9b: {  	s4 =	sld [smem:$0x3FFD];
	_ =	sdelay $0x3  }
0x9c: {  	_ =	strace s4  }
0x9d: {  	_ =	strace $0x8FFFFFFF  }
0x9e: {  	s18 =	sld [smem:$0x3FDB];
	_ =	sdelay $0x1  }
0x9f: {  	s19 =	simm.s32 $_scs_section_size  }
0xa0: {  	s6 =	simm.s32 $_size__tile_overlayer_lowered;
	s7 =	simm.s32 $_tile_overlayer_lowered  }
0xa1: {  	s22 =	simm.s32 $0x1BFF;
	s21 =	sshll.u32 s7, $0x1;
	s4 =	sadd.s32 s19, s18  }
0xa2: {  	s8 =	simm.s32 $0x0;
	s20 =	sshll.u32 s6, $0x1;
	s6 =	sadd.s32 s21, s4  }
0xa3: {  	[timem:s8], [sflag:s22] =	dma.local [hbm:s6], s20  }
0xa4: {  	_ =	swait.ge [sflag:s22], s20  }
0xa5: {  	s5 =	ssub.s32 $0x0, s20;
	[sflag:s22] =	ssyncset.done $0x0  }
0xa6: {  	[sflag:s22] =	ssyncadd.s32 s5;
	_ =	sdelay $0x1  }
0xa7: {  	s23 =	simm.s32 $0x1B8B  }
0xa8: {  	_ =	swait.ge [sflag:s23], $0x1  }
0xa9: {  	[sflag:s23] =	ssyncset.done $0x0  }
0xaa: {  	s25 =	simm.s32 $0x1B8E;
	s24 =	sld [smem:$0x3FFE];
	[sflag:s23] =	ssyncadd.s32 $0xFFFFFFFF  }
0xab: {  	s26 =	simm.s32 $execute0_lowered;
	[smem:$0x3FD2] =	sst s25  }
0xac: {  	s6 =	sshll.u32 s26, $0x1;
	_ =	strace $0x80000046;
	[dreg:$0x1] =	wrdreg $0xFFFFFFFF  }
0xad: {  	s28 =	simm.s32 $_size_execute0_lowered;
	s4 =	sadd.s32 s4, s6;
	[dreg:$0x0] =	wrdreg $0x0  }
0xae: {  	s6 =	sshll.u32 s28, $0x1;
	[dreg:$0x2] =	wrdreg s4  }
0xaf: {  	[dreg:$0x3] =	wrdreg s6  }
0xb0: {  	[dreg:$0x4] =	wrdreg $0xC0  }
0xb1: {  	_ =	task [dreg:s8], $0x5FFFF  }
0xb2: {  	[dreg:$0x1] =	wrdreg $0xFFFFFFFF  }
0xb3: {  	[dreg:$0x0] =	wrdreg $0x60  }
0xb4: {  	[dreg:$0x2] =	wrdreg s15  }
0xb5: {  	[dreg:$0x3] =	wrdreg s24  }
0xb6: {  	[dreg:$0x4] =	wrdreg s16  }
0xb7: {  	[dreg:$0x5] =	wrdreg $0x0  }
0xb8: {  	[dreg:$0x6] =	wrdreg $0x138800  }
0xb9: {  	[dreg:$0x7] =	wrdreg $0x9  }
0xba: {  	_ =	task.clear_ibuf [dreg:s8], $0x8FFFF;
	_ =	strace $0x90000046  }
0xbb: {  	s29 =	simm.s32 $0x9;
	_ =	strace $0x80000048  }
0xbc: {  	_ =	swait.ge [sflag:s29], $0x1  }
0xbd: {  	[sflag:s29] =	ssyncadd.s32 $0xFFFFFFFF  }
0xbe: {  	_ =	strace $0x90000048  }
0xbf: {  	_ =	sfence  }
0xc0: {  	s30 =	sld [smem:$0x0];
	_ =	sdelay $0x2  }
0xc1: {  	s31 =	sshll.u32 s1, $0xD;
	s1 =	sshrl.u32 s1, $0x2  }
0xc2: {  	s3 =	sand.u32 $0x4000, s31;
	s1 =	sadd.s32 s1, s30  }
0xc3: {  	s0 =	sor.u32 s3, s0;
	s1 =	sshll.u32 s1, $0x11  }
0xc4: {  	s0 =	sor.u32 s1, s0  }
0xc5: {  	s0 =	sadd.s32 $0x8F2B, s0  }
0xc6: {  	[sflag:s0] =	ssyncadd.remote.s32 $0x1  }
0xc7: {  	_ =	sfence.sel $0xFFFF  }
0xc8: {  	[dreg:$0x0] =	wrdreg $0xFFFFFFFF;
	(pc) =	sbr.abs _section_cstart, $3  }
0xc9: {  	[dreg:$0x1] =	wrdreg $0xFFFFFFFF  }
0xca: {  	_ =	task.clear_ibuf [dreg:s8], $0x2FFFF;
	_ =	strace $0x9FFFFFFF  }
0xcb: {  	(tm) =	ssettm $0x7FFFFFFF  }
tec
execute0_lowered:
.L_overlay_start_1:
0x0: {  	(tag) =	ssettag $0x1  }
0x1: {  	s0 =	rddreg [dreg:$0x1]  }
0x2: {  	s12 =	rddreg [dreg:$0x2]  }
0x3: {  	s3 =	rddreg [dreg:$0x3]  }
0x4: {  	s5 =	simm.s32 $0x0;
	s22 =	srdreg.scid;
	s13 =	stileid.u32  }
0x5: {  	s28 =	simm.s32 $0x50;
	[smem:$0x7FF] =	sst s5;
	s6 =	smul.u32 $0x4E000, s13  }
0x6: {  	s1 =	sadd.s32 $0xBA00, s0;
	s2 =	sshll.u32 s13, $0x1;
	s18 =	smul.u32 $0x13800, s13  }
0x7: {  	_ =	strace $0x80000047;
	[dreg:$0x6] =	wrdreg s1;
	s1 =	sand.u32 $0x1, s22  }
0x8: {  	s8 =	sadd.s32 $0x1C00, s0;
	s2 =	sor.u32 s1, s2;
	s26 =	smul.u32 $0x138800, s1  }
0x9: {  	s4 =	sadd.s32 $0xC200, s0;
	s7 =	sadd.s32 $0x5A400, s0;
	s9 =	smul.u32 $0x7D, s2  }
0xa: {  	s23 =	ssub.s32 $0x2, s1;
	s6 =	sshrl.u32 s6, $0x2;
	s11 =	smul.u32 $0x9C4, s2  }
0xb: {  	s10 =	sshrl.u32 s23, $0x1;
	s14 =	sadd.s32 s6, s3;
	s24 =	smul.u32 $0x4E20, s2  }
0xc: {  	s2 =	smul.u32 $0x2710, s2;
	s15 =	sadd.s32 $0x2800, s14;
	[dreg:$0x7] =	wrdreg s14  }
0xd: {  	s0 =	ssub.s32 s23, s10;
	s25 =	sadd.s32 s12, s11;
	[dreg:$0x8] =	wrdreg s15  }
0xe: {  	s20 =	sadd.s32 s18, s26;
	s19 =	sadd.s32 $0x50, s2;
	[dreg:$0x9] =	wrdreg s25  }
0xf: {  	s10 =	sshrl.u32 s26, $0x3;
	s26 =	sadd.s32 $0x3, s9;
	[dreg:$0xc] =	wrdreg s19  }
0x10: {  	s17 =	sshrl.u32 s2, $0x3;
	s2 =	sadd.s32 $0xA0, s2;
	[dreg:$0x14] =	wrdreg s26  }
0x11: {  	s31 =	simm.s32 $0x140C0;
	s0 =	smax.u32 s0, $0x1;
	[dreg:$0x15] =	wrdreg s2  }
0x12: {  	s10 =	sadd.s32 $0x24900, s10;
	s11 =	sadd.s32 s8, s17;
	[smem:$0x7FD] =	sst s0  }
0x13: {  	s29 =	simm.s32 $0x6;
	s23 =	sadd.s32 s7, s10;
	[dreg:$0xb] =	wrdreg s11  }
0x14: {  	s6 =	sshrl.u32 s24, $0x3;
	s25 =	sadd.s32 $0x2, s9;
	[dreg:$0x10] =	wrdreg s23  }
0x15: {  	s6 =	sadd.s32 s12, s6;
	s2 =	sadd.s32 $0x124800, s3;
	[dreg:$0x11] =	wrdreg s25  }
0x16: {  	s30 =	simm.s32 $0x2;
	s16 =	sadd.s32 $0x14, s6;
	[dreg:$0x16] =	wrdreg s2  }
0x17: {  	s11 =	sshrl.u32 s20, $0x3;
	s6 =	sadd.s32 $0x28, s6;
	[dreg:$0xa] =	wrdreg s16  }
0x18: {  	p1 =	seq.s32 s13, $0xF;
	s17 =	sadd.s32 s4, s11;
	[dreg:$0x12] =	wrdreg s6  }
0x19: {  	s21 =	smul.u32 $0x4E20, s13;
	s4 =	sadd.s32 s4, s10;
	[dreg:$0xd] =	wrdreg s17  }
0x1a: {  	s24 =	sshrl.u32 s19, $0x3;
	s22 =	sadd.s32 s7, s11;
	[dreg:$0xe] =	wrdreg s4  }
0x1b: {  	s1 =	smul.u32 $0x2710, s1;
	[dreg:$0xf] =	wrdreg s22;
	s4 =	sadd.s32 s8, s24  }
0x1c: {  	s6 =	sadd.s32 $0x129800, s3;
	[dreg:$0x13] =	wrdreg s4;
	s4 =	smov.u32 s14  }
0x1d: {  	p0 =	sne.s32 s13, $0xF;
	[dreg:$0x1c] =	wrdreg s6;
	s4 =	smov.u32 @p1 s2  }
0x1e: {  	s1 =	sadd.s32 s1, s21;
	s2 =	sadd.s32 $0x5000, s14;
	[dreg:$0x17] =	wrdreg s4  }
0x1f: {  	s18 =	simm.s32 $0x1;
	s4 =	sadd.s32 $0x127000, s3;
	[dreg:$0x18] =	wrdreg s2  }
0x20: {  	s21 =	simm.s32 $0x4;
	s2 =	smov.u32 @p1 s6;
	[dreg:$0x19] =	wrdreg s4  }
0x21: {  	s1 =	sshrl.u32 s1, $0x3;
	s6 =	sadd.s32 $0x12C000, s3;
	[dreg:$0x1d] =	wrdreg s2  }
0x22: {  	s26 =	simm.s32 $0x13E40;
	s15 =	smov.u32 @p1 s4;
	[dreg:$0x1f] =	wrdreg s6  }
0x23: {  	s9 =	simm.s32 $0x8;
	s4 =	sadd.s32 $0x7800, s14;
	[dreg:$0x1a] =	wrdreg s15  }
0x24: {  	s12 =	simm.s32 $0x13EC0;
	s2 =	sadd.s32 $0xA000, s14;
	[dreg:$0x1b] =	wrdreg s4  }
0x25: {  	s0 =	simm.s32 $0x13F60;
	s4 =	smov.u32 @p1 s6;
	[dreg:$0x1e] =	wrdreg s2  }
0x26: {  	s19 =	simm.s32 $0x14000;
	s6 =	sadd.s32 $0x12E800, s3;
	[smem:$0x7F1] =	sst s4  }
0x27: {  	s25 =	simm.s32 $0x5;
	[smem:$0x7F2] =	sst s6;
	s2 =	smov.u32 @p1 s6  }
0x28: {  	s20 =	simm.s32 $0x9;
	s4 =	sadd.s32 $0xC800, s14;
	[smem:$0x7F3] =	sst s2  }
0x29: {  	s11 =	sadd.s32 s1, s8;
	s6 =	sadd.s32 $0x131000, s3;
	[smem:$0x7F4] =	sst s4  }
0x2a: {  	s7 =	simm.s32 $0x190C0;
	[smem:$0x7F5] =	sst s6;
	s4 =	smov.u32 @p1 s6  }
0x2b: {  	s10 =	simm.s32 $0x3;
	s2 =	sadd.s32 $0xF000, s14;
	[smem:$0x7F6] =	sst s4  }
0x2c: {  	s16 =	simm.s32 $0xA;
	s6 =	sadd.s32 $0x133800, s3;
	[smem:$0x7F7] =	sst s2  }
0x2d: {  	s17 =	simm.s32 $0x13DC0;
	[smem:$0x7F8] =	sst s6;
	s2 =	smov.u32 @p1 s6  }
0x2e: {  	s24 =	simm.s32 $0x7;
	s4 =	sadd.s32 $0x11000, s14;
	[smem:$0x7F9] =	sst s2  }
0x2f: {  	s15 =	simm.s32 $0x13F10;
	s2 =	sadd.s32 $0x136000, s3;
	[smem:$0x7FA] =	sst s4  }
0x30: {  	s6 =	simm.s32 $0x168C0;
	s14 =	simm.s32 $0x13FB0;
	[smem:$0x7FB] =	sst s2  }
0x31: {  	s4 =	smov.u32 @p1 s2;
	p1 =	sne.s32 @p0 s13, $0x0;
	s13 =	simm.s32 $0x13BC0  }
0x32: {  	v0 =	vimm.f32 $0.0e+00;
	v1 =	vimm.f32 $1.000000000e+00;
	[smem:$0x7FC] =	sst s4;
	p1 =	por p1, !p0;
	s4 =	simm.s32 $0x0  }
.LBB2_1:
0x33: {  	[smem:$0x7F0] =	sst s4;
	s1 =	simm.s32 $0x0;
	s2 =	simm.s32 $0x200  }
.LBB2_2:
0x34: {  	p2 =	sne.s32 s2, $0x9E00;
	[tilespmem:s1+$0x14130] =	vst v0  }
0x35: {  	[tilespmem:s1+$0x140C0] =	vst v0  }
0x36: {  	[tilespmem:s1+$0x140D0] =	vst v0  }
.Ltmp0:
0x37: {  	[tilespmem:s1+$0x140E0] =	vst v0;
	(pc) =	sbr.rel @p2 .LBB2_2-.Ltmp0, $4  }
0x38: {  	[tilespmem:s1+$0x140F0] =	vst v0  }
0x39: {  	[tilespmem:s1+$0x14100] =	vst v0  }
0x3a: {  	[tilespmem:s1+$0x14110] =	vst v0  }
0x3b: {  	[tilespmem:s1+$0x14120] =	vst v0;
	s1 =	sshra.s32 s2, $0x2;
	s2 =	sadd.s32 $0x200, s2  }
0x3c: {  	[tilespmem:s1+$0x14130] =	vst v0  }
0x3d: {  	[tilespmem:s1+$0x140C0] =	vst v0  }
0x3e: {  	[tilespmem:s1+$0x140D0] =	vst v0  }
0x3f: {  	[tilespmem:s1+$0x140E0] =	vst v0  }
0x40: {  	[tilespmem:s1+$0x140F0] =	vst v0  }
0x41: {  	[tilespmem:s1+$0x14100] =	vst v0  }
0x42: {  	[tilespmem:s1+$0x14110] =	vst v0  }
0x43: {  	[tilespmem:s1+$0x14120] =	vst v0;
	s1 =	simm.s32 @p0 $0x140C0;
	s2 =	rddreg [dreg:$0x7]  }
0x44: {  	[spmem:s2] =	stream.linear.scatter @p0 [tilespmem:s1], [sflag:$0x9], $0x2800, $0x38;
	[tilespmem:$0x1E0C0] =	vst v63  }
0x45: {  	s2 =	rddreg [dreg:$0x8]  }
0x46: {  	[spmem:s2] =	stream.linear.scatter @p0 [tilespmem:s1], [sflag:$0x9], $0x2800, $0x38;
	[tilespmem:$0x1E0C0] =	vst v63  }
0x47: {  	s2 =	rddreg [dreg:$0x18]  }
0x48: {  	[spmem:s2] =	stream.linear.scatter @p0 [tilespmem:s1], [sflag:$0x9], $0x2800, $0x38;
	[tilespmem:$0x1E0C0] =	vst v63  }
0x49: {  	s2 =	rddreg [dreg:$0x1b]  }
0x4a: {  	[spmem:s2] =	stream.linear.scatter @p0 [tilespmem:s1], [sflag:$0x9], $0x2800, $0x38;
	[tilespmem:$0x1E0C0] =	vst v63  }
0x4b: {  	s2 =	rddreg [dreg:$0x1e]  }
0x4c: {  	[spmem:s2] =	stream.linear.scatter @p0 [tilespmem:s1], [sflag:$0x9], $0x2800, $0x38;
	[tilespmem:$0x1E0C0] =	vst v63  }
0x4d: {  	s2 =	sld [smem:$0x7F4];
	_ =	sdelay $0x2  }
0x4e: {  	[spmem:s2] =	stream.linear.scatter @p0 [tilespmem:s1], [sflag:$0x9], $0x2800, $0x38;
	[tilespmem:$0x1E0C0] =	vst v63  }
0x4f: {  	s2 =	sld [smem:$0x7F7];
	_ =	sdelay $0x2  }
0x50: {  	[spmem:s2] =	stream.linear.scatter @p0 [tilespmem:s1], [sflag:$0x9], $0x2800, $0x38;
	[tilespmem:$0x1E0C0] =	vst v63  }
0x51: {  	s2 =	sld [smem:$0x7FA];
	_ =	sdelay $0x2  }
0x52: {  	[spmem:s2] =	stream.linear.scatter @p0 [tilespmem:s1], [sflag:$0x9], $0x2800, $0x38;
	[tilespmem:$0x1E0C0] =	vst v63  }
0x53: {  	s1 =	simm.s32 @p0 $0x9  }
0x54: {  	_ =	swait.ge @p0 [sflag:s1], $0x2800  }
0x55: {  	[sflag:s1] =	ssyncset.done @p0 $0x0  }
0x56: {  	[sflag:s1] =	ssyncadd.s32 @p0 $0xFFFFD800  }
0x57: {  	_ =	swait.ge @p0 [sflag:s1], $0x2800  }
0x58: {  	[sflag:s1] =	ssyncset.done @p0 $0x0  }
0x59: {  	[sflag:s1] =	ssyncadd.s32 @p0 $0xFFFFD800  }
0x5a: {  	_ =	swait.ge @p0 [sflag:s1], $0x2800  }
0x5b: {  	[sflag:s1] =	ssyncset.done @p0 $0x0  }
0x5c: {  	[sflag:s1] =	ssyncadd.s32 @p0 $0xFFFFD800  }
0x5d: {  	_ =	swait.ge @p0 [sflag:s1], $0x2800  }
0x5e: {  	[sflag:s1] =	ssyncset.done @p0 $0x0  }
0x5f: {  	[sflag:s1] =	ssyncadd.s32 @p0 $0xFFFFD800  }
0x60: {  	_ =	swait.ge @p0 [sflag:s1], $0x2800  }
0x61: {  	[sflag:s1] =	ssyncset.done @p0 $0x0  }
0x62: {  	[sflag:s1] =	ssyncadd.s32 @p0 $0xFFFFD800  }
0x63: {  	_ =	swait.ge @p0 [sflag:s1], $0x2800  }
0x64: {  	[sflag:s1] =	ssyncset.done @p0 $0x0  }
0x65: {  	[sflag:s1] =	ssyncadd.s32 @p0 $0xFFFFD800  }
0x66: {  	_ =	swait.ge @p0 [sflag:s1], $0x2800  }
0x67: {  	[sflag:s1] =	ssyncset.done @p0 $0x0  }
0x68: {  	[sflag:s1] =	ssyncadd.s32 @p0 $0xFFFFD800  }
0x69: {  	_ =	swait.ge @p0 [sflag:s1], $0x2800  }
0x6a: {  	[sflag:s1] =	ssyncset.done @p0 $0x0  }
0x6b: {  	[sflag:s1] =	ssyncadd.s32 @p0 $0xFFFFD800  }
0x6c: {  	s4 =	rddreg [dreg:$0x4]  }
0x6d: {  	s2 =	simm.s32 @!p1 $0x1C0A;
	s22 =	rddreg [dreg:$0x6];
	s1 =	sshrl.u32 @!p1 s4, $0x3  }
0x6e: {  	[spmem:s1], [sflag:s2] =	dma.local @!p1 [hbm:s22], $0x640  }
0x6f: {  	s1 =	simm.s32 @!p1 $0xA  }
0x70: {  	_ =	swait.ge @!p1 [sflag:s1], $0x640  }
0x71: {  	[sflag:s1] =	ssyncset.done @!p1 $0x0  }
0x72: {  	s2 =	rddreg [dreg:$0x16];
	[sflag:s1] =	ssyncadd.s32 @!p1 $0xFFFFF9C0;
	s1 =	simm.s32 @!p0 $0x140C0  }
0x73: {  	[spmem:s2] =	stream.linear.scatter @!p0 [tilespmem:s1], [sflag:$0x9], $0x2800, $0x38;
	[tilespmem:$0x1E0C0] =	vst v63  }
0x74: {  	s2 =	rddreg [dreg:$0x19]  }
0x75: {  	[spmem:s2] =	stream.linear.scatter @!p0 [tilespmem:s1], [sflag:$0x9], $0x2800, $0x38;
	[tilespmem:$0x1E0C0] =	vst v63  }
0x76: {  	s2 =	rddreg [dreg:$0x1c]  }
0x77: {  	[spmem:s2] =	stream.linear.scatter @!p0 [tilespmem:s1], [sflag:$0x9], $0x2800, $0x38;
	[tilespmem:$0x1E0C0] =	vst v63  }
0x78: {  	s2 =	rddreg [dreg:$0x1f]  }
0x79: {  	[spmem:s2] =	stream.linear.scatter @!p0 [tilespmem:s1], [sflag:$0x9], $0x2800, $0x38;
	[tilespmem:$0x1E0C0] =	vst v63  }
0x7a: {  	s2 =	sld [smem:$0x7F2];
	_ =	sdelay $0x2  }
0x7b: {  	[spmem:s2] =	stream.linear.scatter @!p0 [tilespmem:s1], [sflag:$0x9], $0x2800, $0x38;
	[tilespmem:$0x1E0C0] =	vst v63  }
0x7c: {  	s2 =	sld [smem:$0x7F5];
	_ =	sdelay $0x2  }
0x7d: {  	[spmem:s2] =	stream.linear.scatter @!p0 [tilespmem:s1], [sflag:$0x9], $0x2800, $0x38;
	[tilespmem:$0x1E0C0] =	vst v63  }
0x7e: {  	s2 =	sld [smem:$0x7F8];
	_ =	sdelay $0x2  }
0x7f: {  	[spmem:s2] =	stream.linear.scatter @!p0 [tilespmem:s1], [sflag:$0x9], $0x2800, $0x38;
	[tilespmem:$0x1E0C0] =	vst v63  }
0x80: {  	s2 =	sld [smem:$0x7FB];
	_ =	sdelay $0x2  }
0x81: {  	[spmem:s2] =	stream.linear.scatter @!p0 [tilespmem:s1], [sflag:$0x9], $0x2800, $0x38;
	[tilespmem:$0x1E0C0] =	vst v63  }
0x82: {  	s1 =	simm.s32 @!p0 $0x9  }
0x83: {  	_ =	swait.ge @!p0 [sflag:s1], $0x2800  }
0x84: {  	[sflag:s1] =	ssyncset.done @!p0 $0x0  }
0x85: {  	[sflag:s1] =	ssyncadd.s32 @!p0 $0xFFFFD800  }
0x86: {  	_ =	swait.ge @!p0 [sflag:s1], $0x2800  }
0x87: {  	[sflag:s1] =	ssyncset.done @!p0 $0x0  }
0x88: {  	[sflag:s1] =	ssyncadd.s32 @!p0 $0xFFFFD800  }
0x89: {  	_ =	swait.ge @!p0 [sflag:s1], $0x2800  }
0x8a: {  	[sflag:s1] =	ssyncset.done @!p0 $0x0  }
0x8b: {  	[sflag:s1] =	ssyncadd.s32 @!p0 $0xFFFFD800  }
0x8c: {  	_ =	swait.ge @!p0 [sflag:s1], $0x2800  }
0x8d: {  	[sflag:s1] =	ssyncset.done @!p0 $0x0  }
0x8e: {  	[sflag:s1] =	ssyncadd.s32 @!p0 $0xFFFFD800  }
0x8f: {  	_ =	swait.ge @!p0 [sflag:s1], $0x2800  }
0x90: {  	[sflag:s1] =	ssyncset.done @!p0 $0x0  }
0x91: {  	[sflag:s1] =	ssyncadd.s32 @!p0 $0xFFFFD800  }
0x92: {  	_ =	swait.ge @!p0 [sflag:s1], $0x2800  }
0x93: {  	[sflag:s1] =	ssyncset.done @!p0 $0x0  }
0x94: {  	[sflag:s1] =	ssyncadd.s32 @!p0 $0xFFFFD800  }
0x95: {  	_ =	swait.ge @!p0 [sflag:s1], $0x2800  }
0x96: {  	[sflag:s1] =	ssyncset.done @!p0 $0x0  }
0x97: {  	[sflag:s1] =	ssyncadd.s32 @!p0 $0xFFFFD800  }
0x98: {  	_ =	swait.ge @!p0 [sflag:s1], $0x2800  }
0x99: {  	[sflag:s1] =	ssyncset.done @!p0 $0x0  }
0x9a: {  	[sflag:s1] =	ssyncadd.s32 @!p0 $0xFFFFD800  }
0x9b: {  	[bflag:$0x0] =	sbarrier.arrive $0xFFFF  }
0x9c: {  	s2 =	simm.s32 $0x0;
	s23 =	rddreg [dreg:$0x9]  }
0x9d: {  	[tilespmem:s13], [sflag:$0x1] =	stream.linear.gather [hbm4b:s23+s2], $0xA0, $0x38;
	[tilespmem:$0x1E0C0] =	vst v63  }
0x9e: {  	s22 =	rddreg [dreg:$0xa];
	s23 =	simm.s32 $0x13CC0  }
0x9f: {  	[tilespmem:s23], [sflag:$0x2] =	stream.linear.gather [hbm4b:s22+s2], $0xA0, $0x38;
	[tilespmem:$0x1E0C0] =	vst v63  }
0xa0: {  	s23 =	rddreg [dreg:$0xb]  }
0xa1: {  	[tilespmem:s17], [sflag:$0x3] =	stream.linear.gather [hbm4b:s23+s2], $0x50, $0x38;
	[tilespmem:$0x1E0C0] =	vst v63  }
0xa2: {  	_ =	swait.ge [sflag:s18], $0xA0  }
0xa3: {  	[sflag:s18] =	ssyncset.done $0x0  }
0xa4: {  	[sflag:s18] =	ssyncadd.s32 $0xFFFFFF60  }
0xa5: {  	s22 =	rddreg [dreg:$0x0]  }
0xa6: {  	[tilespmem:s31], [sflag:$0x5] =	stream.indirect.gather [hbm4b:s22+s28], $0x80, s13, s28, $0xb8;
	[tilespmem:$0x1E0C0] =	vst v63  }
0xa7: {  	s23 =	simm.s32 $0x13C10  }
0xa8: {  	[tilespmem:s7], [sflag:$0x6] =	stream.indirect.gather [spmem:s4], $0x80, s23, s28, $0xb8;
	[tilespmem:$0x1E0C0] =	vst v63  }
.LBB2_4:
0xa9: {  	_ =	swait.ge [sflag:s25], $0x2800;
	p2 =	sne.s32 s2, $0x0  }
.Ltmp1:
0xaa: {  	[sflag:s25] =	ssyncset.done $0x0;
	(pc) =	sbr.rel @!p2 .LBB2_5-.Ltmp1, $4  }
0xab: {  	[sflag:s25] =	ssyncadd.s32 $0xFFFFD800  }
0xac: {  	_ =	swait.ge [sflag:s29], $0x2800  }
0xad: {  	[sflag:s29] =	ssyncset.done $0x0  }
0xae: {  	s1 =	sshll.u32 s2, $0x1;
	[sflag:s29] =	ssyncadd.s32 $0xFFFFD800  }
0xaf: {  	_ =	swait.ge [sflag:s20], $0x2800  }
0xb0: {  	s4 =	rddreg [dreg:$0x11]  }
0xb1: {  	[sflag:s20] =	ssyncset.done $0x0;
	s4 =	sadd.s32 s1, s4  }
0xb2: {  	[sflag:s20] =	ssyncadd.s32 $0xFFFFD800;
	s4 =	smul.u32 $0x14, s4  }
0xb3: {  	s22 =	rddreg [dreg:$0x2]  }
0xb4: {  	s23 =	smul.u32 $0xA0, s2;
	s4 =	sadd.s32 s22, s4;
	s22 =	simm.s32 $0x0  }
0xb5: {  	[tilespmem:s13], [sflag:$0x1] =	stream.linear.gather [hbm4b:s4+s22], $0xA0, $0x38;
	[tilespmem:$0x1E0C0] =	vst v63  }
0xb6: {  	s4 =	rddreg [dreg:$0xc]  }
0xb7: {  	s4 =	sadd.s32 s23, s4  }
0xb8: {  	s4 =	sshrl.u32 s4, $0x3  }
0xb9: {  	s4 =	sadd.s32 s8, s4  }
0xba: {  	[tilespmem:s26], [sflag:$0x4] =	stream.linear.gather [hbm4b:s4+s22], $0x50, $0x38;
	[tilespmem:$0x1E0C0] =	vst v63  }
0xbb: {  	_ =	swait.ge [sflag:s30], $0xA0  }
0xbc: {  	[sflag:s30] =	ssyncset.done $0x0  }
0xbd: {  	[sflag:s30] =	ssyncadd.s32 $0xFFFFFF60  }
0xbe: {  	s23 =	simm.s32 $0x13CC0;
	s22 =	rddreg [dreg:$0x0]  }
0xbf: {  	[tilespmem:s6], [sflag:$0x7] =	stream.indirect.gather [hbm4b:s22+s28], $0x80, s23, s28, $0xb8;
	[tilespmem:$0x1E0C0] =	vst v63  }
0xc0: {  	s4 =	rddreg [dreg:$0x4];
	s22 =	simm.s32 $0x13D10;
	s23 =	simm.s32 $0x1B8C0  }
0xc1: {  	[tilespmem:s23], [sflag:$0x8] =	stream.indirect.gather [spmem:s4], $0x80, s22, s28, $0xb8;
	[tilespmem:$0x1E0C0] =	vst v63  }
0xc2: {  	s4 =	simm.s32 $0x0  }
0xc3: {  	v9 =	vld [tilespmem:s4+$0x190C0]  }
0xc4: {  	v13 =	vld [tilespmem:s4+$0x190D0]  }
0xc5: {  	v7 =	vld [tilespmem:s4+$0x190E0]  }
0xc6: {  	v6 =	vld [tilespmem:s4+$0x190F0]  }
0xc7: {  	v5 =	vld [tilespmem:s4+$0x19100]  }
0xc8: {  	v4 =	vld [tilespmem:s4+$0x19110]  }
0xc9: {  	v3 =	vld [tilespmem:s4+$0x19120]  }
0xca: {  	v2 =	vld [tilespmem:s4+$0x19130]  }
0xcb: {  	v14 =	vld [tilespmem:s4+$0x140C0]  }
0xcc: {  	v15 =	vld [tilespmem:s4+$0x140D0]  }
0xcd: {  	v12 =	vld [tilespmem:s4+$0x140E0]  }
0xce: {  	v11 =	vld [tilespmem:s4+$0x140F0]  }
0xcf: {  	v10 =	vld [tilespmem:s4+$0x14100]  }
0xd0: {  	v8 =	vld [tilespmem:s4+$0x14110];
	v14 =	vmul.f32 v9, v14  }
0xd1: {  	s22 =	simm.s32 $0x200;
	v13 =	vmul.f32 v13, v15;
	v9 =	vld [tilespmem:s4+$0x14120]  }
.LBB2_9:
0xd2: {  	s23 =	sshra.s32 s22, $0x2;
	p2 =	sne.s32 s22, $0x9E00;
	[tilespmem:s4+$0x140C0] =	vst v14;
	v7 =	vmul.f32 v7, v12;
	v12 =	vld [tilespmem:s4+$0x14130]  }
0xd3: {  	v14 =	vld [tilespmem:s23+$0x190C0];
	[tilespmem:s4+$0x140D0] =	vst v13;
	v6 =	vmul.f32 v6, v11  }
0xd4: {  	v13 =	vld [tilespmem:s23+$0x190D0];
	[tilespmem:s4+$0x140E0] =	vst v7;
	v5 =	vmul.f32 v5, v10  }
0xd5: {  	v7 =	vld [tilespmem:s23+$0x190E0];
	[tilespmem:s4+$0x140F0] =	vst v6;
	v4 =	vmul.f32 v4, v8  }
0xd6: {  	v6 =	vld [tilespmem:s23+$0x190F0];
	[tilespmem:s4+$0x14100] =	vst v5;
	v3 =	vmul.f32 v3, v9  }
0xd7: {  	v5 =	vld [tilespmem:s23+$0x19100];
	[tilespmem:s4+$0x14110] =	vst v4;
	v2 =	vmul.f32 v2, v12  }
0xd8: {  	v4 =	vld [tilespmem:s23+$0x19110];
	[tilespmem:s4+$0x14120] =	vst v3  }
0xd9: {  	v3 =	vld [tilespmem:s23+$0x19120];
	[tilespmem:s4+$0x14130] =	vst v2;
	s4 =	smov.u32 s23  }
0xda: {  	v2 =	vld [tilespmem:s4+$0x19130]  }
0xdb: {  	v8 =	vld [tilespmem:s4+$0x140C0]  }
0xdc: {  	v9 =	vld [tilespmem:s4+$0x140D0]  }
.Ltmp2:
0xdd: {  	v12 =	vld [tilespmem:s4+$0x140E0];
	(pc) =	sbr.rel @p2 .LBB2_9-.Ltmp2, $4  }
0xde: {  	v11 =	vld [tilespmem:s4+$0x140F0]  }
0xdf: {  	v10 =	vld [tilespmem:s4+$0x14100]  }
0xe0: {  	v14 =	vmul.f32 v14, v8;
	v8 =	vld [tilespmem:s4+$0x14110]  }
0xe1: {  	s22 =	sadd.s32 $0x200, s22;
	v13 =	vmul.f32 v13, v9;
	v9 =	vld [tilespmem:s4+$0x14120]  }
0xe2: {  	[tilespmem:s4+$0x140C0] =	vst v14;
	v7 =	vmul.f32 v7, v12;
	v63 =	vld [tilespmem:s4+$0x14130]  }
0xe3: {  	[tilespmem:s4+$0x140D0] =	vst v13;
	v6 =	vmul.f32 v6, v11  }
0xe4: {  	[tilespmem:s4+$0x140E0] =	vst v7;
	v5 =	vmul.f32 v5, v10  }
.Ltmp3:
0xe5: {  	[tilespmem:s4+$0x140F0] =	vst v6;
	v4 =	vmul.f32 v4, v8;
	(pc) =	sbr.rel .LBB2_11-.Ltmp3, $4  }
0xe6: {  	[tilespmem:s4+$0x14100] =	vst v5;
	v3 =	vmul.f32 v3, v9  }
0xe7: {  	[tilespmem:s4+$0x14110] =	vst v4;
	v2 =	vmul.f32 v2, v63  }
0xe8: {  	[tilespmem:s4+$0x14120] =	vst v3  }
0xe9: {  	[tilespmem:s4+$0x14130] =	vst v2  }
.LBB2_5:
0xea: {  	s4 =	simm.s32 $0x0;
	s22 =	rddreg [dreg:$0x12]  }
0xeb: {  	[tilespmem:s13], [sflag:$0x1] =	stream.linear.gather [hbm4b:s22+s4], $0xA0, $0x38;
	[tilespmem:$0x1E0C0] =	vst v63  }
0xec: {  	s23 =	rddreg [dreg:$0x13]  }
0xed: {  	[tilespmem:s26], [sflag:$0x4] =	stream.linear.gather [hbm4b:s23+s4], $0x50, $0x38;
	[tilespmem:$0x1E0C0] =	vst v63  }
0xee: {  	_ =	swait.ge [sflag:s30], $0xA0  }
0xef: {  	[sflag:s30] =	ssyncset.done $0x0  }
0xf0: {  	[sflag:s30] =	ssyncadd.s32 $0xFFFFFF60  }
0xf1: {  	s23 =	simm.s32 $0x13CC0;
	s22 =	rddreg [dreg:$0x0]  }
0xf2: {  	[tilespmem:s6], [sflag:$0x7] =	stream.indirect.gather [hbm4b:s22+s28], $0x80, s23, s28, $0xb8;
	[tilespmem:$0x1E0C0] =	vst v63  }
0xf3: {  	s4 =	rddreg [dreg:$0x4];
	s22 =	simm.s32 $0x13D10;
	s23 =	simm.s32 $0x1B8C0  }
0xf4: {  	[tilespmem:s23], [sflag:$0x8] =	stream.indirect.gather [spmem:s4], $0x80, s22, s28, $0xb8;
	[tilespmem:$0x1E0C0] =	vst v63  }
0xf5: {  	s4 =	simm.s32 $0x0  }
0xf6: {  	v9 =	vld [tilespmem:s4+$0x190C0]  }
0xf7: {  	v13 =	vld [tilespmem:s4+$0x190D0]  }
0xf8: {  	v7 =	vld [tilespmem:s4+$0x190E0]  }
0xf9: {  	v6 =	vld [tilespmem:s4+$0x190F0]  }
0xfa: {  	v5 =	vld [tilespmem:s4+$0x19100]  }
0xfb: {  	v4 =	vld [tilespmem:s4+$0x19110]  }
0xfc: {  	v3 =	vld [tilespmem:s4+$0x19120]  }
0xfd: {  	v2 =	vld [tilespmem:s4+$0x19130]  }
0xfe: {  	v14 =	vld [tilespmem:s4+$0x140C0]  }
0xff: {  	v15 =	vld [tilespmem:s4+$0x140D0]  }
0x100: {  	v12 =	vld [tilespmem:s4+$0x140E0]  }
0x101: {  	v11 =	vld [tilespmem:s4+$0x140F0]  }
0x102: {  	v10 =	vld [tilespmem:s4+$0x14100]  }
0x103: {  	v8 =	vld [tilespmem:s4+$0x14110];
	v14 =	vmul.f32 v9, v14  }
0x104: {  	s22 =	simm.s32 $0x200;
	v13 =	vmul.f32 v13, v15;
	v9 =	vld [tilespmem:s4+$0x14120]  }
.LBB2_6:
0x105: {  	s23 =	sshra.s32 s22, $0x2;
	p2 =	seq.s32 s22, $0x9E00;
	[tilespmem:s4+$0x140C0] =	vst v14;
	v7 =	vmul.f32 v7, v12;
	v12 =	vld [tilespmem:s4+$0x14130]  }
0x106: {  	v14 =	vld [tilespmem:s23+$0x190C0];
	[tilespmem:s4+$0x140D0] =	vst v13;
	v6 =	vmul.f32 v6, v11  }
0x107: {  	v13 =	vld [tilespmem:s23+$0x190D0];
	[tilespmem:s4+$0x140E0] =	vst v7;
	v5 =	vmul.f32 v5, v10  }
0x108: {  	v7 =	vld [tilespmem:s23+$0x190E0];
	[tilespmem:s4+$0x140F0] =	vst v6;
	v4 =	vmul.f32 v4, v8  }
0x109: {  	v6 =	vld [tilespmem:s23+$0x190F0];
	[tilespmem:s4+$0x14100] =	vst v5;
	v3 =	vmul.f32 v3, v9  }
0x10a: {  	v5 =	vld [tilespmem:s23+$0x19100];
	[tilespmem:s4+$0x14110] =	vst v4;
	v2 =	vmul.f32 v2, v12  }
0x10b: {  	v4 =	vld [tilespmem:s23+$0x19110];
	[tilespmem:s4+$0x14120] =	vst v3  }
0x10c: {  	v3 =	vld [tilespmem:s23+$0x19120];
	[tilespmem:s4+$0x14130] =	vst v2;
	s4 =	smov.u32 s23  }
0x10d: {  	v2 =	vld [tilespmem:s4+$0x19130]  }
0x10e: {  	v8 =	vld [tilespmem:s4+$0x140C0]  }
0x10f: {  	v9 =	vld [tilespmem:s4+$0x140D0]  }
.Ltmp4:
0x110: {  	v12 =	vld [tilespmem:s4+$0x140E0];
	(pc) =	sbr.rel @!p2 .LBB2_6-.Ltmp4, $4  }
0x111: {  	v11 =	vld [tilespmem:s4+$0x140F0]  }
0x112: {  	v10 =	vld [tilespmem:s4+$0x14100]  }
0x113: {  	v14 =	vmul.f32 v14, v8;
	v8 =	vld [tilespmem:s4+$0x14110]  }
0x114: {  	s22 =	sadd.s32 $0x200, s22;
	v13 =	vmul.f32 v13, v9;
	v9 =	vld [tilespmem:s4+$0x14120]  }
0x115: {  	[tilespmem:s4+$0x140C0] =	vst v14;
	v7 =	vmul.f32 v7, v12;
	v63 =	vld [tilespmem:s4+$0x14130]  }
0x116: {  	[tilespmem:s4+$0x140D0] =	vst v13;
	v6 =	vmul.f32 v6, v11  }
0x117: {  	[tilespmem:s4+$0x140E0] =	vst v7;
	v5 =	vmul.f32 v5, v10  }
0x118: {  	[tilespmem:s4+$0x140F0] =	vst v6;
	v4 =	vmul.f32 v4, v8  }
0x119: {  	[tilespmem:s4+$0x14100] =	vst v5;
	v3 =	vmul.f32 v3, v9  }
0x11a: {  	[tilespmem:s4+$0x14110] =	vst v4;
	v2 =	vmul.f32 v2, v63  }
0x11b: {  	[tilespmem:s4+$0x14120] =	vst v3  }
0x11c: {  	[tilespmem:s4+$0x14130] =	vst v2  }
.LBB2_11:
0x11d: {  	_ =	swait.ge [sflag:s10], $0x50  }
0x11e: {  	[sflag:s10] =	ssyncset.done $0x0  }
0x11f: {  	[sflag:s10] =	ssyncadd.s32 $0xFFFFFFB0  }
0x120: {  	[spmem:s3] =	stream.indirect.scatter.add.f32 [tilespmem:s31], [sflag:$0x9], $0x80, s17, s28, $0xb8;
	[tilespmem:$0x1E0C0] =	vst v63  }
0x121: {  	_ =	swait.ge [sflag:s24], $0x2800  }
0x122: {  	[sflag:s24] =	ssyncset.done $0x0  }
0x123: {  	[sflag:s24] =	ssyncadd.s32 $0xFFFFD800  }
0x124: {  	_ =	swait.ge [sflag:s9], $0x2800  }
0x125: {  	[sflag:s9] =	ssyncset.done $0x0  }
0x126: {  	[sflag:s9] =	ssyncadd.s32 $0xFFFFD800  }
0x127: {  	p2 =	seq.s32 s2, $0x3D;
	s4 =	rddreg [dreg:$0x14];
	_ =	swait.ge [sflag:s20], $0x2800  }
0x128: {  	s1 =	sadd.s32 @!p2 s1, s4;
	[sflag:s20] =	ssyncset.done $0x0  }
0x129: {  	s1 =	smul.u32 @!p2 $0x14, s1;
	[sflag:s20] =	ssyncadd.s32 $0xFFFFD800  }
0x12a: {  	s23 =	smul.u32 $0xA0, s2;
	s4 =	rddreg [dreg:$0x2]  }
0x12b: {  	s22 =	simm.s32 @!p2 $0x13CC0;
	s1 =	sadd.s32 @!p2 s4, s1;
	s4 =	simm.s32 @!p2 $0x0  }
0x12c: {  	[tilespmem:s22], [sflag:$0x2] =	stream.linear.gather @!p2 [hbm4b:s1+s4], $0xA0, $0x38;
	[tilespmem:$0x1E0C0] =	vst v63  }
0x12d: {  	s22 =	rddreg [dreg:$0x15]  }
0x12e: {  	s1 =	sadd.s32 s23, s22  }
0x12f: {  	s1 =	sshrl.u32 s1, $0x3  }
0x130: {  	s23 =	simm.s32 $0x0;
	s1 =	sadd.s32 s8, s1  }
0x131: {  	[tilespmem:s17], [sflag:$0x3] =	stream.linear.gather [hbm4b:s1+s23], $0x50, $0x38;
	[tilespmem:$0x1E0C0] =	vst v63  }
0x132: {  	_ =	swait.ge [sflag:s18], $0xA0  }
0x133: {  	[sflag:s18] =	ssyncset.done $0x0  }
0x134: {  	[sflag:s18] =	ssyncadd.s32 $0xFFFFFF60  }
0x135: {  	s4 =	rddreg [dreg:$0x0]  }
0x136: {  	[tilespmem:s31], [sflag:$0x5] =	stream.indirect.gather [hbm4b:s4+s28], $0x80, s13, s28, $0xb8;
	[tilespmem:$0x1E0C0] =	vst v63  }
0x137: {  	s23 =	simm.s32 $0x13C10;
	s1 =	simm.s32 $0x0;
	s22 =	rddreg [dreg:$0x4]  }
0x138: {  	[tilespmem:s7], [sflag:$0x6] =	stream.indirect.gather [spmem:s22], $0x80, s23, s28, $0xb8;
	[tilespmem:$0x1E0C0] =	vst v63  }
0x139: {  	v9 =	vld [tilespmem:s1+$0x1B8C0]  }
0x13a: {  	v13 =	vld [tilespmem:s1+$0x1B8D0]  }
0x13b: {  	v7 =	vld [tilespmem:s1+$0x1B8E0]  }
0x13c: {  	v6 =	vld [tilespmem:s1+$0x1B8F0]  }
0x13d: {  	v5 =	vld [tilespmem:s1+$0x1B900]  }
0x13e: {  	v4 =	vld [tilespmem:s1+$0x1B910]  }
0x13f: {  	v3 =	vld [tilespmem:s1+$0x1B920]  }
0x140: {  	v2 =	vld [tilespmem:s1+$0x1B930]  }
0x141: {  	v14 =	vld [tilespmem:s1+$0x168C0]  }
0x142: {  	v15 =	vld [tilespmem:s1+$0x168D0]  }
0x143: {  	v12 =	vld [tilespmem:s1+$0x168E0]  }
0x144: {  	v11 =	vld [tilespmem:s1+$0x168F0]  }
0x145: {  	v10 =	vld [tilespmem:s1+$0x16900]  }
0x146: {  	v8 =	vld [tilespmem:s1+$0x16910];
	v14 =	vmul.f32 v9, v14  }
0x147: {  	s4 =	simm.s32 $0x200;
	v13 =	vmul.f32 v13, v15;
	v9 =	vld [tilespmem:s1+$0x16920]  }
.LBB2_12:
0x148: {  	s22 =	sshra.s32 s4, $0x2;
	p2 =	sne.s32 s4, $0x9E00;
	[tilespmem:s1+$0x168C0] =	vst v14;
	v7 =	vmul.f32 v7, v12;
	v12 =	vld [tilespmem:s1+$0x16930]  }
0x149: {  	v14 =	vld [tilespmem:s22+$0x1B8C0];
	[tilespmem:s1+$0x168D0] =	vst v13;
	v6 =	vmul.f32 v6, v11  }
0x14a: {  	v13 =	vld [tilespmem:s22+$0x1B8D0];
	[tilespmem:s1+$0x168E0] =	vst v7;
	v5 =	vmul.f32 v5, v10  }
0x14b: {  	v7 =	vld [tilespmem:s22+$0x1B8E0];
	[tilespmem:s1+$0x168F0] =	vst v6;
	v4 =	vmul.f32 v4, v8  }
0x14c: {  	v6 =	vld [tilespmem:s22+$0x1B8F0];
	[tilespmem:s1+$0x16900] =	vst v5;
	v3 =	vmul.f32 v3, v9  }
0x14d: {  	v5 =	vld [tilespmem:s22+$0x1B900];
	[tilespmem:s1+$0x16910] =	vst v4;
	v2 =	vmul.f32 v2, v12  }
0x14e: {  	v4 =	vld [tilespmem:s22+$0x1B910];
	[tilespmem:s1+$0x16920] =	vst v3  }
0x14f: {  	v3 =	vld [tilespmem:s22+$0x1B920];
	[tilespmem:s1+$0x16930] =	vst v2;
	s1 =	smov.u32 s22  }
0x150: {  	v2 =	vld [tilespmem:s1+$0x1B930]  }
0x151: {  	v8 =	vld [tilespmem:s1+$0x168C0]  }
0x152: {  	v9 =	vld [tilespmem:s1+$0x168D0]  }
.Ltmp5:
0x153: {  	v12 =	vld [tilespmem:s1+$0x168E0];
	(pc) =	sbr.rel @p2 .LBB2_12-.Ltmp5, $4  }
0x154: {  	v11 =	vld [tilespmem:s1+$0x168F0]  }
0x155: {  	v10 =	vld [tilespmem:s1+$0x16900]  }
0x156: {  	v14 =	vmul.f32 v14, v8;
	v8 =	vld [tilespmem:s1+$0x16910]  }
0x157: {  	s4 =	sadd.s32 $0x200, s4;
	v13 =	vmul.f32 v13, v9;
	v9 =	vld [tilespmem:s1+$0x16920]  }
0x158: {  	[tilespmem:s1+$0x168C0] =	vst v14;
	v7 =	vmul.f32 v7, v12;
	v63 =	vld [tilespmem:s1+$0x16930]  }
0x159: {  	[tilespmem:s1+$0x168D0] =	vst v13;
	v6 =	vmul.f32 v6, v11  }
0x15a: {  	[tilespmem:s1+$0x168E0] =	vst v7;
	v5 =	vmul.f32 v5, v10  }
0x15b: {  	[tilespmem:s1+$0x168F0] =	vst v6;
	v4 =	vmul.f32 v4, v8  }
0x15c: {  	[tilespmem:s1+$0x16900] =	vst v5;
	v3 =	vmul.f32 v3, v9  }
0x15d: {  	s2 =	sadd.s32 $0x1, s2;
	[tilespmem:s1+$0x16910] =	vst v4;
	v2 =	vmul.f32 v2, v63  }
0x15e: {  	p2 =	sne.s32 s2, $0x3E;
	[tilespmem:s1+$0x16920] =	vst v3  }
.Ltmp6:
0x15f: {  	[tilespmem:s1+$0x16930] =	vst v2;
	(pc) =	sbr.rel @p2 .LBB2_4-.Ltmp6, $4  }
0x160: {  	_ =	swait.ge [sflag:s21], $0x50  }
0x161: {  	[sflag:s21] =	ssyncset.done $0x0  }
0x162: {  	[sflag:s21] =	ssyncadd.s32 $0xFFFFFFB0  }
0x163: {  	[spmem:s3] =	stream.indirect.scatter.add.f32 [tilespmem:s6], [sflag:$0x9], $0x80, s26, s28, $0xb8;
	[tilespmem:$0x1E0C0] =	vst v63  }
0x164: {  	_ =	swait.ge [sflag:s25], $0x2800  }
0x165: {  	[sflag:s25] =	ssyncset.done $0x0  }
0x166: {  	[sflag:s25] =	ssyncadd.s32 $0xFFFFD800  }
0x167: {  	_ =	swait.ge [sflag:s29], $0x2800  }
0x168: {  	[sflag:s29] =	ssyncset.done $0x0  }
0x169: {  	[sflag:s29] =	ssyncadd.s32 $0xFFFFD800  }
0x16a: {  	_ =	swait.ge [sflag:s20], $0x2800  }
0x16b: {  	[sflag:s20] =	ssyncset.done $0x0  }
0x16c: {  	s1 =	simm.s32 $0x0;
	[sflag:s20] =	ssyncadd.s32 $0xFFFFD800  }
0x16d: {  	v9 =	vld [tilespmem:s1+$0x190C0]  }
0x16e: {  	v13 =	vld [tilespmem:s1+$0x190D0]  }
0x16f: {  	v7 =	vld [tilespmem:s1+$0x190E0]  }
0x170: {  	v6 =	vld [tilespmem:s1+$0x190F0]  }
0x171: {  	v5 =	vld [tilespmem:s1+$0x19100]  }
0x172: {  	v4 =	vld [tilespmem:s1+$0x19110]  }
0x173: {  	v3 =	vld [tilespmem:s1+$0x19120]  }
0x174: {  	v2 =	vld [tilespmem:s1+$0x19130]  }
0x175: {  	v14 =	vld [tilespmem:s1+$0x140C0]  }
0x176: {  	v15 =	vld [tilespmem:s1+$0x140D0]  }
0x177: {  	v12 =	vld [tilespmem:s1+$0x140E0]  }
0x178: {  	v11 =	vld [tilespmem:s1+$0x140F0]  }
0x179: {  	v10 =	vld [tilespmem:s1+$0x14100]  }
0x17a: {  	v8 =	vld [tilespmem:s1+$0x14110];
	v14 =	vmul.f32 v9, v14  }
0x17b: {  	s2 =	simm.s32 $0x200;
	v13 =	vmul.f32 v13, v15;
	v9 =	vld [tilespmem:s1+$0x14120]  }
.LBB2_15:
0x17c: {  	s4 =	sshra.s32 s2, $0x2;
	p2 =	sne.s32 s2, $0x9E00;
	[tilespmem:s1+$0x140C0] =	vst v14;
	v7 =	vmul.f32 v7, v12;
	v12 =	vld [tilespmem:s1+$0x14130]  }
0x17d: {  	v14 =	vld [tilespmem:s4+$0x190C0];
	[tilespmem:s1+$0x140D0] =	vst v13;
	v6 =	vmul.f32 v6, v11  }
0x17e: {  	v13 =	vld [tilespmem:s4+$0x190D0];
	[tilespmem:s1+$0x140E0] =	vst v7;
	v5 =	vmul.f32 v5, v10  }
0x17f: {  	v7 =	vld [tilespmem:s4+$0x190E0];
	[tilespmem:s1+$0x140F0] =	vst v6;
	v4 =	vmul.f32 v4, v8  }
0x180: {  	v6 =	vld [tilespmem:s4+$0x190F0];
	[tilespmem:s1+$0x14100] =	vst v5;
	v3 =	vmul.f32 v3, v9  }
0x181: {  	v5 =	vld [tilespmem:s4+$0x19100];
	[tilespmem:s1+$0x14110] =	vst v4;
	v2 =	vmul.f32 v2, v12  }
0x182: {  	v4 =	vld [tilespmem:s4+$0x19110];
	[tilespmem:s1+$0x14120] =	vst v3  }
0x183: {  	v3 =	vld [tilespmem:s4+$0x19120];
	[tilespmem:s1+$0x14130] =	vst v2;
	s1 =	smov.u32 s4  }
0x184: {  	v2 =	vld [tilespmem:s1+$0x19130]  }
0x185: {  	v8 =	vld [tilespmem:s1+$0x140C0]  }
0x186: {  	v9 =	vld [tilespmem:s1+$0x140D0]  }
.Ltmp7:
0x187: {  	v12 =	vld [tilespmem:s1+$0x140E0];
	(pc) =	sbr.rel @p2 .LBB2_15-.Ltmp7, $4  }
0x188: {  	v11 =	vld [tilespmem:s1+$0x140F0]  }
0x189: {  	v10 =	vld [tilespmem:s1+$0x14100]  }
0x18a: {  	v14 =	vmul.f32 v14, v8;
	v8 =	vld [tilespmem:s1+$0x14110]  }
0x18b: {  	s2 =	sadd.s32 $0x200, s2;
	v13 =	vmul.f32 v13, v9;
	v9 =	vld [tilespmem:s1+$0x14120]  }
0x18c: {  	[tilespmem:s1+$0x140C0] =	vst v14;
	v7 =	vmul.f32 v7, v12;
	v63 =	vld [tilespmem:s1+$0x14130]  }
0x18d: {  	[tilespmem:s1+$0x140D0] =	vst v13;
	v6 =	vmul.f32 v6, v11  }
0x18e: {  	[tilespmem:s1+$0x140E0] =	vst v7;
	v5 =	vmul.f32 v5, v10  }
0x18f: {  	[tilespmem:s1+$0x140F0] =	vst v6;
	v4 =	vmul.f32 v4, v8  }
0x190: {  	[tilespmem:s1+$0x14100] =	vst v5;
	v3 =	vmul.f32 v3, v9  }
0x191: {  	[tilespmem:s1+$0x14110] =	vst v4;
	v2 =	vmul.f32 v2, v63  }
0x192: {  	[tilespmem:s1+$0x14120] =	vst v3  }
0x193: {  	[tilespmem:s1+$0x14130] =	vst v2  }
0x194: {  	_ =	swait.ge [sflag:s10], $0x50  }
0x195: {  	[sflag:s10] =	ssyncset.done $0x0  }
0x196: {  	[sflag:s10] =	ssyncadd.s32 $0xFFFFFFB0  }
0x197: {  	[spmem:s3] =	stream.indirect.scatter.add.f32 [tilespmem:s31], [sflag:$0x9], $0x80, s17, s28, $0xb8;
	[tilespmem:$0x1E0C0] =	vst v63  }
0x198: {  	_ =	swait.ge [sflag:s20], $0x2800  }
0x199: {  	[sflag:s20] =	ssyncset.done $0x0  }
0x19a: {  	s1 =	stileid.u32;
	[sflag:s20] =	ssyncadd.s32 $0xFFFFD800  }
0x19b: {  	s1 =	sshll.u32 @p0 s1, $0x6;
	[bflag:$0x0] =	sbarrier.arrive $0xFFFF  }
0x19c: {  	s4 =	sor.u32 @p0 $0x1C0A, s1;
	s1 =	rddreg [dreg:$0x7]  }
0x19d: {  	[smem:$0x7EE] =	sst s4  }
0x19e: {  	s2 =	sshrl.u32 @p0 s1, $0x3;
	s1 =	rddreg [dreg:$0xd]  }
0x19f: {  	[hbm:s1], [sflag:s4] =	dma.local @p0 [spmem:s2], $0x2700  }
0x1a0: {  	s1 =	simm.s32 @p0 $0xA  }
0x1a1: {  	_ =	swait.ge @p0 [sflag:s1], $0x2700  }
0x1a2: {  	[sflag:s1] =	ssyncset.done @p0 $0x0  }
0x1a3: {  	[sflag:s1] =	ssyncadd.s32 @p0 $0xFFFFD900;
	s1 =	rddreg [dreg:$0x16]  }
0x1a4: {  	s22 =	sshrl.u32 @!p0 s1, $0x3;
	s1 =	rddreg [dreg:$0xe]  }
0x1a5: {  	s4 =	simm.s32 @!p0 $0x1FCA;
	[smem:$0x7EF] =	sst s22  }
0x1a6: {  	[hbm:s1], [sflag:s4] =	dma.local @!p0 [spmem:s22], $0x2800  }
0x1a7: {  	s4 =	simm.s32 @!p0 $0xA  }
0x1a8: {  	_ =	swait.ge @!p0 [sflag:s4], $0x2800  }
0x1a9: {  	[sflag:s4] =	ssyncset.done @!p0 $0x0  }
0x1aa: {  	s22 =	simm.s32 $0x200;
	[sflag:s4] =	ssyncadd.s32 @!p0 $0xFFFFD800;
	s4 =	simm.s32 $0x0  }
.LBB2_17:
0x1ab: {  	p2 =	sne.s32 s22, $0x9E00;
	[tilespmem:s4+$0x19130] =	vst v1  }
0x1ac: {  	[tilespmem:s4+$0x140C0] =	vst v0  }
0x1ad: {  	[tilespmem:s4+$0x190C0] =	vst v1  }
0x1ae: {  	[tilespmem:s4+$0x140D0] =	vst v0  }
0x1af: {  	[tilespmem:s4+$0x190D0] =	vst v1  }
0x1b0: {  	[tilespmem:s4+$0x140E0] =	vst v0  }
0x1b1: {  	[tilespmem:s4+$0x190E0] =	vst v1  }
0x1b2: {  	[tilespmem:s4+$0x140F0] =	vst v0  }
0x1b3: {  	[tilespmem:s4+$0x190F0] =	vst v1  }
0x1b4: {  	[tilespmem:s4+$0x14100] =	vst v0  }
0x1b5: {  	[tilespmem:s4+$0x19100] =	vst v1  }
.Ltmp8:
0x1b6: {  	[tilespmem:s4+$0x14110] =	vst v0;
	(pc) =	sbr.rel @p2 .LBB2_17-.Ltmp8, $4  }
0x1b7: {  	[tilespmem:s4+$0x19110] =	vst v1  }
0x1b8: {  	[tilespmem:s4+$0x14120] =	vst v0  }
0x1b9: {  	[tilespmem:s4+$0x19120] =	vst v1  }
0x1ba: {  	[tilespmem:s4+$0x14130] =	vst v0;
	s4 =	sshra.s32 s22, $0x2;
	s22 =	sadd.s32 $0x200, s22  }
0x1bb: {  	[tilespmem:s4+$0x19130] =	vst v1  }
0x1bc: {  	[tilespmem:s4+$0x140C0] =	vst v0  }
0x1bd: {  	[tilespmem:s4+$0x190C0] =	vst v1  }
0x1be: {  	[tilespmem:s4+$0x140D0] =	vst v0  }
0x1bf: {  	[tilespmem:s4+$0x190D0] =	vst v1  }
0x1c0: {  	[tilespmem:s4+$0x140E0] =	vst v0  }
0x1c1: {  	[tilespmem:s4+$0x190E0] =	vst v1  }
0x1c2: {  	[tilespmem:s4+$0x140F0] =	vst v0  }
0x1c3: {  	[tilespmem:s4+$0x190F0] =	vst v1  }
0x1c4: {  	[tilespmem:s4+$0x14100] =	vst v0  }
0x1c5: {  	[tilespmem:s4+$0x19100] =	vst v1  }
0x1c6: {  	[tilespmem:s4+$0x14110] =	vst v0  }
0x1c7: {  	[tilespmem:s4+$0x19110] =	vst v1  }
0x1c8: {  	[tilespmem:s4+$0x14120] =	vst v0  }
0x1c9: {  	[tilespmem:s4+$0x19120] =	vst v1;
	s1 =	rddreg [dreg:$0x17]  }
0x1ca: {  	[tilespmem:s4+$0x14130] =	vst v0;
	s22 =	rddreg [dreg:$0x1a]  }
0x1cb: {  	[spmem:s1] =	stream.linear.scatter [tilespmem:s31], [sflag:$0x9], $0x2800, $0x38;
	[tilespmem:$0x1E0C0] =	vst v63  }
0x1cc: {  	s23 =	rddreg [dreg:$0x1d]  }
0x1cd: {  	[spmem:s22] =	stream.linear.scatter [tilespmem:s31], [sflag:$0x9], $0x2800, $0x38;
	[tilespmem:$0x1E0C0] =	vst v63  }
0x1ce: {  	s4 =	sld [smem:$0x7F1]  }
0x1cf: {  	[spmem:s23] =	stream.linear.scatter [tilespmem:s31], [sflag:$0x9], $0x2800, $0x38;
	[tilespmem:$0x1E0C0] =	vst v63  }
0x1d0: {  	s22 =	sld [smem:$0x7F3]  }
0x1d1: {  	[spmem:s4] =	stream.linear.scatter [tilespmem:s31], [sflag:$0x9], $0x2800, $0x38;
	[tilespmem:$0x1E0C0] =	vst v63  }
0x1d2: {  	s23 =	sld [smem:$0x7F6]  }
0x1d3: {  	[spmem:s22] =	stream.linear.scatter [tilespmem:s31], [sflag:$0x9], $0x2800, $0x38;
	[tilespmem:$0x1E0C0] =	vst v63  }
0x1d4: {  	s4 =	sld [smem:$0x7F9]  }
0x1d5: {  	[spmem:s23] =	stream.linear.scatter [tilespmem:s31], [sflag:$0x9], $0x2800, $0x38;
	[tilespmem:$0x1E0C0] =	vst v63  }
0x1d6: {  	s22 =	sld [smem:$0x7FC]  }
0x1d7: {  	[spmem:s4] =	stream.linear.scatter [tilespmem:s31], [sflag:$0x9], $0x2800, $0x38;
	[tilespmem:$0x1E0C0] =	vst v63  }
0x1d8: {  	_ = 	snop  }
0x1d9: {  	[spmem:s22] =	stream.linear.scatter [tilespmem:s31], [sflag:$0x9], $0x2800, $0x38;
	[tilespmem:$0x1E0C0] =	vst v63  }
0x1da: {  	_ =	swait.ge [sflag:s20], $0x2800  }
0x1db: {  	[sflag:s20] =	ssyncset.done $0x0  }
0x1dc: {  	[sflag:s20] =	ssyncadd.s32 $0xFFFFD800  }
0x1dd: {  	_ =	swait.ge [sflag:s20], $0x2800  }
0x1de: {  	[sflag:s20] =	ssyncset.done $0x0  }
0x1df: {  	[sflag:s20] =	ssyncadd.s32 $0xFFFFD800  }
0x1e0: {  	_ =	swait.ge [sflag:s20], $0x2800  }
0x1e1: {  	[sflag:s20] =	ssyncset.done $0x0  }
0x1e2: {  	[sflag:s20] =	ssyncadd.s32 $0xFFFFD800  }
0x1e3: {  	_ =	swait.ge [sflag:s20], $0x2800  }
0x1e4: {  	[sflag:s20] =	ssyncset.done $0x0  }
0x1e5: {  	[sflag:s20] =	ssyncadd.s32 $0xFFFFD800  }
0x1e6: {  	_ =	swait.ge [sflag:s20], $0x2800  }
0x1e7: {  	[sflag:s20] =	ssyncset.done $0x0  }
0x1e8: {  	[sflag:s20] =	ssyncadd.s32 $0xFFFFD800  }
0x1e9: {  	_ =	swait.ge [sflag:s20], $0x2800  }
0x1ea: {  	[sflag:s20] =	ssyncset.done $0x0  }
0x1eb: {  	[sflag:s20] =	ssyncadd.s32 $0xFFFFD800  }
0x1ec: {  	_ =	swait.ge [sflag:s20], $0x2800  }
0x1ed: {  	[sflag:s20] =	ssyncset.done $0x0  }
0x1ee: {  	[sflag:s20] =	ssyncadd.s32 $0xFFFFD800  }
0x1ef: {  	_ =	swait.ge [sflag:s20], $0x2800  }
0x1f0: {  	[sflag:s20] =	ssyncset.done $0x0  }
0x1f1: {  	[sflag:s20] =	ssyncadd.s32 $0xFFFFD800  }
0x1f2: {  	s23 =	sadd.s32 $0x0, s11;
	[bflag:$0x0] =	sbarrier.arrive $0xFFFF  }
0x1f3: {  	[tilespmem:s12], [sflag:$0xA] =	stream.linear.gather [hbm4b:s23+s5], $0x190, $0x38;
	[tilespmem:$0x1E0C0] =	vst v63  }
0x1f4: {  	_ =	swait.ge [sflag:s16], $0x190  }
0x1f5: {  	[sflag:s16] =	ssyncset.done $0x0  }
0x1f6: {  	[sflag:s16] =	ssyncadd.s32 $0xFFFFFE70  }
0x1f7: {  	[spmem:s3] =	stream.indirect.scatter.add.f32 [tilespmem:s7], [sflag:$0x9], $0x80, s12, s28, $0xb8;
	[tilespmem:$0x1E0C0] =	vst v63  }
0x1f8: {  	_ = 	snop  }
0x1f9: {  	[spmem:s3] =	stream.indirect.scatter.add.f32 [tilespmem:s7], [sflag:$0x9], $0x80, s15, s28, $0xb8;
	[tilespmem:$0x1E0C0] =	vst v63  }
0x1fa: {  	_ = 	snop  }
0x1fb: {  	[spmem:s3] =	stream.indirect.scatter.add.f32 [tilespmem:s7], [sflag:$0x9], $0x80, s0, s28, $0xb8;
	[tilespmem:$0x1E0C0] =	vst v63  }
0x1fc: {  	_ = 	snop  }
0x1fd: {  	[spmem:s3] =	stream.indirect.scatter.add.f32 [tilespmem:s7], [sflag:$0x9], $0x80, s14, s28, $0xb8;
	[tilespmem:$0x1E0C0] =	vst v63  }
0x1fe: {  	_ = 	snop  }
0x1ff: {  	[spmem:s3] =	stream.indirect.scatter.add.f32 [tilespmem:s7], [sflag:$0x9], $0x80, s19, s28, $0xb8;
	[tilespmem:$0x1E0C0] =	vst v63  }
0x200: {  	_ =	swait.ge [sflag:s20], $0x2800  }
0x201: {  	[sflag:s20] =	ssyncset.done $0x0  }
0x202: {  	[sflag:s20] =	ssyncadd.s32 $0xFFFFD800  }
0x203: {  	_ =	swait.ge [sflag:s20], $0x2800  }
0x204: {  	[sflag:s20] =	ssyncset.done $0x0  }
0x205: {  	[sflag:s20] =	ssyncadd.s32 $0xFFFFD800  }
0x206: {  	_ =	swait.ge [sflag:s20], $0x2800  }
0x207: {  	[sflag:s20] =	ssyncset.done $0x0  }
0x208: {  	[sflag:s20] =	ssyncadd.s32 $0xFFFFD800  }
0x209: {  	_ =	swait.ge [sflag:s20], $0x2800  }
0x20a: {  	[sflag:s20] =	ssyncset.done $0x0  }
0x20b: {  	[sflag:s20] =	ssyncadd.s32 $0xFFFFD800  }
0x20c: {  	_ =	swait.ge [sflag:s20], $0x2800  }
0x20d: {  	s4 =	simm.s32 $0x32;
	s22 =	simm.s32 $0x64;
	[sflag:s20] =	ssyncset.done $0x0  }
.LBB2_19:
0x20e: {  	s23 =	sadd.s32 s4, s11  }
0x20f: {  	[sflag:s20] =	ssyncadd.s32 $0xFFFFD800;
	s4 =	smov.u32 s22;
	s1 =	sadd.s32 $0x32, s22  }
0x210: {  	[tilespmem:s12], [sflag:$0xA] =	stream.linear.gather [hbm4b:s23+s5], $0x190, $0x38;
	[tilespmem:$0x1E0C0] =	vst v63  }
0x211: {  	p2 =	sne.s32 s22, $0x4B0;
	_ =	swait.ge [sflag:s16], $0x190  }
0x212: {  	[sflag:s16] =	ssyncset.done $0x0  }
0x213: {  	[sflag:s16] =	ssyncadd.s32 $0xFFFFFE70  }
0x214: {  	[spmem:s3] =	stream.indirect.scatter.add.f32 [tilespmem:s7], [sflag:$0x9], $0x80, s12, s28, $0xb8;
	[tilespmem:$0x1E0C0] =	vst v63  }
0x215: {  	_ = 	snop  }
0x216: {  	[spmem:s3] =	stream.indirect.scatter.add.f32 [tilespmem:s7], [sflag:$0x9], $0x80, s15, s28, $0xb8;
	[tilespmem:$0x1E0C0] =	vst v63  }
0x217: {  	_ = 	snop  }
0x218: {  	[spmem:s3] =	stream.indirect.scatter.add.f32 [tilespmem:s7], [sflag:$0x9], $0x80, s0, s28, $0xb8;
	[tilespmem:$0x1E0C0] =	vst v63  }
0x219: {  	_ = 	snop  }
0x21a: {  	[spmem:s3] =	stream.indirect.scatter.add.f32 [tilespmem:s7], [sflag:$0x9], $0x80, s14, s28, $0xb8;
	[tilespmem:$0x1E0C0] =	vst v63  }
0x21b: {  	_ = 	snop  }
0x21c: {  	[spmem:s3] =	stream.indirect.scatter.add.f32 [tilespmem:s7], [sflag:$0x9], $0x80, s19, s28, $0xb8;
	[tilespmem:$0x1E0C0] =	vst v63  }
0x21d: {  	_ =	swait.ge [sflag:s20], $0x2800  }
0x21e: {  	[sflag:s20] =	ssyncset.done $0x0  }
0x21f: {  	[sflag:s20] =	ssyncadd.s32 $0xFFFFD800  }
0x220: {  	_ =	swait.ge [sflag:s20], $0x2800  }
0x221: {  	[sflag:s20] =	ssyncset.done $0x0  }
0x222: {  	[sflag:s20] =	ssyncadd.s32 $0xFFFFD800  }
0x223: {  	_ =	swait.ge [sflag:s20], $0x2800  }
0x224: {  	[sflag:s20] =	ssyncset.done $0x0  }
0x225: {  	[sflag:s20] =	ssyncadd.s32 $0xFFFFD800  }
.Ltmp9:
0x226: {  	_ =	swait.ge [sflag:s20], $0x2800;
	(pc) =	sbr.rel @p2 .LBB2_19-.Ltmp9, $4  }
0x227: {  	[sflag:s20] =	ssyncset.done $0x0  }
0x228: {  	[sflag:s20] =	ssyncadd.s32 $0xFFFFD800  }
0x229: {  	_ =	swait.ge [sflag:s20], $0x2800  }
0x22a: {  	s22 =	smov.u32 s1;
	[sflag:s20] =	ssyncset.done $0x0  }
0x22b: {  	s1 =	sadd.s32 s4, s11;
	[sflag:s20] =	ssyncadd.s32 $0xFFFFD800  }
0x22c: {  	[tilespmem:s12], [sflag:$0xA] =	stream.linear.gather [hbm4b:s1+s5], $0x190, $0x38;
	[tilespmem:$0x1E0C0] =	vst v63  }
0x22d: {  	_ =	swait.ge [sflag:s16], $0x190  }
0x22e: {  	[sflag:s16] =	ssyncset.done $0x0  }
0x22f: {  	[sflag:s16] =	ssyncadd.s32 $0xFFFFFE70  }
0x230: {  	[spmem:s3] =	stream.indirect.scatter.add.f32 [tilespmem:s7], [sflag:$0x9], $0x80, s12, s28, $0xb8;
	[tilespmem:$0x1E0C0] =	vst v63  }
0x231: {  	_ = 	snop  }
0x232: {  	[spmem:s3] =	stream.indirect.scatter.add.f32 [tilespmem:s7], [sflag:$0x9], $0x80, s15, s28, $0xb8;
	[tilespmem:$0x1E0C0] =	vst v63  }
0x233: {  	_ = 	snop  }
0x234: {  	[spmem:s3] =	stream.indirect.scatter.add.f32 [tilespmem:s7], [sflag:$0x9], $0x80, s0, s28, $0xb8;
	[tilespmem:$0x1E0C0] =	vst v63  }
0x235: {  	_ = 	snop  }
0x236: {  	[spmem:s3] =	stream.indirect.scatter.add.f32 [tilespmem:s7], [sflag:$0x9], $0x80, s14, s28, $0xb8;
	[tilespmem:$0x1E0C0] =	vst v63  }
0x237: {  	_ = 	snop  }
0x238: {  	[spmem:s3] =	stream.indirect.scatter.add.f32 [tilespmem:s7], [sflag:$0x9], $0x80, s19, s28, $0xb8;
	[tilespmem:$0x1E0C0] =	vst v63  }
0x239: {  	_ =	swait.ge [sflag:s20], $0x2800  }
0x23a: {  	[sflag:s20] =	ssyncset.done $0x0  }
0x23b: {  	[sflag:s20] =	ssyncadd.s32 $0xFFFFD800  }
0x23c: {  	_ =	swait.ge [sflag:s20], $0x2800  }
0x23d: {  	[sflag:s20] =	ssyncset.done $0x0  }
0x23e: {  	[sflag:s20] =	ssyncadd.s32 $0xFFFFD800  }
0x23f: {  	_ =	swait.ge [sflag:s20], $0x2800  }
0x240: {  	[sflag:s20] =	ssyncset.done $0x0  }
0x241: {  	[sflag:s20] =	ssyncadd.s32 $0xFFFFD800  }
0x242: {  	_ =	swait.ge [sflag:s20], $0x2800  }
0x243: {  	[sflag:s20] =	ssyncset.done $0x0  }
0x244: {  	[sflag:s20] =	ssyncadd.s32 $0xFFFFD800  }
0x245: {  	_ =	swait.ge [sflag:s20], $0x2800  }
0x246: {  	[sflag:s20] =	ssyncset.done $0x0  }
0x247: {  	[sflag:s20] =	ssyncadd.s32 $0xFFFFD800  }
0x248: {  	[bflag:$0x0] =	sbarrier.arrive $0xFFFF  }
0x249: {  	s4 =	sld [smem:$0x7EE];
	_ =	sdelay $0x1  }
0x24a: {  	s1 =	rddreg [dreg:$0xf]  }
0x24b: {  	[hbm:s1], [sflag:s4] =	dma.local @p0 [spmem:s2], $0x2700  }
0x24c: {  	s1 =	simm.s32 @p0 $0xA  }
0x24d: {  	_ =	swait.ge @p0 [sflag:s1], $0x2700  }
0x24e: {  	s4 =	sld [smem:$0x7EF]  }
0x24f: {  	[sflag:s1] =	ssyncset.done @p0 $0x0  }
0x250: {  	s2 =	rddreg [dreg:$0x10];
	[sflag:s1] =	ssyncadd.s32 @p0 $0xFFFFD900;
	s1 =	simm.s32 @!p0 $0x1FCA  }
0x251: {  	[hbm:s2], [sflag:s1] =	dma.local @!p0 [spmem:s4], $0x2800  }
0x252: {  	s1 =	simm.s32 @!p0 $0xA  }
0x253: {  	_ =	swait.ge @!p0 [sflag:s1], $0x2800  }
0x254: {  	s22 =	sld [smem:$0x7F0]  }
0x255: {  	s23 =	sld [smem:$0x7FD];
	_ =	sdelay $0x1  }
0x256: {  	s4 =	sadd.s32 $0x1, s22  }
0x257: {  	p2 =	sne.s32 s4, s23  }
.Ltmp10:
0x258: {  	_ = 	snop;
	(pc) =	sbr.rel @p2 .LBB2_1-.Ltmp10, $3  }
0x259: {  	_ =	sdelay $0x1  }
0x25a: {  	[sflag:s1] =	ssyncset.done @!p0 $0x0  }
0x25b: {  	[sflag:s1] =	ssyncadd.s32 @!p0 $0xFFFFD800  }
0x25c: {  	_ =	sfence.sel $0x180000  }
0x25d: {  	[bflag:$0x0] =	sbarrier.arrive $0xFFFF  }
0x25e: {  	_ =	strace $0x90000047  }
0x25f: {  	s0 =	stileid.u32;
	[bflag:$0x2] =	sbarrier.arrive $0xFFFF  }
0x260: {  	p0 =	sne.s32 s0, $0x0;
	s0 =	rddreg [dreg:$0x5]  }
0x261: {  	s0 =	sadd.s32 @!p0 $0x100000, s0  }
0x262: {  	[sflag:s0] =	ssyncadd.tile.s32 @!p0 $0x1;
	_ =	shalt  }
.Lfunc_end2:
_tile_overlayer_lowered:
.L_overlay_start_2:
0x263: {  	(tag) =	ssettag $0x2  }
0x264: {  	s0 =	rddreg [dreg:$0x0];
	s2 =	stileid.u32  }
0x265: {  	s1 =	rddreg [dreg:$0x1];
	p0 =	sne.s32 s2, $0x0  }
0x266: {  	s3 =	rddreg [dreg:$0x2];
	[bflag:$0x3] =	sbarrier.arrive $0xFFFF;
	s2 =	simm.s32 @!p0 $0x1C0A  }
0x267: {  	[timem:s3], [sflag:s2] =	dma.local @!p0 [hbm:s0], s1  }
0x268: {  	s0 =	simm.s32 @!p0 $0xA  }
0x269: {  	_ =	swait.ge @!p0 [sflag:s0], s1  }
0x26a: {  	s1 =	ssub.s32 @!p0 $0x0, s1;
	[sflag:s0] =	ssyncset.done @!p0 $0x0  }
0x26b: {  	[sflag:s0] =	ssyncadd.s32 @!p0 s1  }
0x26c: {  	[bflag:$0x3] =	sbarrier.arrive $0xFFFF  }
0x26d: {  	_ =	shalt  }

</sc_bundles>
